<compile_context>
chip_gen: v7x
topology: tpu7x:2x2x1
jax: 0.10.2.dev20260603
libtpu: 0.0.44.dev20260713+nightly
codegen_flags: <defaults>
</compile_context>

<pallas_src>
import functools

import jax
import jax.numpy as jnp
from jax import lax
from jax.experimental import pallas as pl
from jax.experimental.pallas import tpu as pltpu
from jax.experimental.pallas import tpu_sc as plsc

N = 10000
NPAD = 10240
E = 320000
CHUNK = 128
EPAD = 327680
D = 128
NC, NS = 2, 16
NCHUNKS = EPAD // CHUNK
REAL_CHUNKS = E // CHUNK
CH_W = NCHUNKS // (NC * NS)
CH_A = NCHUNKS // NS
RPT = NPAD // NS
RB = 2000

_mesh = plsc.VectorSubcoreMesh(core_axis_name="c", subcore_axis_name="s")


@functools.partial(
    pl.kernel,
    out_type=jax.ShapeDtypeStruct((NC, NPAD), jnp.float32),
    mesh=_mesh,
    scratch_types=[
        pltpu.VMEM((CH_A, CHUNK), jnp.int32),
        pltpu.VMEM((CHUNK,), jnp.float32),
        pltpu.VMEM((RPT,), jnp.float32),
        pltpu.SemaphoreType.DMA,
        pltpu.VMEM_SHARED((NPAD,), jnp.float32),
    ],
)
def _deg_kernel(eidx_hbm, out_hbm, idx_v, ones_v, zbuf_v, dsem, deg_sh):
    c = lax.axis_index("c")
    s = lax.axis_index("s")

    @pl.loop(0, RPT, step=16)
    def _(i):
        zbuf_v[pl.ds(i, 16)] = jnp.zeros((16,), jnp.float32)

    @pl.loop(0, CHUNK, step=16)
    def _(i):
        ones_v[pl.ds(i, 16)] = jnp.ones((16,), jnp.float32)

    pltpu.sync_copy(zbuf_v, deg_sh.at[pl.ds(s * RPT, RPT)])
    pltpu.sync_copy(eidx_hbm.at[c, pl.ds(s * CH_A, CH_A), :], idx_v)
    plsc.subcore_barrier()

    @pl.loop(0, CH_A, step=8)
    def _(j):
        for k in range(8):
            @pl.when(s * CH_A + j + k < REAL_CHUNKS)
            def _():
                pltpu.async_copy(ones_v, deg_sh.at[idx_v.at[j + k]], dsem,
                                 add=True)
        for k in range(8):
            @pl.when(s * CH_A + j + k < REAL_CHUNKS)
            def _():
                pltpu.make_async_copy(ones_v, deg_sh.at[idx_v.at[0]],
                                      dsem).wait()

    plsc.subcore_barrier()
    pltpu.sync_copy(deg_sh.at[pl.ds(s * RPT, RPT)],
                    out_hbm.at[c, pl.ds(s * RPT, RPT)])


HALF = CH_W // 2


@functools.partial(
    pl.kernel,
    out_type=jax.ShapeDtypeStruct((NC, NPAD, D), jnp.float32),
    mesh=_mesh,
    scratch_types=[
        pltpu.VMEM((HALF, CHUNK), jnp.int32),
        pltpu.VMEM((HALF, CHUNK), jnp.int32),
        pltpu.VMEM((CHUNK, D), jnp.float32),
        pltpu.VMEM((CHUNK, D), jnp.float32),
        pltpu.SemaphoreType.DMA,
        pltpu.SemaphoreType.DMA,
        pltpu.VMEM_SHARED((NPAD, D), jnp.float32),
    ],
)
def _conv_kernel(h_hbm, eidx_hbm, out_hbm, src_v, dst_v, buf0, buf1,
                 gsem0, gsem1, agg_sh):
    c = lax.axis_index("c")
    s = lax.axis_index("s")
    w = c * NS + s
    base = s * RPT

    bufs = (buf0, buf1)
    gsems = (gsem0, gsem1)

    def start_gather(jj, b):
        pltpu.async_copy(h_hbm.at[src_v.at[jj]], bufs[b], gsems[b])

    def wait_gather(b):
        pltpu.make_async_copy(h_hbm.at[src_v.at[0]], bufs[b], gsems[b]).wait()

    def scat_sync(jj, b):
        pltpu.sync_copy(bufs[b], agg_sh.at[dst_v.at[jj]], add=True)

    def load_idx(h):
        pltpu.sync_copy(eidx_hbm.at[0, pl.ds((w * 2 + h) * HALF, HALF), :],
                        src_v)
        pltpu.sync_copy(eidx_hbm.at[1, pl.ds((w * 2 + h) * HALF, HALF), :],
                        dst_v)

    @pl.loop(0, CHUNK)
    def _(i):
        @pl.loop(0, D, step=16)
        def _(l):
            buf1[i, pl.ds(l, 16)] = jnp.zeros((16,), jnp.float32)

    for k in range(RPT // CHUNK):
        pltpu.async_copy(buf1, agg_sh.at[pl.ds(base + k * CHUNK, CHUNK), :],
                         gsem1)
    load_idx(0)
    start_gather(0, 0)
    for k in range(RPT // CHUNK):
        pltpu.make_async_copy(buf1, agg_sh.at[pl.ds(base, CHUNK), :],
                              gsem1).wait()
    plsc.subcore_barrier()

    for h in range(2):
        if h:
            load_idx(h)
            start_gather(0, 0)
        @pl.loop(0, HALF - 2, step=2)
        def _(j):
            wait_gather(0)
            start_gather(j + 1, 1)
            scat_sync(j, 0)
            wait_gather(1)
            start_gather(j + 2, 0)
            scat_sync(j + 1, 1)

        wait_gather(0)
        start_gather(HALF - 1, 1)
        scat_sync(HALF - 2, 0)
        wait_gather(1)
        scat_sync(HALF - 1, 1)

    plsc.subcore_barrier()
    pltpu.sync_copy(agg_sh.at[pl.ds(s * RPT, RPT), :],
                    out_hbm.at[c, pl.ds(s * RPT, RPT), :])


def _mm_norm_body(deg_ref, x_ref, w_ref, o_ref):
    norm = lax.rsqrt(jnp.maximum(deg_ref[...], 1.0))
    o_ref[...] = norm * jnp.dot(x_ref[...], w_ref[...],
                                preferred_element_type=jnp.float32)


def _mid_body(p0_ref, p1_ref, degi_ref, dego_ref, b1_ref, w_ref, o_ref):
    ndst = lax.rsqrt(jnp.maximum(degi_ref[...], 1.0))
    t = (p0_ref[0] + p1_ref[0]) * ndst + b1_ref[...]
    h = jnp.maximum(t, 0.0)
    nsrc = lax.rsqrt(jnp.maximum(dego_ref[...], 1.0))
    o_ref[...] = nsrc * jnp.dot(h, w_ref[...],
                                preferred_element_type=jnp.float32)


def _out_body(q0_ref, q1_ref, degi_ref, b2_ref, o_ref):
    ndst = lax.rsqrt(jnp.maximum(degi_ref[...], 1.0))
    y = (q0_ref[0] + q1_ref[0]) * ndst + b2_ref[...]
    m = jnp.max(y, axis=1, keepdims=True)
    lse = jnp.log(jnp.sum(jnp.exp(y - m), axis=1, keepdims=True))
    o_ref[...] = y - m - lse


_GRID = N // RB

_mm_norm = pl.pallas_call(
    _mm_norm_body,
    grid=(_GRID,),
    in_specs=[
        pl.BlockSpec((RB, 1), lambda i: (i, 0)),
        pl.BlockSpec((RB, D), lambda i: (i, 0)),
        pl.BlockSpec((D, D), lambda i: (0, 0)),
    ],
    out_specs=pl.BlockSpec((RB, D), lambda i: (i, 0)),
    out_shape=jax.ShapeDtypeStruct((N, D), jnp.float32),
)

_mid = pl.pallas_call(
    _mid_body,
    grid=(_GRID,),
    in_specs=[
        pl.BlockSpec((1, RB, D), lambda i: (0, i, 0)),
        pl.BlockSpec((1, RB, D), lambda i: (1, i, 0)),
        pl.BlockSpec((RB, 1), lambda i: (i, 0)),
        pl.BlockSpec((RB, 1), lambda i: (i, 0)),
        pl.BlockSpec((1, D), lambda i: (0, 0)),
        pl.BlockSpec((D, D), lambda i: (0, 0)),
    ],
    out_specs=pl.BlockSpec((RB, D), lambda i: (i, 0)),
    out_shape=jax.ShapeDtypeStruct((N, D), jnp.float32),
)

_out = pl.pallas_call(
    _out_body,
    grid=(_GRID,),
    in_specs=[
        pl.BlockSpec((1, RB, D), lambda i: (0, i, 0)),
        pl.BlockSpec((1, RB, D), lambda i: (1, i, 0)),
        pl.BlockSpec((RB, 1), lambda i: (i, 0)),
        pl.BlockSpec((1, D), lambda i: (0, 0)),
    ],
    out_specs=pl.BlockSpec((RB, D), lambda i: (i, 0)),
    out_shape=jax.ShapeDtypeStruct((N, D), jnp.float32),
)


def kernel(x, edge_index, W1, b1, W2, b2):
    ei = edge_index.astype(jnp.int32)
    npad_e = EPAD - E
    r = jnp.arange(npad_e, dtype=jnp.int32)
    pad_src = (r * 131) % N
    pad_dst = N + (r % (NPAD - N))
    ei_pad = jnp.concatenate(
        [ei, jnp.stack([pad_src, pad_dst])], axis=1
    ).reshape(2, NCHUNKS, CHUNK)

    deg = _deg_kernel(ei_pad)
    deg_out = deg[0, :N].reshape(N, 1)
    deg_in = deg[1, :N].reshape(N, 1)

    h1 = _mm_norm(deg_out, x, W1)
    p = _conv_kernel(h1, ei_pad)
    h2 = _mid(p, p, deg_in, deg_out, b1.reshape(1, D), W2)
    q = _conv_kernel(h2, ei_pad)
    return _out(q, q, deg_in, b2.reshape(1, D))

# --- scband reference (transcript-rebuilt; emitter-appended) ---
"""Pipeline reference for scband-gcn-34832184770811 (READ-ONLY COPY).

The authoritative reference and input builder live on the scoring server;
editing this copy changes nothing except your own understanding.
"""

import jax, jax.numpy as jnp
import numpy as np

N_NODES = 10000
N_EDGES = 320000
D_IN = 128
D_HID = 128
D_OUT = 128


def setup_inputs(seed: int = 0) -> dict:
    key = jax.random.key(seed)
    k_x, k_e, k_w1, k_w2 = jax.random.split(key, 4)
    x = jax.random.normal(k_x, (N_NODES, D_IN), dtype=jnp.float32)
    edge_index = jax.random.randint(k_e, (2, N_EDGES), 0, N_NODES, dtype=jnp.int64)
    # Glorot-initialized GraphConv weights (DGL GraphConv: h = D^-1/2 A D^-1/2 X W + b)
    W1 = jax.random.normal(k_w1, (D_IN, D_HID), dtype=jnp.float32) * (1.0 / np.sqrt(D_IN))
    b1 = jnp.zeros((D_HID,), dtype=jnp.float32)
    W2 = jax.random.normal(k_w2, (D_HID, D_OUT), dtype=jnp.float32) * (1.0 / np.sqrt(D_HID))
    b2 = jnp.zeros((D_OUT,), dtype=jnp.float32)
    return {"x": x, "edge_index": edge_index, "W1": W1, "b1": b1, "W2": W2, "b2": b2}


def _graph_conv(x, src, dst, W, b, num_nodes):
    # DGL GraphConv with norm='both' (symmetric normalization), no self-loops.
    ones = jnp.ones((src.shape[0],), dtype=x.dtype)
    deg_out = jnp.zeros((num_nodes,), dtype=x.dtype).at[src].add(ones)
    deg_in = jnp.zeros((num_nodes,), dtype=x.dtype).at[dst].add(ones)
    norm_src = jax.lax.rsqrt(jnp.clip(deg_out, 1.0, None))
    norm_dst = jax.lax.rsqrt(jnp.clip(deg_in, 1.0, None))
    h = x * norm_src[:, None]
    h = h @ W  # mult W first (in_feats >= out_feats path)
    msg = jnp.take(h, src, axis=0)  # gather
    agg = jnp.zeros((num_nodes, h.shape[1]), dtype=h.dtype).at[dst].add(msg)  # scatter-add
    agg = agg * norm_dst[:, None]
    return agg + b


def reference(x, edge_index, W1, b1, W2, b2):
    src = edge_index[0]
    dst = edge_index[1]
    n = x.shape[0]
    h = _graph_conv(x, src, dst, W1, b1, n)
    h = jax.nn.relu(h)
    # dropout is identity in eval mode
    h = _graph_conv(h, src, dst, W2, b2, n)
    return jax.nn.log_softmax(h, axis=1)

if __name__ == "__main__":
    import jax
    _d = setup_inputs()
    print(jax.jit(kernel)(*tuple(_d.values())))

</pallas_src>

<mosaic_0001>
#map = affine_map<(d0, d1) -> (0, 0)>
#map1 = affine_map<(d0, d1) -> (0, 0, 0)>
module attributes {stable_mosaic.version = 14 : i64} {
  func.func @_conv_kernel(%arg0: i32, %arg1: i32, %arg2: memref<10000x128xf32, #tpu.memory_space<hbm>>, %arg3: memref<2x2560x128xi32, #tpu.memory_space<hbm>>, %arg4: memref<2x10240x128xf32, #tpu.memory_space<hbm>>, %arg5: memref<40x128xi32, #tpu.memory_space<vmem>>, %arg6: memref<40x128xi32, #tpu.memory_space<vmem>>, %arg7: memref<128x128xf32, #tpu.memory_space<vmem>>, %arg8: memref<128x128xf32, #tpu.memory_space<vmem>>, %arg9: memref<!tpu.dma_semaphore, #tpu.memory_space<semaphore_mem>>, %arg10: memref<!tpu.dma_semaphore, #tpu.memory_space<semaphore_mem>>, %arg11: memref<10240x128xf32, #tpu.memory_space<vmem_shared>>) attributes {dimension_semantics = [#tpu.dimension_semantics<core_parallel>, #tpu.dimension_semantics<subcore_parallel>], iteration_bounds = array<i64: 2, 16>, scalar_prefetch = 0 : i64, scratch_operands = 7 : i64, tpu.core_type = #tpu.core_type<sc_vector_subcore>, window_params = [{transform_indices = #map}, {transform_indices = #map1}, {transform_indices = #map1}]} {
    %mul3A = arith.constant 16 : i32
    %mul3A_0 = arith.muli %arg0, %mul3A : i32
    %add3A = arith.addi %mul3A_0, %arg1 : i32
    %mul3A_1 = arith.constant 640 : i32
    %mul3A_2 = arith.muli %arg1, %mul3A_1 : i32
    %scan3A = arith.constant 0 : i32
    %scan3A_3 = arith.constant 128 : i32
    %scan3A_4 = arith.addi %scan3A, %scan3A_3 : i32
    %scan3A_5 = arith.constant 1 : i32
    scf.for %scan3A_157 = %scan3A to %scan3A_4 step %scan3A_5  : i32 {
      %mul3A_158 = arith.constant 1 : i32
      %mul3A_159 = arith.muli %scan3A_157, %mul3A_158 : i32
      %add3A_160 = arith.constant 0 : i32
      %add3A_161 = arith.addi %add3A_160, %mul3A_159 : i32
      %scan3A_162 = arith.constant 0 : i32
      %scan3A_163 = arith.constant 8 : i32
      %scan3A_164 = arith.addi %scan3A_162, %scan3A_163 : i32
      %scan3A_165 = arith.constant 1 : i32
      scf.for %scan3A_167 = %scan3A_162 to %scan3A_164 step %scan3A_165  : i32 {
        %mul3A_168 = arith.constant 16 : i32
        %mul3A_169 = arith.muli %scan3A_167, %mul3A_168 : i32
        %add3A_170 = arith.constant 0 : i32
        %add3A_171 = arith.addi %add3A_170, %mul3A_169 : i32
        %broadcast_in_dim3A = arith.constant 0.000000e+00 : f32
        %broadcast_in_dim3A_172 = vector.broadcast %broadcast_in_dim3A : f32 to vector<16xf32>
        %swap3A = arith.index_cast %add3A_161 : i32 to index
        %swap3A_173 = arith.index_cast %add3A_171 : i32 to index
        %swap3A_174 = tpu.vector_load %arg8[%swap3A, %swap3A_173] {strides = array<i32>} : memref<128x128xf32, #tpu.memory_space<vmem>>, vector<1x16xf32>,
        %swap3A_175 = vector.shape_cast %swap3A_174 : vector<1x16xf32> to vector<16xf32>
        %swap3A_176 = vector.shape_cast %broadcast_in_dim3A_172 : vector<16xf32> to vector<1x16xf32>
        tpu.vector_store %arg8[%swap3A, %swap3A_173], %swap3A_176 {strides = array<i32>} : memref<128x128xf32, #tpu.memory_space<vmem>>, vector<1x16xf32>,
      }
      %scan3A_166 = arith.constant 8 : i32
    }
    %scan3A_6 = arith.constant 128 : i32
    %add3A_7 = arith.constant 0 : i32
    %add3A_8 = arith.addi %mul3A_2, %add3A_7 : i32
    %dma_start3A = arith.constant 0 : i32
    %dma_start3A_9 = tpu.memref_slice %arg11[%add3A_8, %dma_start3A] : memref<10240x128xf32, #tpu.memory_space<vmem_shared>> -> memref<128x128xf32, #tpu.memory_space<vmem_shared>>
    %dma_start3A_10 = arith.constant 0 : i32
    %dma_start3A_11 = tpu.memref_slice %arg11[%add3A_8, %dma_start3A_10] : memref<10240x128xf32, #tpu.memory_space<vmem_shared>> -> memref<128x128xf32, #tpu.memory_space<vmem_shared>>
    tpu.enqueue_dma source(%arg8 : memref<128x128xf32, #tpu.memory_space<vmem>>) target(%dma_start3A_11 : memref<128x128xf32, #tpu.memory_space<vmem_shared>>) target_semaphore(%arg10 : memref<!tpu.dma_semaphore, #tpu.memory_space<semaphore_mem>>)
    %add3A_12 = arith.constant 128 : i32
    %add3A_13 = arith.addi %mul3A_2, %add3A_12 : i32
    %dma_start3A_14 = arith.constant 0 : i32
    %dma_start3A_15 = tpu.memref_slice %arg11[%add3A_13, %dma_start3A_14] : memref<10240x128xf32, #tpu.memory_space<vmem_shared>> -> memref<128x128xf32, #tpu.memory_space<vmem_shared>>
    %dma_start3A_16 = arith.constant 0 : i32
    %dma_start3A_17 = tpu.memref_slice %arg11[%add3A_13, %dma_start3A_16] : memref<10240x128xf32, #tpu.memory_space<vmem_shared>> -> memref<128x128xf32, #tpu.memory_space<vmem_shared>>
    tpu.enqueue_dma source(%arg8 : memref<128x128xf32, #tpu.memory_space<vmem>>) target(%dma_start3A_17 : memref<128x128xf32, #tpu.memory_space<vmem_shared>>) target_semaphore(%arg10 : memref<!tpu.dma_semaphore, #tpu.memory_space<semaphore_mem>>)
    %add3A_18 = arith.constant 256 : i32
    %add3A_19 = arith.addi %mul3A_2, %add3A_18 : i32
    %dma_start3A_20 = arith.constant 0 : i32
    %dma_start3A_21 = tpu.memref_slice %arg11[%add3A_19, %dma_start3A_20] : memref<10240x128xf32, #tpu.memory_space<vmem_shared>> -> memref<128x128xf32, #tpu.memory_space<vmem_shared>>
    %dma_start3A_22 = arith.constant 0 : i32
    %dma_start3A_23 = tpu.memref_slice %arg11[%add3A_19, %dma_start3A_22] : memref<10240x128xf32, #tpu.memory_space<vmem_shared>> -> memref<128x128xf32, #tpu.memory_space<vmem_shared>>
    tpu.enqueue_dma source(%arg8 : memref<128x128xf32, #tpu.memory_space<vmem>>) target(%dma_start3A_23 : memref<128x128xf32, #tpu.memory_space<vmem_shared>>) target_semaphore(%arg10 : memref<!tpu.dma_semaphore, #tpu.memory_space<semaphore_mem>>)
    %add3A_24 = arith.constant 384 : i32
    %add3A_25 = arith.addi %mul3A_2, %add3A_24 : i32
    %dma_start3A_26 = arith.constant 0 : i32
    %dma_start3A_27 = tpu.memref_slice %arg11[%add3A_25, %dma_start3A_26] : memref<10240x128xf32, #tpu.memory_space<vmem_shared>> -> memref<128x128xf32, #tpu.memory_space<vmem_shared>>
    %dma_start3A_28 = arith.constant 0 : i32
    %dma_start3A_29 = tpu.memref_slice %arg11[%add3A_25, %dma_start3A_28] : memref<10240x128xf32, #tpu.memory_space<vmem_shared>> -> memref<128x128xf32, #tpu.memory_space<vmem_shared>>
    tpu.enqueue_dma source(%arg8 : memref<128x128xf32, #tpu.memory_space<vmem>>) target(%dma_start3A_29 : memref<128x128xf32, #tpu.memory_space<vmem_shared>>) target_semaphore(%arg10 : memref<!tpu.dma_semaphore, #tpu.memory_space<semaphore_mem>>)
    %add3A_30 = arith.constant 512 : i32
    %add3A_31 = arith.addi %mul3A_2, %add3A_30 : i32
    %dma_start3A_32 = arith.constant 0 : i32
    %dma_start3A_33 = tpu.memref_slice %arg11[%add3A_31, %dma_start3A_32] : memref<10240x128xf32, #tpu.memory_space<vmem_shared>> -> memref<128x128xf32, #tpu.memory_space<vmem_shared>>
    %dma_start3A_34 = arith.constant 0 : i32
    %dma_start3A_35 = tpu.memref_slice %arg11[%add3A_31, %dma_start3A_34] : memref<10240x128xf32, #tpu.memory_space<vmem_shared>> -> memref<128x128xf32, #tpu.memory_space<vmem_shared>>
    tpu.enqueue_dma source(%arg8 : memref<128x128xf32, #tpu.memory_space<vmem>>) target(%dma_start3A_35 : memref<128x128xf32, #tpu.memory_space<vmem_shared>>) target_semaphore(%arg10 : memref<!tpu.dma_semaphore, #tpu.memory_space<semaphore_mem>>)
    %mul3A_36 = arith.constant 2 : i32
    %mul3A_37 = arith.muli %add3A, %mul3A_36 : i32
    %add3A_38 = arith.constant 0 : i32
    %add3A_39 = arith.addi %mul3A_37, %add3A_38 : i32
    %mul3A_40 = arith.constant 40 : i32
    %mul3A_41 = arith.muli %add3A_39, %mul3A_40 : i32
    %run_scoped3A = arith.constant 0 : i32
    "tpu.region"() ({
      %run_scoped3A_157 = tpu.sem_alloc : memref<!tpu.dma_semaphore, #tpu.memory_space<semaphore_mem>>
      %dma_start3A_158 = arith.constant 0 : i32
      %dma_start3A_159 = tpu.memref_slice %arg3[%run_scoped3A, %mul3A_41, %dma_start3A_158] : memref<2x2560x128xi32, #tpu.memory_space<hbm>> -> memref<1x40x128xi32, #tpu.memory_space<hbm>>
      %dma_start3A_160 = tpu.memref_squeeze %dma_start3A_159 : memref<1x40x128xi32, #tpu.memory_space<hbm>> -> memref<40x128xi32, #tpu.memory_space<hbm>>
      %dma_start3A_161 = arith.constant 0 : i32
      %dma_start3A_162 = tpu.memref_slice %arg3[%run_scoped3A, %mul3A_41, %dma_start3A_161] : memref<2x2560x128xi32, #tpu.memory_space<hbm>> -> memref<1x40x128xi32, #tpu.memory_space<hbm>>
      %dma_start3A_163 = tpu.memref_squeeze %dma_start3A_162 : memref<1x40x128xi32, #tpu.memory_space<hbm>> -> memref<40x128xi32, #tpu.memory_space<hbm>>
      tpu.enqueue_dma source(%dma_start3A_163 : memref<40x128xi32, #tpu.memory_space<hbm>>) target(%arg5 : memref<40x128xi32, #tpu.memory_space<vmem>>) target_semaphore(%run_scoped3A_157 : memref<!tpu.dma_semaphore, #tpu.memory_space<semaphore_mem>>)
      %dma_wait3A_164 = arith.constant 0 : i32
      %dma_wait3A_165 = tpu.memref_slice %arg3[%run_scoped3A, %mul3A_41, %dma_wait3A_164] : memref<2x2560x128xi32, #tpu.memory_space<hbm>> -> memref<1x40x128xi32, #tpu.memory_space<hbm>>
      %dma_wait3A_166 = tpu.memref_squeeze %dma_wait3A_165 : memref<1x40x128xi32, #tpu.memory_space<hbm>> -> memref<40x128xi32, #tpu.memory_space<hbm>>
      %dma_wait3A_167 = arith.constant 0 : i32
      %dma_wait3A_168 = tpu.memref_slice %arg3[%run_scoped3A, %mul3A_41, %dma_wait3A_167] : memref<2x2560x128xi32, #tpu.memory_space<hbm>> -> memref<1x40x128xi32, #tpu.memory_space<hbm>>
      %dma_wait3A_169 = tpu.memref_squeeze %dma_wait3A_168 : memref<1x40x128xi32, #tpu.memory_space<hbm>> -> memref<40x128xi32, #tpu.memory_space<hbm>>
      tpu.wait_dma2 semaphore(%run_scoped3A_157 : memref<!tpu.dma_semaphore, #tpu.memory_space<semaphore_mem>>) src(%dma_wait3A_169 : memref<40x128xi32, #tpu.memory_space<hbm>>) dst(%arg5 : memref<40x128xi32, #tpu.memory_space<vmem>>)
      tpu.yield
    }) : () -> ()
    %mul3A_42 = arith.constant 2 : i32
    %mul3A_43 = arith.muli %add3A, %mul3A_42 : i32
    %add3A_44 = arith.constant 0 : i32
    %add3A_45 = arith.addi %mul3A_43, %add3A_44 : i32
    %mul3A_46 = arith.constant 40 : i32
    %mul3A_47 = arith.muli %add3A_45, %mul3A_46 : i32
    %run_scoped3A_48 = arith.constant 1 : i32
    "tpu.region"() ({
      %run_scoped3A_157 = tpu.sem_alloc : memref<!tpu.dma_semaphore, #tpu.memory_space<semaphore_mem>>
      %dma_start3A_158 = arith.constant 0 : i32
      %dma_start3A_159 = tpu.memref_slice %arg3[%run_scoped3A_48, %mul3A_47, %dma_start3A_158] : memref<2x2560x128xi32, #tpu.memory_space<hbm>> -> memref<1x40x128xi32, #tpu.memory_space<hbm>>
      %dma_start3A_160 = tpu.memref_squeeze %dma_start3A_159 : memref<1x40x128xi32, #tpu.memory_space<hbm>> -> memref<40x128xi32, #tpu.memory_space<hbm>>
      %dma_start3A_161 = arith.constant 0 : i32
      %dma_start3A_162 = tpu.memref_slice %arg3[%run_scoped3A_48, %mul3A_47, %dma_start3A_161] : memref<2x2560x128xi32, #tpu.memory_space<hbm>> -> memref<1x40x128xi32, #tpu.memory_space<hbm>>
      %dma_start3A_163 = tpu.memref_squeeze %dma_start3A_162 : memref<1x40x128xi32, #tpu.memory_space<hbm>> -> memref<40x128xi32, #tpu.memory_space<hbm>>
      tpu.enqueue_dma source(%dma_start3A_163 : memref<40x128xi32, #tpu.memory_space<hbm>>) target(%arg6 : memref<40x128xi32, #tpu.memory_space<vmem>>) target_semaphore(%run_scoped3A_157 : memref<!tpu.dma_semaphore, #tpu.memory_space<semaphore_mem>>)
      %dma_wait3A_164 = arith.constant 0 : i32
      %dma_wait3A_165 = tpu.memref_slice %arg3[%run_scoped3A_48, %mul3A_47, %dma_wait3A_164] : memref<2x2560x128xi32, #tpu.memory_space<hbm>> -> memref<1x40x128xi32, #tpu.memory_space<hbm>>
      %dma_wait3A_166 = tpu.memref_squeeze %dma_wait3A_165 : memref<1x40x128xi32, #tpu.memory_space<hbm>> -> memref<40x128xi32, #tpu.memory_space<hbm>>
      %dma_wait3A_167 = arith.constant 0 : i32
      %dma_wait3A_168 = tpu.memref_slice %arg3[%run_scoped3A_48, %mul3A_47, %dma_wait3A_167] : memref<2x2560x128xi32, #tpu.memory_space<hbm>> -> memref<1x40x128xi32, #tpu.memory_space<hbm>>
      %dma_wait3A_169 = tpu.memref_squeeze %dma_wait3A_168 : memref<1x40x128xi32, #tpu.memory_space<hbm>> -> memref<40x128xi32, #tpu.memory_space<hbm>>
      tpu.wait_dma2 semaphore(%run_scoped3A_157 : memref<!tpu.dma_semaphore, #tpu.memory_space<semaphore_mem>>) src(%dma_wait3A_169 : memref<40x128xi32, #tpu.memory_space<hbm>>) dst(%arg6 : memref<40x128xi32, #tpu.memory_space<vmem>>)
      tpu.yield
    }) : () -> ()
    %dma_start3A_49 = arith.constant 0 : i32
    %dma_start3A_50 = arith.constant 0 : i32
    %dma_start3A_51 = tpu.memref_slice %arg5[%dma_start3A_49, %dma_start3A_50] : memref<40x128xi32, #tpu.memory_space<vmem>> -> memref<1x128xi32, #tpu.memory_space<vmem>>
    %dma_start3A_52 = tpu.memref_squeeze %dma_start3A_51 : memref<1x128xi32, #tpu.memory_space<vmem>> -> memref<128xi32, #tpu.memory_space<vmem>>
    %dma_start3A_53 = arith.constant 0 : i32
    %dma_start3A_54 = arith.constant 0 : i32
    %dma_start3A_55 = tpu.memref_slice %arg2[%dma_start3A_53, %dma_start3A_54] : memref<10000x128xf32, #tpu.memory_space<hbm>> -> memref<10000x128xf32, #tpu.memory_space<hbm>>
    tpu.enqueue_indirect_dma source(%dma_start3A_55 : memref<10000x128xf32, #tpu.memory_space<hbm>>) target(%arg7 : memref<128x128xf32, #tpu.memory_space<vmem>>) offsets(%dma_start3A_52 : memref<128xi32, #tpu.memory_space<vmem>>) semaphore(%arg9 : memref<!tpu.dma_semaphore, #tpu.memory_space<semaphore_mem>>)
    %dma_wait3A = arith.constant 0 : i32
    %dma_wait3A_56 = tpu.memref_slice %arg11[%mul3A_2, %dma_wait3A] : memref<10240x128xf32, #tpu.memory_space<vmem_shared>> -> memref<128x128xf32, #tpu.memory_space<vmem_shared>>
    %dma_wait3A_57 = arith.constant 0 : i32
    %dma_wait3A_58 = tpu.memref_slice %arg11[%mul3A_2, %dma_wait3A_57] : memref<10240x128xf32, #tpu.memory_space<vmem_shared>> -> memref<128x128xf32, #tpu.memory_space<vmem_shared>>
    tpu.wait_dma2 semaphore(%arg10 : memref<!tpu.dma_semaphore, #tpu.memory_space<semaphore_mem>>) src(%arg8 : memref<128x128xf32, #tpu.memory_space<vmem>>) dst(%dma_wait3A_58 : memref<128x128xf32, #tpu.memory_space<vmem_shared>>)
    %dma_wait3A_59 = arith.constant 0 : i32
    %dma_wait3A_60 = tpu.memref_slice %arg11[%mul3A_2, %dma_wait3A_59] : memref<10240x128xf32, #tpu.memory_space<vmem_shared>> -> memref<128x128xf32, #tpu.memory_space<vmem_shared>>
    %dma_wait3A_61 = arith.constant 0 : i32
    %dma_wait3A_62 = tpu.memref_slice %arg11[%mul3A_2, %dma_wait3A_61] : memref<10240x128xf32, #tpu.memory_space<vmem_shared>> -> memref<128x128xf32, #tpu.memory_space<vmem_shared>>
    tpu.wait_dma2 semaphore(%arg10 : memref<!tpu.dma_semaphore, #tpu.memory_space<semaphore_mem>>) src(%arg8 : memref<128x128xf32, #tpu.memory_space<vmem>>) dst(%dma_wait3A_62 : memref<128x128xf32, #tpu.memory_space<vmem_shared>>)
    %dma_wait3A_63 = arith.constant 0 : i32
    %dma_wait3A_64 = tpu.memref_slice %arg11[%mul3A_2, %dma_wait3A_63] : memref<10240x128xf32, #tpu.memory_space<vmem_shared>> -> memref<128x128xf32, #tpu.memory_space<vmem_shared>>
    %dma_wait3A_65 = arith.constant 0 : i32
    %dma_wait3A_66 = tpu.memref_slice %arg11[%mul3A_2, %dma_wait3A_65] : memref<10240x128xf32, #tpu.memory_space<vmem_shared>> -> memref<128x128xf32, #tpu.memory_space<vmem_shared>>
    tpu.wait_dma2 semaphore(%arg10 : memref<!tpu.dma_semaphore, #tpu.memory_space<semaphore_mem>>) src(%arg8 : memref<128x128xf32, #tpu.memory_space<vmem>>) dst(%dma_wait3A_66 : memref<128x128xf32, #tpu.memory_space<vmem_shared>>)
    %dma_wait3A_67 = arith.constant 0 : i32
    %dma_wait3A_68 = tpu.memref_slice %arg11[%mul3A_2, %dma_wait3A_67] : memref<10240x128xf32, #tpu.memory_space<vmem_shared>> -> memref<128x128xf32, #tpu.memory_space<vmem_shared>>
    %dma_wait3A_69 = arith.constant 0 : i32
    %dma_wait3A_70 = tpu.memref_slice %arg11[%mul3A_2, %dma_wait3A_69] : memref<10240x128xf32, #tpu.memory_space<vmem_shared>> -> memref<128x128xf32, #tpu.memory_space<vmem_shared>>
    tpu.wait_dma2 semaphore(%arg10 : memref<!tpu.dma_semaphore, #tpu.memory_space<semaphore_mem>>) src(%arg8 : memref<128x128xf32, #tpu.memory_space<vmem>>) dst(%dma_wait3A_70 : memref<128x128xf32, #tpu.memory_space<vmem_shared>>)
    %dma_wait3A_71 = arith.constant 0 : i32
    %dma_wait3A_72 = tpu.memref_slice %arg11[%mul3A_2, %dma_wait3A_71] : memref<10240x128xf32, #tpu.memory_space<vmem_shared>> -> memref<128x128xf32, #tpu.memory_space<vmem_shared>>
    %dma_wait3A_73 = arith.constant 0 : i32
    %dma_wait3A_74 = tpu.memref_slice %arg11[%mul3A_2, %dma_wait3A_73] : memref<10240x128xf32, #tpu.memory_space<vmem_shared>> -> memref<128x128xf32, #tpu.memory_space<vmem_shared>>
    tpu.wait_dma2 semaphore(%arg10 : memref<!tpu.dma_semaphore, #tpu.memory_space<semaphore_mem>>) src(%arg8 : memref<128x128xf32, #tpu.memory_space<vmem>>) dst(%dma_wait3A_74 : memref<128x128xf32, #tpu.memory_space<vmem_shared>>)
    %barrier3A = arith.constant 0 : index
    tpu.barrier barrier_id(%barrier3A)
    %scan3A_75 = arith.constant 0 : i32
    %scan3A_76 = arith.constant 19 : i32
    %scan3A_77 = arith.addi %scan3A_75, %scan3A_76 : i32
    %scan3A_78 = arith.constant 1 : i32
    scf.for %scan3A_157 = %scan3A_75 to %scan3A_77 step %scan3A_78  : i32 {
      %mul3A_158 = arith.constant 2 : i32
      %mul3A_159 = arith.muli %scan3A_157, %mul3A_158 : i32
      %add3A_160 = arith.constant 0 : i32
      %add3A_161 = arith.addi %add3A_160, %mul3A_159 : i32
      %dma_wait3A_162 = arith.constant 0 : i32
      %dma_wait3A_163 = arith.constant 0 : i32
      %dma_wait3A_164 = tpu.memref_slice %arg5[%dma_wait3A_162, %dma_wait3A_163] : memref<40x128xi32, #tpu.memory_space<vmem>> -> memref<1x128xi32, #tpu.memory_space<vmem>>
      %dma_wait3A_165 = tpu.memref_squeeze %dma_wait3A_164 : memref<1x128xi32, #tpu.memory_space<vmem>> -> memref<128xi32, #tpu.memory_space<vmem>>
      %dma_wait3A_166 = arith.constant 0 : i32
      %dma_wait3A_167 = arith.constant 0 : i32
      %dma_wait3A_168 = tpu.memref_slice %arg2[%dma_wait3A_166, %dma_wait3A_167] : memref<10000x128xf32, #tpu.memory_space<hbm>> -> memref<10000x128xf32, #tpu.memory_space<hbm>>
      tpu.wait_indirect_dma semaphore(%arg9 : memref<!tpu.dma_semaphore, #tpu.memory_space<semaphore_mem>>) src(%dma_wait3A_168 : memref<10000x128xf32, #tpu.memory_space<hbm>>) dst(%arg7 : memref<128x128xf32, #tpu.memory_space<vmem>>)
      %add3A_169 = arith.constant 1 : i32
      %add3A_170 = arith.addi %add3A_161, %add3A_169 : i32
      %dma_start3A_171 = arith.constant 0 : i32
      %dma_start3A_172 = tpu.memref_slice %arg5[%add3A_170, %dma_start3A_171] : memref<40x128xi32, #tpu.memory_space<vmem>> -> memref<1x128xi32, #tpu.memory_space<vmem>>
      %dma_start3A_173 = tpu.memref_squeeze %dma_start3A_172 : memref<1x128xi32, #tpu.memory_space<vmem>> -> memref<128xi32, #tpu.memory_space<vmem>>
      %dma_start3A_174 = arith.constant 0 : i32
      %dma_start3A_175 = arith.constant 0 : i32
      %dma_start3A_176 = tpu.memref_slice %arg2[%dma_start3A_174, %dma_start3A_175] : memref<10000x128xf32, #tpu.memory_space<hbm>> -> memref<10000x128xf32, #tpu.memory_space<hbm>>
      tpu.enqueue_indirect_dma source(%dma_start3A_176 : memref<10000x128xf32, #tpu.memory_space<hbm>>) target(%arg8 : memref<128x128xf32, #tpu.memory_space<vmem>>) offsets(%dma_start3A_173 : memref<128xi32, #tpu.memory_space<vmem>>) semaphore(%arg10 : memref<!tpu.dma_semaphore, #tpu.memory_space<semaphore_mem>>)
      "tpu.region"() ({
        %run_scoped3A_194 = tpu.sem_alloc : memref<!tpu.dma_semaphore, #tpu.memory_space<semaphore_mem>>
        %dma_start3A_195 = arith.constant 0 : i32
        %dma_start3A_196 = tpu.memref_slice %arg6[%add3A_161, %dma_start3A_195] : memref<40x128xi32, #tpu.memory_space<vmem>> -> memref<1x128xi32, #tpu.memory_space<vmem>>
        %dma_start3A_197 = tpu.memref_squeeze %dma_start3A_196 : memref<1x128xi32, #tpu.memory_space<vmem>> -> memref<128xi32, #tpu.memory_space<vmem>>
        %dma_start3A_198 = arith.constant 0 : i32
        %dma_start3A_199 = arith.constant 0 : i32
        %dma_start3A_200 = tpu.memref_slice %arg11[%dma_start3A_198, %dma_start3A_199] : memref<10240x128xf32, #tpu.memory_space<vmem_shared>> -> memref<10240x128xf32, #tpu.memory_space<vmem_shared>>
        tpu.enqueue_indirect_dma source(%arg7 : memref<128x128xf32, #tpu.memory_space<vmem>>) target(%dma_start3A_200 : memref<10240x128xf32, #tpu.memory_space<vmem_shared>>) offsets(%dma_start3A_197 : memref<128xi32, #tpu.memory_space<vmem>>) semaphore(%run_scoped3A_194 : memref<!tpu.dma_semaphore, #tpu.memory_space<semaphore_mem>>) {add = true}
        %dma_wait3A_201 = arith.constant 0 : i32
        %dma_wait3A_202 = tpu.memref_slice %arg6[%add3A_161, %dma_wait3A_201] : memref<40x128xi32, #tpu.memory_space<vmem>> -> memref<1x128xi32, #tpu.memory_space<vmem>>
        %dma_wait3A_203 = tpu.memref_squeeze %dma_wait3A_202 : memref<1x128xi32, #tpu.memory_space<vmem>> -> memref<128xi32, #tpu.memory_space<vmem>>
        %dma_wait3A_204 = arith.constant 0 : i32
        %dma_wait3A_205 = arith.constant 0 : i32
        %dma_wait3A_206 = tpu.memref_slice %arg11[%dma_wait3A_204, %dma_wait3A_205] : memref<10240x128xf32, #tpu.memory_space<vmem_shared>> -> memref<10240x128xf32, #tpu.memory_space<vmem_shared>>
        tpu.wait_indirect_dma semaphore(%run_scoped3A_194 : memref<!tpu.dma_semaphore, #tpu.memory_space<semaphore_mem>>) src(%arg7 : memref<128x128xf32, #tpu.memory_space<vmem>>) dst(%dma_wait3A_206 : memref<10240x128xf32, #tpu.memory_space<vmem_shared>>)
        tpu.yield
      }) : () -> ()
      %dma_wait3A_177 = arith.constant 0 : i32
      %dma_wait3A_178 = arith.constant 0 : i32
      %dma_wait3A_179 = tpu.memref_slice %arg5[%dma_wait3A_177, %dma_wait3A_178] : memref<40x128xi32, #tpu.memory_space<vmem>> -> memref<1x128xi32, #tpu.memory_space<vmem>>
      %dma_wait3A_180 = tpu.memref_squeeze %dma_wait3A_179 : memref<1x128xi32, #tpu.memory_space<vmem>> -> memref<128xi32, #tpu.memory_space<vmem>>
      %dma_wait3A_181 = arith.constant 0 : i32
      %dma_wait3A_182 = arith.constant 0 : i32
      %dma_wait3A_183 = tpu.memref_slice %arg2[%dma_wait3A_181, %dma_wait3A_182] : memref<10000x128xf32, #tpu.memory_space<hbm>> -> memref<10000x128xf32, #tpu.memory_space<hbm>>
      tpu.wait_indirect_dma semaphore(%arg10 : memref<!tpu.dma_semaphore, #tpu.memory_space<semaphore_mem>>) src(%dma_wait3A_183 : memref<10000x128xf32, #tpu.memory_space<hbm>>) dst(%arg8 : memref<128x128xf32, #tpu.memory_space<vmem>>)
      %add3A_184 = arith.constant 2 : i32
      %add3A_185 = arith.addi %add3A_161, %add3A_184 : i32
      %dma_start3A_186 = arith.constant 0 : i32
      %dma_start3A_187 = tpu.memref_slice %arg5[%add3A_185, %dma_start3A_186] : memref<40x128xi32, #tpu.memory_space<vmem>> -> memref<1x128xi32, #tpu.memory_space<vmem>>
      %dma_start3A_188 = tpu.memref_squeeze %dma_start3A_187 : memref<1x128xi32, #tpu.memory_space<vmem>> -> memref<128xi32, #tpu.memory_space<vmem>>
      %dma_start3A_189 = arith.constant 0 : i32
      %dma_start3A_190 = arith.constant 0 : i32
      %dma_start3A_191 = tpu.memref_slice %arg2[%dma_start3A_189, %dma_start3A_190] : memref<10000x128xf32, #tpu.memory_space<hbm>> -> memref<10000x128xf32, #tpu.memory_space<hbm>>
      tpu.enqueue_indirect_dma source(%dma_start3A_191 : memref<10000x128xf32, #tpu.memory_space<hbm>>) target(%arg7 : memref<128x128xf32, #tpu.memory_space<vmem>>) offsets(%dma_start3A_188 : memref<128xi32, #tpu.memory_space<vmem>>) semaphore(%arg9 : memref<!tpu.dma_semaphore, #tpu.memory_space<semaphore_mem>>)
      %add3A_192 = arith.constant 1 : i32
      %add3A_193 = arith.addi %add3A_161, %add3A_192 : i32
      "tpu.region"() ({
        %run_scoped3A_194 = tpu.sem_alloc : memref<!tpu.dma_semaphore, #tpu.memory_space<semaphore_mem>>
        %dma_start3A_195 = arith.constant 0 : i32
        %dma_start3A_196 = tpu.memref_slice %arg6[%add3A_193, %dma_start3A_195] : memref<40x128xi32, #tpu.memory_space<vmem>> -> memref<1x128xi32, #tpu.memory_space<vmem>>
        %dma_start3A_197 = tpu.memref_squeeze %dma_start3A_196 : memref<1x128xi32, #tpu.memory_space<vmem>> -> memref<128xi32, #tpu.memory_space<vmem>>
        %dma_start3A_198 = arith.constant 0 : i32
        %dma_start3A_199 = arith.constant 0 : i32
        %dma_start3A_200 = tpu.memref_slice %arg11[%dma_start3A_198, %dma_start3A_199] : memref<10240x128xf32, #tpu.memory_space<vmem_shared>> -> memref<10240x128xf32, #tpu.memory_space<vmem_shared>>
        tpu.enqueue_indirect_dma source(%arg8 : memref<128x128xf32, #tpu.memory_space<vmem>>) target(%dma_start3A_200 : memref<10240x128xf32, #tpu.memory_space<vmem_shared>>) offsets(%dma_start3A_197 : memref<128xi32, #tpu.memory_space<vmem>>) semaphore(%run_scoped3A_194 : memref<!tpu.dma_semaphore, #tpu.memory_space<semaphore_mem>>) {add = true}
        %dma_wait3A_201 = arith.constant 0 : i32
        %dma_wait3A_202 = tpu.memref_slice %arg6[%add3A_193, %dma_wait3A_201] : memref<40x128xi32, #tpu.memory_space<vmem>> -> memref<1x128xi32, #tpu.memory_space<vmem>>
        %dma_wait3A_203 = tpu.memref_squeeze %dma_wait3A_202 : memref<1x128xi32, #tpu.memory_space<vmem>> -> memref<128xi32, #tpu.memory_space<vmem>>
        %dma_wait3A_204 = arith.constant 0 : i32
        %dma_wait3A_205 = arith.constant 0 : i32
        %dma_wait3A_206 = tpu.memref_slice %arg11[%dma_wait3A_204, %dma_wait3A_205] : memref<10240x128xf32, #tpu.memory_space<vmem_shared>> -> memref<10240x128xf32, #tpu.memory_space<vmem_shared>>
        tpu.wait_indirect_dma semaphore(%run_scoped3A_194 : memref<!tpu.dma_semaphore, #tpu.memory_space<semaphore_mem>>) src(%arg8 : memref<128x128xf32, #tpu.memory_space<vmem>>) dst(%dma_wait3A_206 : memref<10240x128xf32, #tpu.memory_space<vmem_shared>>)
        tpu.yield
      }) : () -> ()
    }
    %scan3A_79 = arith.constant 19 : i32
    %dma_wait3A_80 = arith.constant 0 : i32
    %dma_wait3A_81 = arith.constant 0 : i32
    %dma_wait3A_82 = tpu.memref_slice %arg5[%dma_wait3A_80, %dma_wait3A_81] : memref<40x128xi32, #tpu.memory_space<vmem>> -> memref<1x128xi32, #tpu.memory_space<vmem>>
    %dma_wait3A_83 = tpu.memref_squeeze %dma_wait3A_82 : memref<1x128xi32, #tpu.memory_space<vmem>> -> memref<128xi32, #tpu.memory_space<vmem>>
    %dma_wait3A_84 = arith.constant 0 : i32
    %dma_wait3A_85 = arith.constant 0 : i32
    %dma_wait3A_86 = tpu.memref_slice %arg2[%dma_wait3A_84, %dma_wait3A_85] : memref<10000x128xf32, #tpu.memory_space<hbm>> -> memref<10000x128xf32, #tpu.memory_space<hbm>>
    tpu.wait_indirect_dma semaphore(%arg9 : memref<!tpu.dma_semaphore, #tpu.memory_space<semaphore_mem>>) src(%dma_wait3A_86 : memref<10000x128xf32, #tpu.memory_space<hbm>>) dst(%arg7 : memref<128x128xf32, #tpu.memory_space<vmem>>)
    %dma_start3A_87 = arith.constant 39 : i32
    %dma_start3A_88 = arith.constant 0 : i32
    %dma_start3A_89 = tpu.memref_slice %arg5[%dma_start3A_87, %dma_start3A_88] : memref<40x128xi32, #tpu.memory_space<vmem>> -> memref<1x128xi32, #tpu.memory_space<vmem>>
    %dma_start3A_90 = tpu.memref_squeeze %dma_start3A_89 : memref<1x128xi32, #tpu.memory_space<vmem>> -> memref<128xi32, #tpu.memory_space<vmem>>
    %dma_start3A_91 = arith.constant 0 : i32
    %dma_start3A_92 = arith.constant 0 : i32
    %dma_start3A_93 = tpu.memref_slice %arg2[%dma_start3A_91, %dma_start3A_92] : memref<10000x128xf32, #tpu.memory_space<hbm>> -> memref<10000x128xf32, #tpu.memory_space<hbm>>
    tpu.enqueue_indirect_dma source(%dma_start3A_93 : memref<10000x128xf32, #tpu.memory_space<hbm>>) target(%arg8 : memref<128x128xf32, #tpu.memory_space<vmem>>) offsets(%dma_start3A_90 : memref<128xi32, #tpu.memory_space<vmem>>) semaphore(%arg10 : memref<!tpu.dma_semaphore, #tpu.memory_space<semaphore_mem>>)
    %run_scoped3A_94 = arith.constant 38 : i32
    "tpu.region"() ({
      %run_scoped3A_157 = tpu.sem_alloc : memref<!tpu.dma_semaphore, #tpu.memory_space<semaphore_mem>>
      %dma_start3A_158 = arith.constant 0 : i32
      %dma_start3A_159 = tpu.memref_slice %arg6[%run_scoped3A_94, %dma_start3A_158] : memref<40x128xi32, #tpu.memory_space<vmem>> -> memref<1x128xi32, #tpu.memory_space<vmem>>
      %dma_start3A_160 = tpu.memref_squeeze %dma_start3A_159 : memref<1x128xi32, #tpu.memory_space<vmem>> -> memref<128xi32, #tpu.memory_space<vmem>>
      %dma_start3A_161 = arith.constant 0 : i32
      %dma_start3A_162 = arith.constant 0 : i32
      %dma_start3A_163 = tpu.memref_slice %arg11[%dma_start3A_161, %dma_start3A_162] : memref<10240x128xf32, #tpu.memory_space<vmem_shared>> -> memref<10240x128xf32, #tpu.memory_space<vmem_shared>>
      tpu.enqueue_indirect_dma source(%arg7 : memref<128x128xf32, #tpu.memory_space<vmem>>) target(%dma_start3A_163 : memref<10240x128xf32, #tpu.memory_space<vmem_shared>>) offsets(%dma_start3A_160 : memref<128xi32, #tpu.memory_space<vmem>>) semaphore(%run_scoped3A_157 : memref<!tpu.dma_semaphore, #tpu.memory_space<semaphore_mem>>) {add = true}
      %dma_wait3A_164 = arith.constant 0 : i32
      %dma_wait3A_165 = tpu.memref_slice %arg6[%run_scoped3A_94, %dma_wait3A_164] : memref<40x128xi32, #tpu.memory_space<vmem>> -> memref<1x128xi32, #tpu.memory_space<vmem>>
      %dma_wait3A_166 = tpu.memref_squeeze %dma_wait3A_165 : memref<1x128xi32, #tpu.memory_space<vmem>> -> memref<128xi32, #tpu.memory_space<vmem>>
      %dma_wait3A_167 = arith.constant 0 : i32
      %dma_wait3A_168 = arith.constant 0 : i32
      %dma_wait3A_169 = tpu.memref_slice %arg11[%dma_wait3A_167, %dma_wait3A_168] : memref<10240x128xf32, #tpu.memory_space<vmem_shared>> -> memref<10240x128xf32, #tpu.memory_space<vmem_shared>>
      tpu.wait_indirect_dma semaphore(%run_scoped3A_157 : memref<!tpu.dma_semaphore, #tpu.memory_space<semaphore_mem>>) src(%arg7 : memref<128x128xf32, #tpu.memory_space<vmem>>) dst(%dma_wait3A_169 : memref<10240x128xf32, #tpu.memory_space<vmem_shared>>)
      tpu.yield
    }) : () -> ()
    %dma_wait3A_95 = arith.constant 0 : i32
    %dma_wait3A_96 = arith.constant 0 : i32
    %dma_wait3A_97 = tpu.memref_slice %arg5[%dma_wait3A_95, %dma_wait3A_96] : memref<40x128xi32, #tpu.memory_space<vmem>> -> memref<1x128xi32, #tpu.memory_space<vmem>>
    %dma_wait3A_98 = tpu.memref_squeeze %dma_wait3A_97 : memref<1x128xi32, #tpu.memory_space<vmem>> -> memref<128xi32, #tpu.memory_space<vmem>>
    %dma_wait3A_99 = arith.constant 0 : i32
    %dma_wait3A_100 = arith.constant 0 : i32
    %dma_wait3A_101 = tpu.memref_slice %arg2[%dma_wait3A_99, %dma_wait3A_100] : memref<10000x128xf32, #tpu.memory_space<hbm>> -> memref<10000x128xf32, #tpu.memory_space<hbm>>
    tpu.wait_indirect_dma semaphore(%arg10 : memref<!tpu.dma_semaphore, #tpu.memory_space<semaphore_mem>>) src(%dma_wait3A_101 : memref<10000x128xf32, #tpu.memory_space<hbm>>) dst(%arg8 : memref<128x128xf32, #tpu.memory_space<vmem>>)
    %run_scoped3A_102 = arith.constant 39 : i32
    "tpu.region"() ({
      %run_scoped3A_157 = tpu.sem_alloc : memref<!tpu.dma_semaphore, #tpu.memory_space<semaphore_mem>>
      %dma_start3A_158 = arith.constant 0 : i32
      %dma_start3A_159 = tpu.memref_slice %arg6[%run_scoped3A_102, %dma_start3A_158] : memref<40x128xi32, #tpu.memory_space<vmem>> -> memref<1x128xi32, #tpu.memory_space<vmem>>
      %dma_start3A_160 = tpu.memref_squeeze %dma_start3A_159 : memref<1x128xi32, #tpu.memory_space<vmem>> -> memref<128xi32, #tpu.memory_space<vmem>>
      %dma_start3A_161 = arith.constant 0 : i32
      %dma_start3A_162 = arith.constant 0 : i32
      %dma_start3A_163 = tpu.memref_slice %arg11[%dma_start3A_161, %dma_start3A_162] : memref<10240x128xf32, #tpu.memory_space<vmem_shared>> -> memref<10240x128xf32, #tpu.memory_space<vmem_shared>>
      tpu.enqueue_indirect_dma source(%arg8 : memref<128x128xf32, #tpu.memory_space<vmem>>) target(%dma_start3A_163 : memref<10240x128xf32, #tpu.memory_space<vmem_shared>>) offsets(%dma_start3A_160 : memref<128xi32, #tpu.memory_space<vmem>>) semaphore(%run_scoped3A_157 : memref<!tpu.dma_semaphore, #tpu.memory_space<semaphore_mem>>) {add = true}
      %dma_wait3A_164 = arith.constant 0 : i32
      %dma_wait3A_165 = tpu.memref_slice %arg6[%run_scoped3A_102, %dma_wait3A_164] : memref<40x128xi32, #tpu.memory_space<vmem>> -> memref<1x128xi32, #tpu.memory_space<vmem>>
      %dma_wait3A_166 = tpu.memref_squeeze %dma_wait3A_165 : memref<1x128xi32, #tpu.memory_space<vmem>> -> memref<128xi32, #tpu.memory_space<vmem>>
      %dma_wait3A_167 = arith.constant 0 : i32
      %dma_wait3A_168 = arith.constant 0 : i32
      %dma_wait3A_169 = tpu.memref_slice %arg11[%dma_wait3A_167, %dma_wait3A_168] : memref<10240x128xf32, #tpu.memory_space<vmem_shared>> -> memref<10240x128xf32, #tpu.memory_space<vmem_shared>>
      tpu.wait_indirect_dma semaphore(%run_scoped3A_157 : memref<!tpu.dma_semaphore, #tpu.memory_space<semaphore_mem>>) src(%arg8 : memref<128x128xf32, #tpu.memory_space<vmem>>) dst(%dma_wait3A_169 : memref<10240x128xf32, #tpu.memory_space<vmem_shared>>)
      tpu.yield
    }) : () -> ()
    %mul3A_103 = arith.constant 2 : i32
    %mul3A_104 = arith.muli %add3A, %mul3A_103 : i32
    %add3A_105 = arith.constant 1 : i32
    %add3A_106 = arith.addi %mul3A_104, %add3A_105 : i32
    %mul3A_107 = arith.constant 40 : i32
    %mul3A_108 = arith.muli %add3A_106, %mul3A_107 : i32
    %run_scoped3A_109 = arith.constant 0 : i32
    "tpu.region"() ({
      %run_scoped3A_157 = tpu.sem_alloc : memref<!tpu.dma_semaphore, #tpu.memory_space<semaphore_mem>>
      %dma_start3A_158 = arith.constant 0 : i32
      %dma_start3A_159 = tpu.memref_slice %arg3[%run_scoped3A_109, %mul3A_108, %dma_start3A_158] : memref<2x2560x128xi32, #tpu.memory_space<hbm>> -> memref<1x40x128xi32, #tpu.memory_space<hbm>>
      %dma_start3A_160 = tpu.memref_squeeze %dma_start3A_159 : memref<1x40x128xi32, #tpu.memory_space<hbm>> -> memref<40x128xi32, #tpu.memory_space<hbm>>
      %dma_start3A_161 = arith.constant 0 : i32
      %dma_start3A_162 = tpu.memref_slice %arg3[%run_scoped3A_109, %mul3A_108, %dma_start3A_161] : memref<2x2560x128xi32, #tpu.memory_space<hbm>> -> memref<1x40x128xi32, #tpu.memory_space<hbm>>
      %dma_start3A_163 = tpu.memref_squeeze %dma_start3A_162 : memref<1x40x128xi32, #tpu.memory_space<hbm>> -> memref<40x128xi32, #tpu.memory_space<hbm>>
      tpu.enqueue_dma source(%dma_start3A_163 : memref<40x128xi32, #tpu.memory_space<hbm>>) target(%arg5 : memref<40x128xi32, #tpu.memory_space<vmem>>) target_semaphore(%run_scoped3A_157 : memref<!tpu.dma_semaphore, #tpu.memory_space<semaphore_mem>>)
      %dma_wait3A_164 = arith.constant 0 : i32
      %dma_wait3A_165 = tpu.memref_slice %arg3[%run_scoped3A_109, %mul3A_108, %dma_wait3A_164] : memref<2x2560x128xi32, #tpu.memory_space<hbm>> -> memref<1x40x128xi32, #tpu.memory_space<hbm>>
      %dma_wait3A_166 = tpu.memref_squeeze %dma_wait3A_165 : memref<1x40x128xi32, #tpu.memory_space<hbm>> -> memref<40x128xi32, #tpu.memory_space<hbm>>
      %dma_wait3A_167 = arith.constant 0 : i32
      %dma_wait3A_168 = tpu.memref_slice %arg3[%run_scoped3A_109, %mul3A_108, %dma_wait3A_167] : memref<2x2560x128xi32, #tpu.memory_space<hbm>> -> memref<1x40x128xi32, #tpu.memory_space<hbm>>
      %dma_wait3A_169 = tpu.memref_squeeze %dma_wait3A_168 : memref<1x40x128xi32, #tpu.memory_space<hbm>> -> memref<40x128xi32, #tpu.memory_space<hbm>>
      tpu.wait_dma2 semaphore(%run_scoped3A_157 : memref<!tpu.dma_semaphore, #tpu.memory_space<semaphore_mem>>) src(%dma_wait3A_169 : memref<40x128xi32, #tpu.memory_space<hbm>>) dst(%arg5 : memref<40x128xi32, #tpu.memory_space<vmem>>)
      tpu.yield
    }) : () -> ()
    %mul3A_110 = arith.constant 2 : i32
    %mul3A_111 = arith.muli %add3A, %mul3A_110 : i32
    %add3A_112 = arith.constant 1 : i32
    %add3A_113 = arith.addi %mul3A_111, %add3A_112 : i32
    %mul3A_114 = arith.constant 40 : i32
    %mul3A_115 = arith.muli %add3A_113, %mul3A_114 : i32
    %run_scoped3A_116 = arith.constant 1 : i32
    "tpu.region"() ({
      %run_scoped3A_157 = tpu.sem_alloc : memref<!tpu.dma_semaphore, #tpu.memory_space<semaphore_mem>>
      %dma_start3A_158 = arith.constant 0 : i32
      %dma_start3A_159 = tpu.memref_slice %arg3[%run_scoped3A_116, %mul3A_115, %dma_start3A_158] : memref<2x2560x128xi32, #tpu.memory_space<hbm>> -> memref<1x40x128xi32, #tpu.memory_space<hbm>>
      %dma_start3A_160 = tpu.memref_squeeze %dma_start3A_159 : memref<1x40x128xi32, #tpu.memory_space<hbm>> -> memref<40x128xi32, #tpu.memory_space<hbm>>
      %dma_start3A_161 = arith.constant 0 : i32
      %dma_start3A_162 = tpu.memref_slice %arg3[%run_scoped3A_116, %mul3A_115, %dma_start3A_161] : memref<2x2560x128xi32, #tpu.memory_space<hbm>> -> memref<1x40x128xi32, #tpu.memory_space<hbm>>
      %dma_start3A_163 = tpu.memref_squeeze %dma_start3A_162 : memref<1x40x128xi32, #tpu.memory_space<hbm>> -> memref<40x128xi32, #tpu.memory_space<hbm>>
      tpu.enqueue_dma source(%dma_start3A_163 : memref<40x128xi32, #tpu.memory_space<hbm>>) target(%arg6 : memref<40x128xi32, #tpu.memory_space<vmem>>) target_semaphore(%run_scoped3A_157 : memref<!tpu.dma_semaphore, #tpu.memory_space<semaphore_mem>>)
      %dma_wait3A_164 = arith.constant 0 : i32
      %dma_wait3A_165 = tpu.memref_slice %arg3[%run_scoped3A_116, %mul3A_115, %dma_wait3A_164] : memref<2x2560x128xi32, #tpu.memory_space<hbm>> -> memref<1x40x128xi32, #tpu.memory_space<hbm>>
      %dma_wait3A_166 = tpu.memref_squeeze %dma_wait3A_165 : memref<1x40x128xi32, #tpu.memory_space<hbm>> -> memref<40x128xi32, #tpu.memory_space<hbm>>
      %dma_wait3A_167 = arith.constant 0 : i32
      %dma_wait3A_168 = tpu.memref_slice %arg3[%run_scoped3A_116, %mul3A_115, %dma_wait3A_167] : memref<2x2560x128xi32, #tpu.memory_space<hbm>> -> memref<1x40x128xi32, #tpu.memory_space<hbm>>
      %dma_wait3A_169 = tpu.memref_squeeze %dma_wait3A_168 : memref<1x40x128xi32, #tpu.memory_space<hbm>> -> memref<40x128xi32, #tpu.memory_space<hbm>>
      tpu.wait_dma2 semaphore(%run_scoped3A_157 : memref<!tpu.dma_semaphore, #tpu.memory_space<semaphore_mem>>) src(%dma_wait3A_169 : memref<40x128xi32, #tpu.memory_space<hbm>>) dst(%arg6 : memref<40x128xi32, #tpu.memory_space<vmem>>)
      tpu.yield
    }) : () -> ()
    %dma_start3A_117 = arith.constant 0 : i32
    %dma_start3A_118 = arith.constant 0 : i32
    %dma_start3A_119 = tpu.memref_slice %arg5[%dma_start3A_117, %dma_start3A_118] : memref<40x128xi32, #tpu.memory_space<vmem>> -> memref<1x128xi32, #tpu.memory_space<vmem>>
    %dma_start3A_120 = tpu.memref_squeeze %dma_start3A_119 : memref<1x128xi32, #tpu.memory_space<vmem>> -> memref<128xi32, #tpu.memory_space<vmem>>
    %dma_start3A_121 = arith.constant 0 : i32
    %dma_start3A_122 = arith.constant 0 : i32
    %dma_start3A_123 = tpu.memref_slice %arg2[%dma_start3A_121, %dma_start3A_122] : memref<10000x128xf32, #tpu.memory_space<hbm>> -> memref<10000x128xf32, #tpu.memory_space<hbm>>
    tpu.enqueue_indirect_dma source(%dma_start3A_123 : memref<10000x128xf32, #tpu.memory_space<hbm>>) target(%arg7 : memref<128x128xf32, #tpu.memory_space<vmem>>) offsets(%dma_start3A_120 : memref<128xi32, #tpu.memory_space<vmem>>) semaphore(%arg9 : memref<!tpu.dma_semaphore, #tpu.memory_space<semaphore_mem>>)
    %scan3A_124 = arith.constant 0 : i32
    %scan3A_125 = arith.constant 19 : i32
    %scan3A_126 = arith.addi %scan3A_124, %scan3A_125 : i32
    %scan3A_127 = arith.constant 1 : i32
    scf.for %scan3A_157 = %scan3A_124 to %scan3A_126 step %scan3A_127  : i32 {
      %mul3A_158 = arith.constant 2 : i32
      %mul3A_159 = arith.muli %scan3A_157, %mul3A_158 : i32
      %add3A_160 = arith.constant 0 : i32
      %add3A_161 = arith.addi %add3A_160, %mul3A_159 : i32
      %dma_wait3A_162 = arith.constant 0 : i32
      %dma_wait3A_163 = arith.constant 0 : i32
      %dma_wait3A_164 = tpu.memref_slice %arg5[%dma_wait3A_162, %dma_wait3A_163] : memref<40x128xi32, #tpu.memory_space<vmem>> -> memref<1x128xi32, #tpu.memory_space<vmem>>
      %dma_wait3A_165 = tpu.memref_squeeze %dma_wait3A_164 : memref<1x128xi32, #tpu.memory_space<vmem>> -> memref<128xi32, #tpu.memory_space<vmem>>
      %dma_wait3A_166 = arith.constant 0 : i32
      %dma_wait3A_167 = arith.constant 0 : i32
      %dma_wait3A_168 = tpu.memref_slice %arg2[%dma_wait3A_166, %dma_wait3A_167] : memref<10000x128xf32, #tpu.memory_space<hbm>> -> memref<10000x128xf32, #tpu.memory_space<hbm>>
      tpu.wait_indirect_dma semaphore(%arg9 : memref<!tpu.dma_semaphore, #tpu.memory_space<semaphore_mem>>) src(%dma_wait3A_168 : memref<10000x128xf32, #tpu.memory_space<hbm>>) dst(%arg7 : memref<128x128xf32, #tpu.memory_space<vmem>>)
      %add3A_169 = arith.constant 1 : i32
      %add3A_170 = arith.addi %add3A_161, %add3A_169 : i32
      %dma_start3A_171 = arith.constant 0 : i32
      %dma_start3A_172 = tpu.memref_slice %arg5[%add3A_170, %dma_start3A_171] : memref<40x128xi32, #tpu.memory_space<vmem>> -> memref<1x128xi32, #tpu.memory_space<vmem>>
      %dma_start3A_173 = tpu.memref_squeeze %dma_start3A_172 : memref<1x128xi32, #tpu.memory_space<vmem>> -> memref<128xi32, #tpu.memory_space<vmem>>
      %dma_start3A_174 = arith.constant 0 : i32
      %dma_start3A_175 = arith.constant 0 : i32
      %dma_start3A_176 = tpu.memref_slice %arg2[%dma_start3A_174, %dma_start3A_175] : memref<10000x128xf32, #tpu.memory_space<hbm>> -> memref<10000x128xf32, #tpu.memory_space<hbm>>
      tpu.enqueue_indirect_dma source(%dma_start3A_176 : memref<10000x128xf32, #tpu.memory_space<hbm>>) target(%arg8 : memref<128x128xf32, #tpu.memory_space<vmem>>) offsets(%dma_start3A_173 : memref<128xi32, #tpu.memory_space<vmem>>) semaphore(%arg10 : memref<!tpu.dma_semaphore, #tpu.memory_space<semaphore_mem>>)
      "tpu.region"() ({
        %run_scoped3A_194 = tpu.sem_alloc : memref<!tpu.dma_semaphore, #tpu.memory_space<semaphore_mem>>
        %dma_start3A_195 = arith.constant 0 : i32
        %dma_start3A_196 = tpu.memref_slice %arg6[%add3A_161, %dma_start3A_195] : memref<40x128xi32, #tpu.memory_space<vmem>> -> memref<1x128xi32, #tpu.memory_space<vmem>>
        %dma_start3A_197 = tpu.memref_squeeze %dma_start3A_196 : memref<1x128xi32, #tpu.memory_space<vmem>> -> memref<128xi32, #tpu.memory_space<vmem>>
        %dma_start3A_198 = arith.constant 0 : i32
        %dma_start3A_199 = arith.constant 0 : i32
        %dma_start3A_200 = tpu.memref_slice %arg11[%dma_start3A_198, %dma_start3A_199] : memref<10240x128xf32, #tpu.memory_space<vmem_shared>> -> memref<10240x128xf32, #tpu.memory_space<vmem_shared>>
        tpu.enqueue_indirect_dma source(%arg7 : memref<128x128xf32, #tpu.memory_space<vmem>>) target(%dma_start3A_200 : memref<10240x128xf32, #tpu.memory_space<vmem_shared>>) offsets(%dma_start3A_197 : memref<128xi32, #tpu.memory_space<vmem>>) semaphore(%run_scoped3A_194 : memref<!tpu.dma_semaphore, #tpu.memory_space<semaphore_mem>>) {add = true}
        %dma_wait3A_201 = arith.constant 0 : i32
        %dma_wait3A_202 = tpu.memref_slice %arg6[%add3A_161, %dma_wait3A_201] : memref<40x128xi32, #tpu.memory_space<vmem>> -> memref<1x128xi32, #tpu.memory_space<vmem>>
        %dma_wait3A_203 = tpu.memref_squeeze %dma_wait3A_202 : memref<1x128xi32, #tpu.memory_space<vmem>> -> memref<128xi32, #tpu.memory_space<vmem>>
        %dma_wait3A_204 = arith.constant 0 : i32
        %dma_wait3A_205 = arith.constant 0 : i32
        %dma_wait3A_206 = tpu.memref_slice %arg11[%dma_wait3A_204, %dma_wait3A_205] : memref<10240x128xf32, #tpu.memory_space<vmem_shared>> -> memref<10240x128xf32, #tpu.memory_space<vmem_shared>>
        tpu.wait_indirect_dma semaphore(%run_scoped3A_194 : memref<!tpu.dma_semaphore, #tpu.memory_space<semaphore_mem>>) src(%arg7 : memref<128x128xf32, #tpu.memory_space<vmem>>) dst(%dma_wait3A_206 : memref<10240x128xf32, #tpu.memory_space<vmem_shared>>)
        tpu.yield
      }) : () -> ()
      %dma_wait3A_177 = arith.constant 0 : i32
      %dma_wait3A_178 = arith.constant 0 : i32
      %dma_wait3A_179 = tpu.memref_slice %arg5[%dma_wait3A_177, %dma_wait3A_178] : memref<40x128xi32, #tpu.memory_space<vmem>> -> memref<1x128xi32, #tpu.memory_space<vmem>>
      %dma_wait3A_180 = tpu.memref_squeeze %dma_wait3A_179 : memref<1x128xi32, #tpu.memory_space<vmem>> -> memref<128xi32, #tpu.memory_space<vmem>>
      %dma_wait3A_181 = arith.constant 0 : i32
      %dma_wait3A_182 = arith.constant 0 : i32
      %dma_wait3A_183 = tpu.memref_slice %arg2[%dma_wait3A_181, %dma_wait3A_182] : memref<10000x128xf32, #tpu.memory_space<hbm>> -> memref<10000x128xf32, #tpu.memory_space<hbm>>
      tpu.wait_indirect_dma semaphore(%arg10 : memref<!tpu.dma_semaphore, #tpu.memory_space<semaphore_mem>>) src(%dma_wait3A_183 : memref<10000x128xf32, #tpu.memory_space<hbm>>) dst(%arg8 : memref<128x128xf32, #tpu.memory_space<vmem>>)
      %add3A_184 = arith.constant 2 : i32
      %add3A_185 = arith.addi %add3A_161, %add3A_184 : i32
      %dma_start3A_186 = arith.constant 0 : i32
      %dma_start3A_187 = tpu.memref_slice %arg5[%add3A_185, %dma_start3A_186] : memref<40x128xi32, #tpu.memory_space<vmem>> -> memref<1x128xi32, #tpu.memory_space<vmem>>
      %dma_start3A_188 = tpu.memref_squeeze %dma_start3A_187 : memref<1x128xi32, #tpu.memory_space<vmem>> -> memref<128xi32, #tpu.memory_space<vmem>>
      %dma_start3A_189 = arith.constant 0 : i32
      %dma_start3A_190 = arith.constant 0 : i32
      %dma_start3A_191 = tpu.memref_slice %arg2[%dma_start3A_189, %dma_start3A_190] : memref<10000x128xf32, #tpu.memory_space<hbm>> -> memref<10000x128xf32, #tpu.memory_space<hbm>>
      tpu.enqueue_indirect_dma source(%dma_start3A_191 : memref<10000x128xf32, #tpu.memory_space<hbm>>) target(%arg7 : memref<128x128xf32, #tpu.memory_space<vmem>>) offsets(%dma_start3A_188 : memref<128xi32, #tpu.memory_space<vmem>>) semaphore(%arg9 : memref<!tpu.dma_semaphore, #tpu.memory_space<semaphore_mem>>)
      %add3A_192 = arith.constant 1 : i32
      %add3A_193 = arith.addi %add3A_161, %add3A_192 : i32
      "tpu.region"() ({
        %run_scoped3A_194 = tpu.sem_alloc : memref<!tpu.dma_semaphore, #tpu.memory_space<semaphore_mem>>
        %dma_start3A_195 = arith.constant 0 : i32
        %dma_start3A_196 = tpu.memref_slice %arg6[%add3A_193, %dma_start3A_195] : memref<40x128xi32, #tpu.memory_space<vmem>> -> memref<1x128xi32, #tpu.memory_space<vmem>>
        %dma_start3A_197 = tpu.memref_squeeze %dma_start3A_196 : memref<1x128xi32, #tpu.memory_space<vmem>> -> memref<128xi32, #tpu.memory_space<vmem>>
        %dma_start3A_198 = arith.constant 0 : i32
        %dma_start3A_199 = arith.constant 0 : i32
        %dma_start3A_200 = tpu.memref_slice %arg11[%dma_start3A_198, %dma_start3A_199] : memref<10240x128xf32, #tpu.memory_space<vmem_shared>> -> memref<10240x128xf32, #tpu.memory_space<vmem_shared>>
        tpu.enqueue_indirect_dma source(%arg8 : memref<128x128xf32, #tpu.memory_space<vmem>>) target(%dma_start3A_200 : memref<10240x128xf32, #tpu.memory_space<vmem_shared>>) offsets(%dma_start3A_197 : memref<128xi32, #tpu.memory_space<vmem>>) semaphore(%run_scoped3A_194 : memref<!tpu.dma_semaphore, #tpu.memory_space<semaphore_mem>>) {add = true}
        %dma_wait3A_201 = arith.constant 0 : i32
        %dma_wait3A_202 = tpu.memref_slice %arg6[%add3A_193, %dma_wait3A_201] : memref<40x128xi32, #tpu.memory_space<vmem>> -> memref<1x128xi32, #tpu.memory_space<vmem>>
        %dma_wait3A_203 = tpu.memref_squeeze %dma_wait3A_202 : memref<1x128xi32, #tpu.memory_space<vmem>> -> memref<128xi32, #tpu.memory_space<vmem>>
        %dma_wait3A_204 = arith.constant 0 : i32
        %dma_wait3A_205 = arith.constant 0 : i32
        %dma_wait3A_206 = tpu.memref_slice %arg11[%dma_wait3A_204, %dma_wait3A_205] : memref<10240x128xf32, #tpu.memory_space<vmem_shared>> -> memref<10240x128xf32, #tpu.memory_space<vmem_shared>>
        tpu.wait_indirect_dma semaphore(%run_scoped3A_194 : memref<!tpu.dma_semaphore, #tpu.memory_space<semaphore_mem>>) src(%arg8 : memref<128x128xf32, #tpu.memory_space<vmem>>) dst(%dma_wait3A_206 : memref<10240x128xf32, #tpu.memory_space<vmem_shared>>)
        tpu.yield
      }) : () -> ()
    }
    %scan3A_128 = arith.constant 19 : i32
    %dma_wait3A_129 = arith.constant 0 : i32
    %dma_wait3A_130 = arith.constant 0 : i32
    %dma_wait3A_131 = tpu.memref_slice %arg5[%dma_wait3A_129, %dma_wait3A_130] : memref<40x128xi32, #tpu.memory_space<vmem>> -> memref<1x128xi32, #tpu.memory_space<vmem>>
    %dma_wait3A_132 = tpu.memref_squeeze %dma_wait3A_131 : memref<1x128xi32, #tpu.memory_space<vmem>> -> memref<128xi32, #tpu.memory_space<vmem>>
    %dma_wait3A_133 = arith.constant 0 : i32
    %dma_wait3A_134 = arith.constant 0 : i32
    %dma_wait3A_135 = tpu.memref_slice %arg2[%dma_wait3A_133, %dma_wait3A_134] : memref<10000x128xf32, #tpu.memory_space<hbm>> -> memref<10000x128xf32, #tpu.memory_space<hbm>>
    tpu.wait_indirect_dma semaphore(%arg9 : memref<!tpu.dma_semaphore, #tpu.memory_space<semaphore_mem>>) src(%dma_wait3A_135 : memref<10000x128xf32, #tpu.memory_space<hbm>>) dst(%arg7 : memref<128x128xf32, #tpu.memory_space<vmem>>)
    %dma_start3A_136 = arith.constant 39 : i32
    %dma_start3A_137 = arith.constant 0 : i32
    %dma_start3A_138 = tpu.memref_slice %arg5[%dma_start3A_136, %dma_start3A_137] : memref<40x128xi32, #tpu.memory_space<vmem>> -> memref<1x128xi32, #tpu.memory_space<vmem>>
    %dma_start3A_139 = tpu.memref_squeeze %dma_start3A_138 : memref<1x128xi32, #tpu.memory_space<vmem>> -> memref<128xi32, #tpu.memory_space<vmem>>
    %dma_start3A_140 = arith.constant 0 : i32
    %dma_start3A_141 = arith.constant 0 : i32
    %dma_start3A_142 = tpu.memref_slice %arg2[%dma_start3A_140, %dma_start3A_141] : memref<10000x128xf32, #tpu.memory_space<hbm>> -> memref<10000x128xf32, #tpu.memory_space<hbm>>
    tpu.enqueue_indirect_dma source(%dma_start3A_142 : memref<10000x128xf32, #tpu.memory_space<hbm>>) target(%arg8 : memref<128x128xf32, #tpu.memory_space<vmem>>) offsets(%dma_start3A_139 : memref<128xi32, #tpu.memory_space<vmem>>) semaphore(%arg10 : memref<!tpu.dma_semaphore, #tpu.memory_space<semaphore_mem>>)
    %run_scoped3A_143 = arith.constant 38 : i32
    "tpu.region"() ({
      %run_scoped3A_157 = tpu.sem_alloc : memref<!tpu.dma_semaphore, #tpu.memory_space<semaphore_mem>>
      %dma_start3A_158 = arith.constant 0 : i32
      %dma_start3A_159 = tpu.memref_slice %arg6[%run_scoped3A_143, %dma_start3A_158] : memref<40x128xi32, #tpu.memory_space<vmem>> -> memref<1x128xi32, #tpu.memory_space<vmem>>
      %dma_start3A_160 = tpu.memref_squeeze %dma_start3A_159 : memref<1x128xi32, #tpu.memory_space<vmem>> -> memref<128xi32, #tpu.memory_space<vmem>>
      %dma_start3A_161 = arith.constant 0 : i32
      %dma_start3A_162 = arith.constant 0 : i32
      %dma_start3A_163 = tpu.memref_slice %arg11[%dma_start3A_161, %dma_start3A_162] : memref<10240x128xf32, #tpu.memory_space<vmem_shared>> -> memref<10240x128xf32, #tpu.memory_space<vmem_shared>>
      tpu.enqueue_indirect_dma source(%arg7 : memref<128x128xf32, #tpu.memory_space<vmem>>) target(%dma_start3A_163 : memref<10240x128xf32, #tpu.memory_space<vmem_shared>>) offsets(%dma_start3A_160 : memref<128xi32, #tpu.memory_space<vmem>>) semaphore(%run_scoped3A_157 : memref<!tpu.dma_semaphore, #tpu.memory_space<semaphore_mem>>) {add = true}
      %dma_wait3A_164 = arith.constant 0 : i32
      %dma_wait3A_165 = tpu.memref_slice %arg6[%run_scoped3A_143, %dma_wait3A_164] : memref<40x128xi32, #tpu.memory_space<vmem>> -> memref<1x128xi32, #tpu.memory_space<vmem>>
      %dma_wait3A_166 = tpu.memref_squeeze %dma_wait3A_165 : memref<1x128xi32, #tpu.memory_space<vmem>> -> memref<128xi32, #tpu.memory_space<vmem>>
      %dma_wait3A_167 = arith.constant 0 : i32
      %dma_wait3A_168 = arith.constant 0 : i32
      %dma_wait3A_169 = tpu.memref_slice %arg11[%dma_wait3A_167, %dma_wait3A_168] : memref<10240x128xf32, #tpu.memory_space<vmem_shared>> -> memref<10240x128xf32, #tpu.memory_space<vmem_shared>>
      tpu.wait_indirect_dma semaphore(%run_scoped3A_157 : memref<!tpu.dma_semaphore, #tpu.memory_space<semaphore_mem>>) src(%arg7 : memref<128x128xf32, #tpu.memory_space<vmem>>) dst(%dma_wait3A_169 : memref<10240x128xf32, #tpu.memory_space<vmem_shared>>)
      tpu.yield
    }) : () -> ()
    %dma_wait3A_144 = arith.constant 0 : i32
    %dma_wait3A_145 = arith.constant 0 : i32
    %dma_wait3A_146 = tpu.memref_slice %arg5[%dma_wait3A_144, %dma_wait3A_145] : memref<40x128xi32, #tpu.memory_space<vmem>> -> memref<1x128xi32, #tpu.memory_space<vmem>>
    %dma_wait3A_147 = tpu.memref_squeeze %dma_wait3A_146 : memref<1x128xi32, #tpu.memory_space<vmem>> -> memref<128xi32, #tpu.memory_space<vmem>>
    %dma_wait3A_148 = arith.constant 0 : i32
    %dma_wait3A_149 = arith.constant 0 : i32
    %dma_wait3A_150 = tpu.memref_slice %arg2[%dma_wait3A_148, %dma_wait3A_149] : memref<10000x128xf32, #tpu.memory_space<hbm>> -> memref<10000x128xf32, #tpu.memory_space<hbm>>
    tpu.wait_indirect_dma semaphore(%arg10 : memref<!tpu.dma_semaphore, #tpu.memory_space<semaphore_mem>>) src(%dma_wait3A_150 : memref<10000x128xf32, #tpu.memory_space<hbm>>) dst(%arg8 : memref<128x128xf32, #tpu.memory_space<vmem>>)
    %run_scoped3A_151 = arith.constant 39 : i32
    "tpu.region"() ({
      %run_scoped3A_157 = tpu.sem_alloc : memref<!tpu.dma_semaphore, #tpu.memory_space<semaphore_mem>>
      %dma_start3A_158 = arith.constant 0 : i32
      %dma_start3A_159 = tpu.memref_slice %arg6[%run_scoped3A_151, %dma_start3A_158] : memref<40x128xi32, #tpu.memory_space<vmem>> -> memref<1x128xi32, #tpu.memory_space<vmem>>
      %dma_start3A_160 = tpu.memref_squeeze %dma_start3A_159 : memref<1x128xi32, #tpu.memory_space<vmem>> -> memref<128xi32, #tpu.memory_space<vmem>>
      %dma_start3A_161 = arith.constant 0 : i32
      %dma_start3A_162 = arith.constant 0 : i32
      %dma_start3A_163 = tpu.memref_slice %arg11[%dma_start3A_161, %dma_start3A_162] : memref<10240x128xf32, #tpu.memory_space<vmem_shared>> -> memref<10240x128xf32, #tpu.memory_space<vmem_shared>>
      tpu.enqueue_indirect_dma source(%arg8 : memref<128x128xf32, #tpu.memory_space<vmem>>) target(%dma_start3A_163 : memref<10240x128xf32, #tpu.memory_space<vmem_shared>>) offsets(%dma_start3A_160 : memref<128xi32, #tpu.memory_space<vmem>>) semaphore(%run_scoped3A_157 : memref<!tpu.dma_semaphore, #tpu.memory_space<semaphore_mem>>) {add = true}
      %dma_wait3A_164 = arith.constant 0 : i32
      %dma_wait3A_165 = tpu.memref_slice %arg6[%run_scoped3A_151, %dma_wait3A_164] : memref<40x128xi32, #tpu.memory_space<vmem>> -> memref<1x128xi32, #tpu.memory_space<vmem>>
      %dma_wait3A_166 = tpu.memref_squeeze %dma_wait3A_165 : memref<1x128xi32, #tpu.memory_space<vmem>> -> memref<128xi32, #tpu.memory_space<vmem>>
      %dma_wait3A_167 = arith.constant 0 : i32
      %dma_wait3A_168 = arith.constant 0 : i32
      %dma_wait3A_169 = tpu.memref_slice %arg11[%dma_wait3A_167, %dma_wait3A_168] : memref<10240x128xf32, #tpu.memory_space<vmem_shared>> -> memref<10240x128xf32, #tpu.memory_space<vmem_shared>>
      tpu.wait_indirect_dma semaphore(%run_scoped3A_157 : memref<!tpu.dma_semaphore, #tpu.memory_space<semaphore_mem>>) src(%arg8 : memref<128x128xf32, #tpu.memory_space<vmem>>) dst(%dma_wait3A_169 : memref<10240x128xf32, #tpu.memory_space<vmem_shared>>)
      tpu.yield
    }) : () -> ()
    %barrier3A_152 = arith.constant 0 : index
    tpu.barrier barrier_id(%barrier3A_152)
    %mul3A_153 = arith.constant 640 : i32
    %mul3A_154 = arith.muli %arg1, %mul3A_153 : i32
    %mul3A_155 = arith.constant 640 : i32
    %mul3A_156 = arith.muli %arg1, %mul3A_155 : i32
    "tpu.region"() ({
      %run_scoped3A_157 = tpu.sem_alloc : memref<!tpu.dma_semaphore, #tpu.memory_space<semaphore_mem>>
      %dma_start3A_158 = arith.constant 0 : i32
      %dma_start3A_159 = tpu.memref_slice %arg4[%arg0, %mul3A_156, %dma_start3A_158] : memref<2x10240x128xf32, #tpu.memory_space<hbm>> -> memref<1x640x128xf32, #tpu.memory_space<hbm>>
      %dma_start3A_160 = tpu.memref_squeeze %dma_start3A_159 : memref<1x640x128xf32, #tpu.memory_space<hbm>> -> memref<640x128xf32, #tpu.memory_space<hbm>>
      %dma_start3A_161 = arith.constant 0 : i32
      %dma_start3A_162 = tpu.memref_slice %arg11[%mul3A_154, %dma_start3A_161] : memref<10240x128xf32, #tpu.memory_space<vmem_shared>> -> memref<640x128xf32, #tpu.memory_space<vmem_shared>>
      tpu.enqueue_dma source(%dma_start3A_162 : memref<640x128xf32, #tpu.memory_space<vmem_shared>>) target(%dma_start3A_160 : memref<640x128xf32, #tpu.memory_space<hbm>>) target_semaphore(%run_scoped3A_157 : memref<!tpu.dma_semaphore, #tpu.memory_space<semaphore_mem>>)
      %dma_wait3A_163 = arith.constant 0 : i32
      %dma_wait3A_164 = tpu.memref_slice %arg4[%arg0, %mul3A_156, %dma_wait3A_163] : memref<2x10240x128xf32, #tpu.memory_space<hbm>> -> memref<1x640x128xf32, #tpu.memory_space<hbm>>
      %dma_wait3A_165 = tpu.memref_squeeze %dma_wait3A_164 : memref<1x640x128xf32, #tpu.memory_space<hbm>> -> memref<640x128xf32, #tpu.memory_space<hbm>>
      %dma_wait3A_166 = arith.constant 0 : i32
      %dma_wait3A_167 = tpu.memref_slice %arg11[%mul3A_154, %dma_wait3A_166] : memref<10240x128xf32, #tpu.memory_space<vmem_shared>> -> memref<640x128xf32, #tpu.memory_space<vmem_shared>>
      tpu.wait_dma2 semaphore(%run_scoped3A_157 : memref<!tpu.dma_semaphore, #tpu.memory_space<semaphore_mem>>) src(%dma_wait3A_167 : memref<640x128xf32, #tpu.memory_space<vmem_shared>>) dst(%dma_wait3A_165 : memref<640x128xf32, #tpu.memory_space<hbm>>)
      tpu.yield
    }) : () -> ()
    return
  }
}

#map = affine_map<(d0, d1) -> (0, 0, 0)>
#map1 = affine_map<(d0, d1) -> (0, 0)>
module attributes {stable_mosaic.version = 14 : i64} {
  func.func @_deg_kernel(%arg0: i32, %arg1: i32, %arg2: memref<2x2560x128xi32, #tpu.memory_space<hbm>>, %arg3: memref<2x10240xf32, #tpu.memory_space<hbm>>, %arg4: memref<160x128xi32, #tpu.memory_space<vmem>>, %arg5: memref<128xf32, #tpu.memory_space<vmem>>, %arg6: memref<640xf32, #tpu.memory_space<vmem>>, %arg7: memref<!tpu.dma_semaphore, #tpu.memory_space<semaphore_mem>>, %arg8: memref<10240xf32, #tpu.memory_space<vmem_shared>>) attributes {dimension_semantics = [#tpu.dimension_semantics<core_parallel>, #tpu.dimension_semantics<subcore_parallel>], iteration_bounds = array<i64: 2, 16>, scalar_prefetch = 0 : i64, scratch_operands = 5 : i64, tpu.core_type = #tpu.core_type<sc_vector_subcore>, window_params = [{transform_indices = #map}, {transform_indices = #map1}]} {
    %scan3A = arith.constant 0 : i32
    %scan3A_0 = arith.constant 40 : i32
    %scan3A_1 = arith.addi %scan3A, %scan3A_0 : i32
    %scan3A_2 = arith.constant 1 : i32
    scf.for %scan3A_22 = %scan3A to %scan3A_1 step %scan3A_2  : i32 {
      %mul3A_23 = arith.constant 16 : i32
      %mul3A_24 = arith.muli %scan3A_22, %mul3A_23 : i32
      %add3A = arith.constant 0 : i32
      %add3A_25 = arith.addi %add3A, %mul3A_24 : i32
      %broadcast_in_dim3A = arith.constant 0.000000e+00 : f32
      %broadcast_in_dim3A_26 = vector.broadcast %broadcast_in_dim3A : f32 to vector<16xf32>
      %swap3A = arith.index_cast %add3A_25 : i32 to index
      %swap3A_27 = tpu.vector_load %arg6[%swap3A] {strides = array<i32>} : memref<640xf32, #tpu.memory_space<vmem>>, vector<16xf32>,
      %swap3A_28 = vector.shape_cast %swap3A_27 : vector<16xf32> to vector<16xf32>
      %swap3A_29 = vector.shape_cast %broadcast_in_dim3A_26 : vector<16xf32> to vector<16xf32>
      tpu.vector_store %arg6[%swap3A], %swap3A_29 {strides = array<i32>} : memref<640xf32, #tpu.memory_space<vmem>>, vector<16xf32>,
    }
    %scan3A_3 = arith.constant 40 : i32
    %scan3A_4 = arith.constant 0 : i32
    %scan3A_5 = arith.constant 8 : i32
    %scan3A_6 = arith.addi %scan3A_4, %scan3A_5 : i32
    %scan3A_7 = arith.constant 1 : i32
    scf.for %scan3A_22 = %scan3A_4 to %scan3A_6 step %scan3A_7  : i32 {
      %mul3A_23 = arith.constant 16 : i32
      %mul3A_24 = arith.muli %scan3A_22, %mul3A_23 : i32
      %add3A = arith.constant 0 : i32
      %add3A_25 = arith.addi %add3A, %mul3A_24 : i32
      %broadcast_in_dim3A = arith.constant 1.000000e+00 : f32
      %broadcast_in_dim3A_26 = vector.broadcast %broadcast_in_dim3A : f32 to vector<16xf32>
      %swap3A = arith.index_cast %add3A_25 : i32 to index
      %swap3A_27 = tpu.vector_load %arg5[%swap3A] {strides = array<i32>} : memref<128xf32, #tpu.memory_space<vmem>>, vector<16xf32>,
      %swap3A_28 = vector.shape_cast %swap3A_27 : vector<16xf32> to vector<16xf32>
      %swap3A_29 = vector.shape_cast %broadcast_in_dim3A_26 : vector<16xf32> to vector<16xf32>
      tpu.vector_store %arg5[%swap3A], %swap3A_29 {strides = array<i32>} : memref<128xf32, #tpu.memory_space<vmem>>, vector<16xf32>,
    }
    %scan3A_8 = arith.constant 8 : i32
    %mul3A = arith.constant 640 : i32
    %mul3A_9 = arith.muli %arg1, %mul3A : i32
    "tpu.region"() ({
      %run_scoped3A = tpu.sem_alloc : memref<!tpu.dma_semaphore, #tpu.memory_space<semaphore_mem>>
      %dma_start3A = tpu.memref_slice %arg8[%mul3A_9] : memref<10240xf32, #tpu.memory_space<vmem_shared>> -> memref<640xf32, #tpu.memory_space<vmem_shared>>
      %dma_start3A_22 = tpu.memref_slice %arg8[%mul3A_9] : memref<10240xf32, #tpu.memory_space<vmem_shared>> -> memref<640xf32, #tpu.memory_space<vmem_shared>>
      tpu.enqueue_dma source(%arg6 : memref<640xf32, #tpu.memory_space<vmem>>) target(%dma_start3A_22 : memref<640xf32, #tpu.memory_space<vmem_shared>>) target_semaphore(%run_scoped3A : memref<!tpu.dma_semaphore, #tpu.memory_space<semaphore_mem>>)
      %dma_wait3A = tpu.memref_slice %arg8[%mul3A_9] : memref<10240xf32, #tpu.memory_space<vmem_shared>> -> memref<640xf32, #tpu.memory_space<vmem_shared>>
      %dma_wait3A_23 = tpu.memref_slice %arg8[%mul3A_9] : memref<10240xf32, #tpu.memory_space<vmem_shared>> -> memref<640xf32, #tpu.memory_space<vmem_shared>>
      tpu.wait_dma2 semaphore(%run_scoped3A : memref<!tpu.dma_semaphore, #tpu.memory_space<semaphore_mem>>) src(%arg6 : memref<640xf32, #tpu.memory_space<vmem>>) dst(%dma_wait3A_23 : memref<640xf32, #tpu.memory_space<vmem_shared>>)
      tpu.yield
    }) : () -> ()
    %mul3A_10 = arith.constant 160 : i32
    %mul3A_11 = arith.muli %arg1, %mul3A_10 : i32
    "tpu.region"() ({
      %run_scoped3A = tpu.sem_alloc : memref<!tpu.dma_semaphore, #tpu.memory_space<semaphore_mem>>
      %dma_start3A = arith.constant 0 : i32
      %dma_start3A_22 = tpu.memref_slice %arg2[%arg0, %mul3A_11, %dma_start3A] : memref<2x2560x128xi32, #tpu.memory_space<hbm>> -> memref<1x160x128xi32, #tpu.memory_space<hbm>>
      %dma_start3A_23 = tpu.memref_squeeze %dma_start3A_22 : memref<1x160x128xi32, #tpu.memory_space<hbm>> -> memref<160x128xi32, #tpu.memory_space<hbm>>
      %dma_start3A_24 = arith.constant 0 : i32
      %dma_start3A_25 = tpu.memref_slice %arg2[%arg0, %mul3A_11, %dma_start3A_24] : memref<2x2560x128xi32, #tpu.memory_space<hbm>> -> memref<1x160x128xi32, #tpu.memory_space<hbm>>
      %dma_start3A_26 = tpu.memref_squeeze %dma_start3A_25 : memref<1x160x128xi32, #tpu.memory_space<hbm>> -> memref<160x128xi32, #tpu.memory_space<hbm>>
      tpu.enqueue_dma source(%dma_start3A_26 : memref<160x128xi32, #tpu.memory_space<hbm>>) target(%arg4 : memref<160x128xi32, #tpu.memory_space<vmem>>) target_semaphore(%run_scoped3A : memref<!tpu.dma_semaphore, #tpu.memory_space<semaphore_mem>>)
      %dma_wait3A = arith.constant 0 : i32
      %dma_wait3A_27 = tpu.memref_slice %arg2[%arg0, %mul3A_11, %dma_wait3A] : memref<2x2560x128xi32, #tpu.memory_space<hbm>> -> memref<1x160x128xi32, #tpu.memory_space<hbm>>
      %dma_wait3A_28 = tpu.memref_squeeze %dma_wait3A_27 : memref<1x160x128xi32, #tpu.memory_space<hbm>> -> memref<160x128xi32, #tpu.memory_space<hbm>>
      %dma_wait3A_29 = arith.constant 0 : i32
      %dma_wait3A_30 = tpu.memref_slice %arg2[%arg0, %mul3A_11, %dma_wait3A_29] : memref<2x2560x128xi32, #tpu.memory_space<hbm>> -> memref<1x160x128xi32, #tpu.memory_space<hbm>>
      %dma_wait3A_31 = tpu.memref_squeeze %dma_wait3A_30 : memref<1x160x128xi32, #tpu.memory_space<hbm>> -> memref<160x128xi32, #tpu.memory_space<hbm>>
      tpu.wait_dma2 semaphore(%run_scoped3A : memref<!tpu.dma_semaphore, #tpu.memory_space<semaphore_mem>>) src(%dma_wait3A_31 : memref<160x128xi32, #tpu.memory_space<hbm>>) dst(%arg4 : memref<160x128xi32, #tpu.memory_space<vmem>>)
      tpu.yield
    }) : () -> ()
    %barrier3A = arith.constant 0 : index
    tpu.barrier barrier_id(%barrier3A)
    %scan3A_12 = arith.constant 0 : i32
    %scan3A_13 = arith.constant 20 : i32
    %scan3A_14 = arith.addi %scan3A_12, %scan3A_13 : i32
    %scan3A_15 = arith.constant 1 : i32
    scf.for %scan3A_22 = %scan3A_12 to %scan3A_14 step %scan3A_15  : i32 {
      %mul3A_23 = arith.constant 8 : i32
      %mul3A_24 = arith.muli %scan3A_22, %mul3A_23 : i32
      %add3A = arith.constant 0 : i32
      %add3A_25 = arith.addi %add3A, %mul3A_24 : i32
      %mul3A_26 = arith.constant 160 : i32
      %mul3A_27 = arith.muli %arg1, %mul3A_26 : i32
      %add3A_28 = arith.addi %mul3A_27, %add3A_25 : i32
      %add3A_29 = arith.constant 0 : i32
      %add3A_30 = arith.addi %add3A_28, %add3A_29 : i32
      %lt3A = arith.constant 2500 : i32
      %lt3A_31 = arith.cmpi slt, %add3A_30, %lt3A : i32
      %convert_element_type3A = arith.extui %lt3A_31 : i1 to i32
      %cond3A = arith.constant 0 : i32
      %cond3A_32 = arith.cmpi ne, %convert_element_type3A, %cond3A : i32
      scf.if %cond3A_32 {
        %add3A_183 = arith.constant 0 : i32
        %add3A_184 = arith.addi %add3A_25, %add3A_183 : i32
        %dma_start3A = arith.constant 0 : i32
        %dma_start3A_185 = tpu.memref_slice %arg4[%add3A_184, %dma_start3A] : memref<160x128xi32, #tpu.memory_space<vmem>> -> memref<1x128xi32, #tpu.memory_space<vmem>>
        %dma_start3A_186 = tpu.memref_squeeze %dma_start3A_185 : memref<1x128xi32, #tpu.memory_space<vmem>> -> memref<128xi32, #tpu.memory_space<vmem>>
        %dma_start3A_187 = arith.constant 0 : i32
        %dma_start3A_188 = tpu.memref_slice %arg8[%dma_start3A_187] : memref<10240xf32, #tpu.memory_space<vmem_shared>> -> memref<10240xf32, #tpu.memory_space<vmem_shared>>
        tpu.enqueue_indirect_dma source(%arg5 : memref<128xf32, #tpu.memory_space<vmem>>) target(%dma_start3A_188 : memref<10240xf32, #tpu.memory_space<vmem_shared>>) offsets(%dma_start3A_186 : memref<128xi32, #tpu.memory_space<vmem>>) semaphore(%arg7 : memref<!tpu.dma_semaphore, #tpu.memory_space<semaphore_mem>>) {add = true}
      } else {
      }
      %mul3A_33 = arith.constant 160 : i32
      %mul3A_34 = arith.muli %arg1, %mul3A_33 : i32
      %add3A_35 = arith.addi %mul3A_34, %add3A_25 : i32
      %add3A_36 = arith.constant 1 : i32
      %add3A_37 = arith.addi %add3A_35, %add3A_36 : i32
      %lt3A_38 = arith.constant 2500 : i32
      %lt3A_39 = arith.cmpi slt, %add3A_37, %lt3A_38 : i32
      %convert_element_type3A_40 = arith.extui %lt3A_39 : i1 to i32
      %cond3A_41 = arith.constant 0 : i32
      %cond3A_42 = arith.cmpi ne, %convert_element_type3A_40, %cond3A_41 : i32
      scf.if %cond3A_42 {
        %add3A_183 = arith.constant 1 : i32
        %add3A_184 = arith.addi %add3A_25, %add3A_183 : i32
        %dma_start3A = arith.constant 0 : i32
        %dma_start3A_185 = tpu.memref_slice %arg4[%add3A_184, %dma_start3A] : memref<160x128xi32, #tpu.memory_space<vmem>> -> memref<1x128xi32, #tpu.memory_space<vmem>>
        %dma_start3A_186 = tpu.memref_squeeze %dma_start3A_185 : memref<1x128xi32, #tpu.memory_space<vmem>> -> memref<128xi32, #tpu.memory_space<vmem>>
        %dma_start3A_187 = arith.constant 0 : i32
        %dma_start3A_188 = tpu.memref_slice %arg8[%dma_start3A_187] : memref<10240xf32, #tpu.memory_space<vmem_shared>> -> memref<10240xf32, #tpu.memory_space<vmem_shared>>
        tpu.enqueue_indirect_dma source(%arg5 : memref<128xf32, #tpu.memory_space<vmem>>) target(%dma_start3A_188 : memref<10240xf32, #tpu.memory_space<vmem_shared>>) offsets(%dma_start3A_186 : memref<128xi32, #tpu.memory_space<vmem>>) semaphore(%arg7 : memref<!tpu.dma_semaphore, #tpu.memory_space<semaphore_mem>>) {add = true}
      } else {
      }
      %mul3A_43 = arith.constant 160 : i32
      %mul3A_44 = arith.muli %arg1, %mul3A_43 : i32
      %add3A_45 = arith.addi %mul3A_44, %add3A_25 : i32
      %add3A_46 = arith.constant 2 : i32
      %add3A_47 = arith.addi %add3A_45, %add3A_46 : i32
      %lt3A_48 = arith.constant 2500 : i32
      %lt3A_49 = arith.cmpi slt, %add3A_47, %lt3A_48 : i32
      %convert_element_type3A_50 = arith.extui %lt3A_49 : i1 to i32
      %cond3A_51 = arith.constant 0 : i32
      %cond3A_52 = arith.cmpi ne, %convert_element_type3A_50, %cond3A_51 : i32
      scf.if %cond3A_52 {
        %add3A_183 = arith.constant 2 : i32
        %add3A_184 = arith.addi %add3A_25, %add3A_183 : i32
        %dma_start3A = arith.constant 0 : i32
        %dma_start3A_185 = tpu.memref_slice %arg4[%add3A_184, %dma_start3A] : memref<160x128xi32, #tpu.memory_space<vmem>> -> memref<1x128xi32, #tpu.memory_space<vmem>>
        %dma_start3A_186 = tpu.memref_squeeze %dma_start3A_185 : memref<1x128xi32, #tpu.memory_space<vmem>> -> memref<128xi32, #tpu.memory_space<vmem>>
        %dma_start3A_187 = arith.constant 0 : i32
        %dma_start3A_188 = tpu.memref_slice %arg8[%dma_start3A_187] : memref<10240xf32, #tpu.memory_space<vmem_shared>> -> memref<10240xf32, #tpu.memory_space<vmem_shared>>
        tpu.enqueue_indirect_dma source(%arg5 : memref<128xf32, #tpu.memory_space<vmem>>) target(%dma_start3A_188 : memref<10240xf32, #tpu.memory_space<vmem_shared>>) offsets(%dma_start3A_186 : memref<128xi32, #tpu.memory_space<vmem>>) semaphore(%arg7 : memref<!tpu.dma_semaphore, #tpu.memory_space<semaphore_mem>>) {add = true}
      } else {
      }
      %mul3A_53 = arith.constant 160 : i32
      %mul3A_54 = arith.muli %arg1, %mul3A_53 : i32
      %add3A_55 = arith.addi %mul3A_54, %add3A_25 : i32
      %add3A_56 = arith.constant 3 : i32
      %add3A_57 = arith.addi %add3A_55, %add3A_56 : i32
      %lt3A_58 = arith.constant 2500 : i32
      %lt3A_59 = arith.cmpi slt, %add3A_57, %lt3A_58 : i32
      %convert_element_type3A_60 = arith.extui %lt3A_59 : i1 to i32
      %cond3A_61 = arith.constant 0 : i32
      %cond3A_62 = arith.cmpi ne, %convert_element_type3A_60, %cond3A_61 : i32
      scf.if %cond3A_62 {
        %add3A_183 = arith.constant 3 : i32
        %add3A_184 = arith.addi %add3A_25, %add3A_183 : i32
        %dma_start3A = arith.constant 0 : i32
        %dma_start3A_185 = tpu.memref_slice %arg4[%add3A_184, %dma_start3A] : memref<160x128xi32, #tpu.memory_space<vmem>> -> memref<1x128xi32, #tpu.memory_space<vmem>>
        %dma_start3A_186 = tpu.memref_squeeze %dma_start3A_185 : memref<1x128xi32, #tpu.memory_space<vmem>> -> memref<128xi32, #tpu.memory_space<vmem>>
        %dma_start3A_187 = arith.constant 0 : i32
        %dma_start3A_188 = tpu.memref_slice %arg8[%dma_start3A_187] : memref<10240xf32, #tpu.memory_space<vmem_shared>> -> memref<10240xf32, #tpu.memory_space<vmem_shared>>
        tpu.enqueue_indirect_dma source(%arg5 : memref<128xf32, #tpu.memory_space<vmem>>) target(%dma_start3A_188 : memref<10240xf32, #tpu.memory_space<vmem_shared>>) offsets(%dma_start3A_186 : memref<128xi32, #tpu.memory_space<vmem>>) semaphore(%arg7 : memref<!tpu.dma_semaphore, #tpu.memory_space<semaphore_mem>>) {add = true}
      } else {
      }
      %mul3A_63 = arith.constant 160 : i32
      %mul3A_64 = arith.muli %arg1, %mul3A_63 : i32
      %add3A_65 = arith.addi %mul3A_64, %add3A_25 : i32
      %add3A_66 = arith.constant 4 : i32
      %add3A_67 = arith.addi %add3A_65, %add3A_66 : i32
      %lt3A_68 = arith.constant 2500 : i32
      %lt3A_69 = arith.cmpi slt, %add3A_67, %lt3A_68 : i32
      %convert_element_type3A_70 = arith.extui %lt3A_69 : i1 to i32
      %cond3A_71 = arith.constant 0 : i32
      %cond3A_72 = arith.cmpi ne, %convert_element_type3A_70, %cond3A_71 : i32
      scf.if %cond3A_72 {
        %add3A_183 = arith.constant 4 : i32
        %add3A_184 = arith.addi %add3A_25, %add3A_183 : i32
        %dma_start3A = arith.constant 0 : i32
        %dma_start3A_185 = tpu.memref_slice %arg4[%add3A_184, %dma_start3A] : memref<160x128xi32, #tpu.memory_space<vmem>> -> memref<1x128xi32, #tpu.memory_space<vmem>>
        %dma_start3A_186 = tpu.memref_squeeze %dma_start3A_185 : memref<1x128xi32, #tpu.memory_space<vmem>> -> memref<128xi32, #tpu.memory_space<vmem>>
        %dma_start3A_187 = arith.constant 0 : i32
        %dma_start3A_188 = tpu.memref_slice %arg8[%dma_start3A_187] : memref<10240xf32, #tpu.memory_space<vmem_shared>> -> memref<10240xf32, #tpu.memory_space<vmem_shared>>
        tpu.enqueue_indirect_dma source(%arg5 : memref<128xf32, #tpu.memory_space<vmem>>) target(%dma_start3A_188 : memref<10240xf32, #tpu.memory_space<vmem_shared>>) offsets(%dma_start3A_186 : memref<128xi32, #tpu.memory_space<vmem>>) semaphore(%arg7 : memref<!tpu.dma_semaphore, #tpu.memory_space<semaphore_mem>>) {add = true}
      } else {
      }
      %mul3A_73 = arith.constant 160 : i32
      %mul3A_74 = arith.muli %arg1, %mul3A_73 : i32
      %add3A_75 = arith.addi %mul3A_74, %add3A_25 : i32
      %add3A_76 = arith.constant 5 : i32
      %add3A_77 = arith.addi %add3A_75, %add3A_76 : i32
      %lt3A_78 = arith.constant 2500 : i32
      %lt3A_79 = arith.cmpi slt, %add3A_77, %lt3A_78 : i32
      %convert_element_type3A_80 = arith.extui %lt3A_79 : i1 to i32
      %cond3A_81 = arith.constant 0 : i32
      %cond3A_82 = arith.cmpi ne, %convert_element_type3A_80, %cond3A_81 : i32
      scf.if %cond3A_82 {
        %add3A_183 = arith.constant 5 : i32
        %add3A_184 = arith.addi %add3A_25, %add3A_183 : i32
        %dma_start3A = arith.constant 0 : i32
        %dma_start3A_185 = tpu.memref_slice %arg4[%add3A_184, %dma_start3A] : memref<160x128xi32, #tpu.memory_space<vmem>> -> memref<1x128xi32, #tpu.memory_space<vmem>>
        %dma_start3A_186 = tpu.memref_squeeze %dma_start3A_185 : memref<1x128xi32, #tpu.memory_space<vmem>> -> memref<128xi32, #tpu.memory_space<vmem>>
        %dma_start3A_187 = arith.constant 0 : i32
        %dma_start3A_188 = tpu.memref_slice %arg8[%dma_start3A_187] : memref<10240xf32, #tpu.memory_space<vmem_shared>> -> memref<10240xf32, #tpu.memory_space<vmem_shared>>
        tpu.enqueue_indirect_dma source(%arg5 : memref<128xf32, #tpu.memory_space<vmem>>) target(%dma_start3A_188 : memref<10240xf32, #tpu.memory_space<vmem_shared>>) offsets(%dma_start3A_186 : memref<128xi32, #tpu.memory_space<vmem>>) semaphore(%arg7 : memref<!tpu.dma_semaphore, #tpu.memory_space<semaphore_mem>>) {add = true}
      } else {
      }
      %mul3A_83 = arith.constant 160 : i32
      %mul3A_84 = arith.muli %arg1, %mul3A_83 : i32
      %add3A_85 = arith.addi %mul3A_84, %add3A_25 : i32
      %add3A_86 = arith.constant 6 : i32
      %add3A_87 = arith.addi %add3A_85, %add3A_86 : i32
      %lt3A_88 = arith.constant 2500 : i32
      %lt3A_89 = arith.cmpi slt, %add3A_87, %lt3A_88 : i32
      %convert_element_type3A_90 = arith.extui %lt3A_89 : i1 to i32
      %cond3A_91 = arith.constant 0 : i32
      %cond3A_92 = arith.cmpi ne, %convert_element_type3A_90, %cond3A_91 : i32
      scf.if %cond3A_92 {
        %add3A_183 = arith.constant 6 : i32
        %add3A_184 = arith.addi %add3A_25, %add3A_183 : i32
        %dma_start3A = arith.constant 0 : i32
        %dma_start3A_185 = tpu.memref_slice %arg4[%add3A_184, %dma_start3A] : memref<160x128xi32, #tpu.memory_space<vmem>> -> memref<1x128xi32, #tpu.memory_space<vmem>>
        %dma_start3A_186 = tpu.memref_squeeze %dma_start3A_185 : memref<1x128xi32, #tpu.memory_space<vmem>> -> memref<128xi32, #tpu.memory_space<vmem>>
        %dma_start3A_187 = arith.constant 0 : i32
        %dma_start3A_188 = tpu.memref_slice %arg8[%dma_start3A_187] : memref<10240xf32, #tpu.memory_space<vmem_shared>> -> memref<10240xf32, #tpu.memory_space<vmem_shared>>
        tpu.enqueue_indirect_dma source(%arg5 : memref<128xf32, #tpu.memory_space<vmem>>) target(%dma_start3A_188 : memref<10240xf32, #tpu.memory_space<vmem_shared>>) offsets(%dma_start3A_186 : memref<128xi32, #tpu.memory_space<vmem>>) semaphore(%arg7 : memref<!tpu.dma_semaphore, #tpu.memory_space<semaphore_mem>>) {add = true}
      } else {
      }
      %mul3A_93 = arith.constant 160 : i32
      %mul3A_94 = arith.muli %arg1, %mul3A_93 : i32
      %add3A_95 = arith.addi %mul3A_94, %add3A_25 : i32
      %add3A_96 = arith.constant 7 : i32
      %add3A_97 = arith.addi %add3A_95, %add3A_96 : i32
      %lt3A_98 = arith.constant 2500 : i32
      %lt3A_99 = arith.cmpi slt, %add3A_97, %lt3A_98 : i32
      %convert_element_type3A_100 = arith.extui %lt3A_99 : i1 to i32
      %cond3A_101 = arith.constant 0 : i32
      %cond3A_102 = arith.cmpi ne, %convert_element_type3A_100, %cond3A_101 : i32
      scf.if %cond3A_102 {
        %add3A_183 = arith.constant 7 : i32
        %add3A_184 = arith.addi %add3A_25, %add3A_183 : i32
        %dma_start3A = arith.constant 0 : i32
        %dma_start3A_185 = tpu.memref_slice %arg4[%add3A_184, %dma_start3A] : memref<160x128xi32, #tpu.memory_space<vmem>> -> memref<1x128xi32, #tpu.memory_space<vmem>>
        %dma_start3A_186 = tpu.memref_squeeze %dma_start3A_185 : memref<1x128xi32, #tpu.memory_space<vmem>> -> memref<128xi32, #tpu.memory_space<vmem>>
        %dma_start3A_187 = arith.constant 0 : i32
        %dma_start3A_188 = tpu.memref_slice %arg8[%dma_start3A_187] : memref<10240xf32, #tpu.memory_space<vmem_shared>> -> memref<10240xf32, #tpu.memory_space<vmem_shared>>
        tpu.enqueue_indirect_dma source(%arg5 : memref<128xf32, #tpu.memory_space<vmem>>) target(%dma_start3A_188 : memref<10240xf32, #tpu.memory_space<vmem_shared>>) offsets(%dma_start3A_186 : memref<128xi32, #tpu.memory_space<vmem>>) semaphore(%arg7 : memref<!tpu.dma_semaphore, #tpu.memory_space<semaphore_mem>>) {add = true}
      } else {
      }
      %mul3A_103 = arith.constant 160 : i32
      %mul3A_104 = arith.muli %arg1, %mul3A_103 : i32
      %add3A_105 = arith.addi %mul3A_104, %add3A_25 : i32
      %add3A_106 = arith.constant 0 : i32
      %add3A_107 = arith.addi %add3A_105, %add3A_106 : i32
      %lt3A_108 = arith.constant 2500 : i32
      %lt3A_109 = arith.cmpi slt, %add3A_107, %lt3A_108 : i32
      %convert_element_type3A_110 = arith.extui %lt3A_109 : i1 to i32
      %cond3A_111 = arith.constant 0 : i32
      %cond3A_112 = arith.cmpi ne, %convert_element_type3A_110, %cond3A_111 : i32
      scf.if %cond3A_112 {
        %dma_wait3A = arith.constant 0 : i32
        %dma_wait3A_183 = arith.constant 0 : i32
        %dma_wait3A_184 = tpu.memref_slice %arg4[%dma_wait3A, %dma_wait3A_183] : memref<160x128xi32, #tpu.memory_space<vmem>> -> memref<1x128xi32, #tpu.memory_space<vmem>>
        %dma_wait3A_185 = tpu.memref_squeeze %dma_wait3A_184 : memref<1x128xi32, #tpu.memory_space<vmem>> -> memref<128xi32, #tpu.memory_space<vmem>>
        %dma_wait3A_186 = arith.constant 0 : i32
        %dma_wait3A_187 = tpu.memref_slice %arg8[%dma_wait3A_186] : memref<10240xf32, #tpu.memory_space<vmem_shared>> -> memref<10240xf32, #tpu.memory_space<vmem_shared>>
        tpu.wait_indirect_dma semaphore(%arg7 : memref<!tpu.dma_semaphore, #tpu.memory_space<semaphore_mem>>) src(%arg5 : memref<128xf32, #tpu.memory_space<vmem>>) dst(%dma_wait3A_187 : memref<10240xf32, #tpu.memory_space<vmem_shared>>)
      } else {
      }
      %mul3A_113 = arith.constant 160 : i32
      %mul3A_114 = arith.muli %arg1, %mul3A_113 : i32
      %add3A_115 = arith.addi %mul3A_114, %add3A_25 : i32
      %add3A_116 = arith.constant 1 : i32
      %add3A_117 = arith.addi %add3A_115, %add3A_116 : i32
      %lt3A_118 = arith.constant 2500 : i32
      %lt3A_119 = arith.cmpi slt, %add3A_117, %lt3A_118 : i32
      %convert_element_type3A_120 = arith.extui %lt3A_119 : i1 to i32
      %cond3A_121 = arith.constant 0 : i32
      %cond3A_122 = arith.cmpi ne, %convert_element_type3A_120, %cond3A_121 : i32
      scf.if %cond3A_122 {
        %dma_wait3A = arith.constant 0 : i32
        %dma_wait3A_183 = arith.constant 0 : i32
        %dma_wait3A_184 = tpu.memref_slice %arg4[%dma_wait3A, %dma_wait3A_183] : memref<160x128xi32, #tpu.memory_space<vmem>> -> memref<1x128xi32, #tpu.memory_space<vmem>>
        %dma_wait3A_185 = tpu.memref_squeeze %dma_wait3A_184 : memref<1x128xi32, #tpu.memory_space<vmem>> -> memref<128xi32, #tpu.memory_space<vmem>>
        %dma_wait3A_186 = arith.constant 0 : i32
        %dma_wait3A_187 = tpu.memref_slice %arg8[%dma_wait3A_186] : memref<10240xf32, #tpu.memory_space<vmem_shared>> -> memref<10240xf32, #tpu.memory_space<vmem_shared>>
        tpu.wait_indirect_dma semaphore(%arg7 : memref<!tpu.dma_semaphore, #tpu.memory_space<semaphore_mem>>) src(%arg5 : memref<128xf32, #tpu.memory_space<vmem>>) dst(%dma_wait3A_187 : memref<10240xf32, #tpu.memory_space<vmem_shared>>)
      } else {
      }
      %mul3A_123 = arith.constant 160 : i32
      %mul3A_124 = arith.muli %arg1, %mul3A_123 : i32
      %add3A_125 = arith.addi %mul3A_124, %add3A_25 : i32
      %add3A_126 = arith.constant 2 : i32
      %add3A_127 = arith.addi %add3A_125, %add3A_126 : i32
      %lt3A_128 = arith.constant 2500 : i32
      %lt3A_129 = arith.cmpi slt, %add3A_127, %lt3A_128 : i32
      %convert_element_type3A_130 = arith.extui %lt3A_129 : i1 to i32
      %cond3A_131 = arith.constant 0 : i32
      %cond3A_132 = arith.cmpi ne, %convert_element_type3A_130, %cond3A_131 : i32
      scf.if %cond3A_132 {
        %dma_wait3A = arith.constant 0 : i32
        %dma_wait3A_183 = arith.constant 0 : i32
        %dma_wait3A_184 = tpu.memref_slice %arg4[%dma_wait3A, %dma_wait3A_183] : memref<160x128xi32, #tpu.memory_space<vmem>> -> memref<1x128xi32, #tpu.memory_space<vmem>>
        %dma_wait3A_185 = tpu.memref_squeeze %dma_wait3A_184 : memref<1x128xi32, #tpu.memory_space<vmem>> -> memref<128xi32, #tpu.memory_space<vmem>>
        %dma_wait3A_186 = arith.constant 0 : i32
        %dma_wait3A_187 = tpu.memref_slice %arg8[%dma_wait3A_186] : memref<10240xf32, #tpu.memory_space<vmem_shared>> -> memref<10240xf32, #tpu.memory_space<vmem_shared>>
        tpu.wait_indirect_dma semaphore(%arg7 : memref<!tpu.dma_semaphore, #tpu.memory_space<semaphore_mem>>) src(%arg5 : memref<128xf32, #tpu.memory_space<vmem>>) dst(%dma_wait3A_187 : memref<10240xf32, #tpu.memory_space<vmem_shared>>)
      } else {
      }
      %mul3A_133 = arith.constant 160 : i32
      %mul3A_134 = arith.muli %arg1, %mul3A_133 : i32
      %add3A_135 = arith.addi %mul3A_134, %add3A_25 : i32
      %add3A_136 = arith.constant 3 : i32
      %add3A_137 = arith.addi %add3A_135, %add3A_136 : i32
      %lt3A_138 = arith.constant 2500 : i32
      %lt3A_139 = arith.cmpi slt, %add3A_137, %lt3A_138 : i32
      %convert_element_type3A_140 = arith.extui %lt3A_139 : i1 to i32
      %cond3A_141 = arith.constant 0 : i32
      %cond3A_142 = arith.cmpi ne, %convert_element_type3A_140, %cond3A_141 : i32
      scf.if %cond3A_142 {
        %dma_wait3A = arith.constant 0 : i32
        %dma_wait3A_183 = arith.constant 0 : i32
        %dma_wait3A_184 = tpu.memref_slice %arg4[%dma_wait3A, %dma_wait3A_183] : memref<160x128xi32, #tpu.memory_space<vmem>> -> memref<1x128xi32, #tpu.memory_space<vmem>>
        %dma_wait3A_185 = tpu.memref_squeeze %dma_wait3A_184 : memref<1x128xi32, #tpu.memory_space<vmem>> -> memref<128xi32, #tpu.memory_space<vmem>>
        %dma_wait3A_186 = arith.constant 0 : i32
        %dma_wait3A_187 = tpu.memref_slice %arg8[%dma_wait3A_186] : memref<10240xf32, #tpu.memory_space<vmem_shared>> -> memref<10240xf32, #tpu.memory_space<vmem_shared>>
        tpu.wait_indirect_dma semaphore(%arg7 : memref<!tpu.dma_semaphore, #tpu.memory_space<semaphore_mem>>) src(%arg5 : memref<128xf32, #tpu.memory_space<vmem>>) dst(%dma_wait3A_187 : memref<10240xf32, #tpu.memory_space<vmem_shared>>)
      } else {
      }
      %mul3A_143 = arith.constant 160 : i32
      %mul3A_144 = arith.muli %arg1, %mul3A_143 : i32
      %add3A_145 = arith.addi %mul3A_144, %add3A_25 : i32
      %add3A_146 = arith.constant 4 : i32
      %add3A_147 = arith.addi %add3A_145, %add3A_146 : i32
      %lt3A_148 = arith.constant 2500 : i32
      %lt3A_149 = arith.cmpi slt, %add3A_147, %lt3A_148 : i32
      %convert_element_type3A_150 = arith.extui %lt3A_149 : i1 to i32
      %cond3A_151 = arith.constant 0 : i32
      %cond3A_152 = arith.cmpi ne, %convert_element_type3A_150, %cond3A_151 : i32
      scf.if %cond3A_152 {
        %dma_wait3A = arith.constant 0 : i32
        %dma_wait3A_183 = arith.constant 0 : i32
        %dma_wait3A_184 = tpu.memref_slice %arg4[%dma_wait3A, %dma_wait3A_183] : memref<160x128xi32, #tpu.memory_space<vmem>> -> memref<1x128xi32, #tpu.memory_space<vmem>>
        %dma_wait3A_185 = tpu.memref_squeeze %dma_wait3A_184 : memref<1x128xi32, #tpu.memory_space<vmem>> -> memref<128xi32, #tpu.memory_space<vmem>>
        %dma_wait3A_186 = arith.constant 0 : i32
        %dma_wait3A_187 = tpu.memref_slice %arg8[%dma_wait3A_186] : memref<10240xf32, #tpu.memory_space<vmem_shared>> -> memref<10240xf32, #tpu.memory_space<vmem_shared>>
        tpu.wait_indirect_dma semaphore(%arg7 : memref<!tpu.dma_semaphore, #tpu.memory_space<semaphore_mem>>) src(%arg5 : memref<128xf32, #tpu.memory_space<vmem>>) dst(%dma_wait3A_187 : memref<10240xf32, #tpu.memory_space<vmem_shared>>)
      } else {
      }
      %mul3A_153 = arith.constant 160 : i32
      %mul3A_154 = arith.muli %arg1, %mul3A_153 : i32
      %add3A_155 = arith.addi %mul3A_154, %add3A_25 : i32
      %add3A_156 = arith.constant 5 : i32
      %add3A_157 = arith.addi %add3A_155, %add3A_156 : i32
      %lt3A_158 = arith.constant 2500 : i32
      %lt3A_159 = arith.cmpi slt, %add3A_157, %lt3A_158 : i32
      %convert_element_type3A_160 = arith.extui %lt3A_159 : i1 to i32
      %cond3A_161 = arith.constant 0 : i32
      %cond3A_162 = arith.cmpi ne, %convert_element_type3A_160, %cond3A_161 : i32
      scf.if %cond3A_162 {
        %dma_wait3A = arith.constant 0 : i32
        %dma_wait3A_183 = arith.constant 0 : i32
        %dma_wait3A_184 = tpu.memref_slice %arg4[%dma_wait3A, %dma_wait3A_183] : memref<160x128xi32, #tpu.memory_space<vmem>> -> memref<1x128xi32, #tpu.memory_space<vmem>>
        %dma_wait3A_185 = tpu.memref_squeeze %dma_wait3A_184 : memref<1x128xi32, #tpu.memory_space<vmem>> -> memref<128xi32, #tpu.memory_space<vmem>>
        %dma_wait3A_186 = arith.constant 0 : i32
        %dma_wait3A_187 = tpu.memref_slice %arg8[%dma_wait3A_186] : memref<10240xf32, #tpu.memory_space<vmem_shared>> -> memref<10240xf32, #tpu.memory_space<vmem_shared>>
        tpu.wait_indirect_dma semaphore(%arg7 : memref<!tpu.dma_semaphore, #tpu.memory_space<semaphore_mem>>) src(%arg5 : memref<128xf32, #tpu.memory_space<vmem>>) dst(%dma_wait3A_187 : memref<10240xf32, #tpu.memory_space<vmem_shared>>)
      } else {
      }
      %mul3A_163 = arith.constant 160 : i32
      %mul3A_164 = arith.muli %arg1, %mul3A_163 : i32
      %add3A_165 = arith.addi %mul3A_164, %add3A_25 : i32
      %add3A_166 = arith.constant 6 : i32
      %add3A_167 = arith.addi %add3A_165, %add3A_166 : i32
      %lt3A_168 = arith.constant 2500 : i32
      %lt3A_169 = arith.cmpi slt, %add3A_167, %lt3A_168 : i32
      %convert_element_type3A_170 = arith.extui %lt3A_169 : i1 to i32
      %cond3A_171 = arith.constant 0 : i32
      %cond3A_172 = arith.cmpi ne, %convert_element_type3A_170, %cond3A_171 : i32
      scf.if %cond3A_172 {
        %dma_wait3A = arith.constant 0 : i32
        %dma_wait3A_183 = arith.constant 0 : i32
        %dma_wait3A_184 = tpu.memref_slice %arg4[%dma_wait3A, %dma_wait3A_183] : memref<160x128xi32, #tpu.memory_space<vmem>> -> memref<1x128xi32, #tpu.memory_space<vmem>>
        %dma_wait3A_185 = tpu.memref_squeeze %dma_wait3A_184 : memref<1x128xi32, #tpu.memory_space<vmem>> -> memref<128xi32, #tpu.memory_space<vmem>>
        %dma_wait3A_186 = arith.constant 0 : i32
        %dma_wait3A_187 = tpu.memref_slice %arg8[%dma_wait3A_186] : memref<10240xf32, #tpu.memory_space<vmem_shared>> -> memref<10240xf32, #tpu.memory_space<vmem_shared>>
        tpu.wait_indirect_dma semaphore(%arg7 : memref<!tpu.dma_semaphore, #tpu.memory_space<semaphore_mem>>) src(%arg5 : memref<128xf32, #tpu.memory_space<vmem>>) dst(%dma_wait3A_187 : memref<10240xf32, #tpu.memory_space<vmem_shared>>)
      } else {
      }
      %mul3A_173 = arith.constant 160 : i32
      %mul3A_174 = arith.muli %arg1, %mul3A_173 : i32
      %add3A_175 = arith.addi %mul3A_174, %add3A_25 : i32
      %add3A_176 = arith.constant 7 : i32
      %add3A_177 = arith.addi %add3A_175, %add3A_176 : i32
      %lt3A_178 = arith.constant 2500 : i32
      %lt3A_179 = arith.cmpi slt, %add3A_177, %lt3A_178 : i32
      %convert_element_type3A_180 = arith.extui %lt3A_179 : i1 to i32
      %cond3A_181 = arith.constant 0 : i32
      %cond3A_182 = arith.cmpi ne, %convert_element_type3A_180, %cond3A_181 : i32
      scf.if %cond3A_182 {
        %dma_wait3A = arith.constant 0 : i32
        %dma_wait3A_183 = arith.constant 0 : i32
        %dma_wait3A_184 = tpu.memref_slice %arg4[%dma_wait3A, %dma_wait3A_183] : memref<160x128xi32, #tpu.memory_space<vmem>> -> memref<1x128xi32, #tpu.memory_space<vmem>>
        %dma_wait3A_185 = tpu.memref_squeeze %dma_wait3A_184 : memref<1x128xi32, #tpu.memory_space<vmem>> -> memref<128xi32, #tpu.memory_space<vmem>>
        %dma_wait3A_186 = arith.constant 0 : i32
        %dma_wait3A_187 = tpu.memref_slice %arg8[%dma_wait3A_186] : memref<10240xf32, #tpu.memory_space<vmem_shared>> -> memref<10240xf32, #tpu.memory_space<vmem_shared>>
        tpu.wait_indirect_dma semaphore(%arg7 : memref<!tpu.dma_semaphore, #tpu.memory_space<semaphore_mem>>) src(%arg5 : memref<128xf32, #tpu.memory_space<vmem>>) dst(%dma_wait3A_187 : memref<10240xf32, #tpu.memory_space<vmem_shared>>)
      } else {
      }
    }
    %scan3A_16 = arith.constant 20 : i32
    %barrier3A_17 = arith.constant 0 : index
    tpu.barrier barrier_id(%barrier3A_17)
    %mul3A_18 = arith.constant 640 : i32
    %mul3A_19 = arith.muli %arg1, %mul3A_18 : i32
    %mul3A_20 = arith.constant 640 : i32
    %mul3A_21 = arith.muli %arg1, %mul3A_20 : i32
    "tpu.region"() ({
      %run_scoped3A = tpu.sem_alloc : memref<!tpu.dma_semaphore, #tpu.memory_space<semaphore_mem>>
      %dma_start3A = tpu.memref_slice %arg3[%arg0, %mul3A_21] : memref<2x10240xf32, #tpu.memory_space<hbm>> -> memref<1x640xf32, #tpu.memory_space<hbm>>
      %dma_start3A_22 = tpu.memref_squeeze %dma_start3A : memref<1x640xf32, #tpu.memory_space<hbm>> -> memref<640xf32, #tpu.memory_space<hbm>>
      %dma_start3A_23 = tpu.memref_slice %arg8[%mul3A_19] : memref<10240xf32, #tpu.memory_space<vmem_shared>> -> memref<640xf32, #tpu.memory_space<vmem_shared>>
      tpu.enqueue_dma source(%dma_start3A_23 : memref<640xf32, #tpu.memory_space<vmem_shared>>) target(%dma_start3A_22 : memref<640xf32, #tpu.memory_space<hbm>>) target_semaphore(%run_scoped3A : memref<!tpu.dma_semaphore, #tpu.memory_space<semaphore_mem>>)
      %dma_wait3A = tpu.memref_slice %arg3[%arg0, %mul3A_21] : memref<2x10240xf32, #tpu.memory_space<hbm>> -> memref<1x640xf32, #tpu.memory_space<hbm>>
      %dma_wait3A_24 = tpu.memref_squeeze %dma_wait3A : memref<1x640xf32, #tpu.memory_space<hbm>> -> memref<640xf32, #tpu.memory_space<hbm>>
      %dma_wait3A_25 = tpu.memref_slice %arg8[%mul3A_19] : memref<10240xf32, #tpu.memory_space<vmem_shared>> -> memref<640xf32, #tpu.memory_space<vmem_shared>>
      tpu.wait_dma2 semaphore(%run_scoped3A : memref<!tpu.dma_semaphore, #tpu.memory_space<semaphore_mem>>) src(%dma_wait3A_25 : memref<640xf32, #tpu.memory_space<vmem_shared>>) dst(%dma_wait3A_24 : memref<640xf32, #tpu.memory_space<hbm>>)
      tpu.yield
    }) : () -> ()
    return
  }
}

#map = affine_map<(d0, d1) -> (0, 0)>
#map1 = affine_map<(d0, d1) -> (0, 0, 0)>
module attributes {stable_mosaic.version = 14 : i64} {
  func.func @_conv_kernel(%arg0: i32, %arg1: i32, %arg2: memref<10000x128xf32, #tpu.memory_space<hbm>>, %arg3: memref<2x2560x128xi32, #tpu.memory_space<hbm>>, %arg4: memref<2x10240x128xf32, #tpu.memory_space<hbm>>, %arg5: memref<40x128xi32, #tpu.memory_space<vmem>>, %arg6: memref<40x128xi32, #tpu.memory_space<vmem>>, %arg7: memref<128x128xf32, #tpu.memory_space<vmem>>, %arg8: memref<128x128xf32, #tpu.memory_space<vmem>>, %arg9: memref<!tpu.dma_semaphore, #tpu.memory_space<semaphore_mem>>, %arg10: memref<!tpu.dma_semaphore, #tpu.memory_space<semaphore_mem>>, %arg11: memref<10240x128xf32, #tpu.memory_space<vmem_shared>>) attributes {dimension_semantics = [#tpu.dimension_semantics<core_parallel>, #tpu.dimension_semantics<subcore_parallel>], iteration_bounds = array<i64: 2, 16>, scalar_prefetch = 0 : i64, scratch_operands = 7 : i64, tpu.core_type = #tpu.core_type<sc_vector_subcore>, window_params = [{transform_indices = #map}, {transform_indices = #map1}, {transform_indices = #map1}]} {
    %mul3A = arith.constant 16 : i32
    %mul3A_0 = arith.muli %arg0, %mul3A : i32
    %add3A = arith.addi %mul3A_0, %arg1 : i32
    %mul3A_1 = arith.constant 640 : i32
    %mul3A_2 = arith.muli %arg1, %mul3A_1 : i32
    %scan3A = arith.constant 0 : i32
    %scan3A_3 = arith.constant 128 : i32
    %scan3A_4 = arith.addi %scan3A, %scan3A_3 : i32
    %scan3A_5 = arith.constant 1 : i32
    scf.for %scan3A_157 = %scan3A to %scan3A_4 step %scan3A_5  : i32 {
      %mul3A_158 = arith.constant 1 : i32
      %mul3A_159 = arith.muli %scan3A_157, %mul3A_158 : i32
      %add3A_160 = arith.constant 0 : i32
      %add3A_161 = arith.addi %add3A_160, %mul3A_159 : i32
      %scan3A_162 = arith.constant 0 : i32
      %scan3A_163 = arith.constant 8 : i32
      %scan3A_164 = arith.addi %scan3A_162, %scan3A_163 : i32
      %scan3A_165 = arith.constant 1 : i32
      scf.for %scan3A_167 = %scan3A_162 to %scan3A_164 step %scan3A_165  : i32 {
        %mul3A_168 = arith.constant 16 : i32
        %mul3A_169 = arith.muli %scan3A_167, %mul3A_168 : i32
        %add3A_170 = arith.constant 0 : i32
        %add3A_171 = arith.addi %add3A_170, %mul3A_169 : i32
        %broadcast_in_dim3A = arith.constant 0.000000e+00 : f32
        %broadcast_in_dim3A_172 = vector.broadcast %broadcast_in_dim3A : f32 to vector<16xf32>
        %swap3A = arith.index_cast %add3A_161 : i32 to index
        %swap3A_173 = arith.index_cast %add3A_171 : i32 to index
        %swap3A_174 = tpu.vector_load %arg8[%swap3A, %swap3A_173] {strides = array<i32>} : memref<128x128xf32, #tpu.memory_space<vmem>>, vector<1x16xf32>,
        %swap3A_175 = vector.shape_cast %swap3A_174 : vector<1x16xf32> to vector<16xf32>
        %swap3A_176 = vector.shape_cast %broadcast_in_dim3A_172 : vector<16xf32> to vector<1x16xf32>
        tpu.vector_store %arg8[%swap3A, %swap3A_173], %swap3A_176 {strides = array<i32>} : memref<128x128xf32, #tpu.memory_space<vmem>>, vector<1x16xf32>,
      }
      %scan3A_166 = arith.constant 8 : i32
    }
    %scan3A_6 = arith.constant 128 : i32
    %add3A_7 = arith.constant 0 : i32
    %add3A_8 = arith.addi %mul3A_2, %add3A_7 : i32
    %dma_start3A = arith.constant 0 : i32
    %dma_start3A_9 = tpu.memref_slice %arg11[%add3A_8, %dma_start3A] : memref<10240x128xf32, #tpu.memory_space<vmem_shared>> -> memref<128x128xf32, #tpu.memory_space<vmem_shared>>
    %dma_start3A_10 = arith.constant 0 : i32
    %dma_start3A_11 = tpu.memref_slice %arg11[%add3A_8, %dma_start3A_10] : memref<10240x128xf32, #tpu.memory_space<vmem_shared>> -> memref<128x128xf32, #tpu.memory_space<vmem_shared>>
    tpu.enqueue_dma source(%arg8 : memref<128x128xf32, #tpu.memory_space<vmem>>) target(%dma_start3A_11 : memref<128x128xf32, #tpu.memory_space<vmem_shared>>) target_semaphore(%arg10 : memref<!tpu.dma_semaphore, #tpu.memory_space<semaphore_mem>>)
    %add3A_12 = arith.constant 128 : i32
    %add3A_13 = arith.addi %mul3A_2, %add3A_12 : i32
    %dma_start3A_14 = arith.constant 0 : i32
    %dma_start3A_15 = tpu.memref_slice %arg11[%add3A_13, %dma_start3A_14] : memref<10240x128xf32, #tpu.memory_space<vmem_shared>> -> memref<128x128xf32, #tpu.memory_space<vmem_shared>>
    %dma_start3A_16 = arith.constant 0 : i32
    %dma_start3A_17 = tpu.memref_slice %arg11[%add3A_13, %dma_start3A_16] : memref<10240x128xf32, #tpu.memory_space<vmem_shared>> -> memref<128x128xf32, #tpu.memory_space<vmem_shared>>
    tpu.enqueue_dma source(%arg8 : memref<128x128xf32, #tpu.memory_space<vmem>>) target(%dma_start3A_17 : memref<128x128xf32, #tpu.memory_space<vmem_shared>>) target_semaphore(%arg10 : memref<!tpu.dma_semaphore, #tpu.memory_space<semaphore_mem>>)
    %add3A_18 = arith.constant 256 : i32
    %add3A_19 = arith.addi %mul3A_2, %add3A_18 : i32
    %dma_start3A_20 = arith.constant 0 : i32
    %dma_start3A_21 = tpu.memref_slice %arg11[%add3A_19, %dma_start3A_20] : memref<10240x128xf32, #tpu.memory_space<vmem_shared>> -> memref<128x128xf32, #tpu.memory_space<vmem_shared>>
    %dma_start3A_22 = arith.constant 0 : i32
    %dma_start3A_23 = tpu.memref_slice %arg11[%add3A_19, %dma_start3A_22] : memref<10240x128xf32, #tpu.memory_space<vmem_shared>> -> memref<128x128xf32, #tpu.memory_space<vmem_shared>>
    tpu.enqueue_dma source(%arg8 : memref<128x128xf32, #tpu.memory_space<vmem>>) target(%dma_start3A_23 : memref<128x128xf32, #tpu.memory_space<vmem_shared>>) target_semaphore(%arg10 : memref<!tpu.dma_semaphore, #tpu.memory_space<semaphore_mem>>)
    %add3A_24 = arith.constant 384 : i32
    %add3A_25 = arith.addi %mul3A_2, %add3A_24 : i32
    %dma_start3A_26 = arith.constant 0 : i32
    %dma_start3A_27 = tpu.memref_slice %arg11[%add3A_25, %dma_start3A_26] : memref<10240x128xf32, #tpu.memory_space<vmem_shared>> -> memref<128x128xf32, #tpu.memory_space<vmem_shared>>
    %dma_start3A_28 = arith.constant 0 : i32
    %dma_start3A_29 = tpu.memref_slice %arg11[%add3A_25, %dma_start3A_28] : memref<10240x128xf32, #tpu.memory_space<vmem_shared>> -> memref<128x128xf32, #tpu.memory_space<vmem_shared>>
    tpu.enqueue_dma source(%arg8 : memref<128x128xf32, #tpu.memory_space<vmem>>) target(%dma_start3A_29 : memref<128x128xf32, #tpu.memory_space<vmem_shared>>) target_semaphore(%arg10 : memref<!tpu.dma_semaphore, #tpu.memory_space<semaphore_mem>>)
    %add3A_30 = arith.constant 512 : i32
    %add3A_31 = arith.addi %mul3A_2, %add3A_30 : i32
    %dma_start3A_32 = arith.constant 0 : i32
    %dma_start3A_33 = tpu.memref_slice %arg11[%add3A_31, %dma_start3A_32] : memref<10240x128xf32, #tpu.memory_space<vmem_shared>> -> memref<128x128xf32, #tpu.memory_space<vmem_shared>>
    %dma_start3A_34 = arith.constant 0 : i32
    %dma_start3A_35 = tpu.memref_slice %arg11[%add3A_31, %dma_start3A_34] : memref<10240x128xf32, #tpu.memory_space<vmem_shared>> -> memref<128x128xf32, #tpu.memory_space<vmem_shared>>
    tpu.enqueue_dma source(%arg8 : memref<128x128xf32, #tpu.memory_space<vmem>>) target(%dma_start3A_35 : memref<128x128xf32, #tpu.memory_space<vmem_shared>>) target_semaphore(%arg10 : memref<!tpu.dma_semaphore, #tpu.memory_space<semaphore_mem>>)
    %mul3A_36 = arith.constant 2 : i32
    %mul3A_37 = arith.muli %add3A, %mul3A_36 : i32
    %add3A_38 = arith.constant 0 : i32
    %add3A_39 = arith.addi %mul3A_37, %add3A_38 : i32
    %mul3A_40 = arith.constant 40 : i32
    %mul3A_41 = arith.muli %add3A_39, %mul3A_40 : i32
    %run_scoped3A = arith.constant 0 : i32
    "tpu.region"() ({
      %run_scoped3A_157 = tpu.sem_alloc : memref<!tpu.dma_semaphore, #tpu.memory_space<semaphore_mem>>
      %dma_start3A_158 = arith.constant 0 : i32
      %dma_start3A_159 = tpu.memref_slice %arg3[%run_scoped3A, %mul3A_41, %dma_start3A_158] : memref<2x2560x128xi32, #tpu.memory_space<hbm>> -> memref<1x40x128xi32, #tpu.memory_space<hbm>>
      %dma_start3A_160 = tpu.memref_squeeze %dma_start3A_159 : memref<1x40x128xi32, #tpu.memory_space<hbm>> -> memref<40x128xi32, #tpu.memory_space<hbm>>
      %dma_start3A_161 = arith.constant 0 : i32
      %dma_start3A_162 = tpu.memref_slice %arg3[%run_scoped3A, %mul3A_41, %dma_start3A_161] : memref<2x2560x128xi32, #tpu.memory_space<hbm>> -> memref<1x40x128xi32, #tpu.memory_space<hbm>>
      %dma_start3A_163 = tpu.memref_squeeze %dma_start3A_162 : memref<1x40x128xi32, #tpu.memory_space<hbm>> -> memref<40x128xi32, #tpu.memory_space<hbm>>
      tpu.enqueue_dma source(%dma_start3A_163 : memref<40x128xi32, #tpu.memory_space<hbm>>) target(%arg5 : memref<40x128xi32, #tpu.memory_space<vmem>>) target_semaphore(%run_scoped3A_157 : memref<!tpu.dma_semaphore, #tpu.memory_space<semaphore_mem>>)
      %dma_wait3A_164 = arith.constant 0 : i32
      %dma_wait3A_165 = tpu.memref_slice %arg3[%run_scoped3A, %mul3A_41, %dma_wait3A_164] : memref<2x2560x128xi32, #tpu.memory_space<hbm>> -> memref<1x40x128xi32, #tpu.memory_space<hbm>>
      %dma_wait3A_166 = tpu.memref_squeeze %dma_wait3A_165 : memref<1x40x128xi32, #tpu.memory_space<hbm>> -> memref<40x128xi32, #tpu.memory_space<hbm>>
      %dma_wait3A_167 = arith.constant 0 : i32
      %dma_wait3A_168 = tpu.memref_slice %arg3[%run_scoped3A, %mul3A_41, %dma_wait3A_167] : memref<2x2560x128xi32, #tpu.memory_space<hbm>> -> memref<1x40x128xi32, #tpu.memory_space<hbm>>
      %dma_wait3A_169 = tpu.memref_squeeze %dma_wait3A_168 : memref<1x40x128xi32, #tpu.memory_space<hbm>> -> memref<40x128xi32, #tpu.memory_space<hbm>>
      tpu.wait_dma2 semaphore(%run_scoped3A_157 : memref<!tpu.dma_semaphore, #tpu.memory_space<semaphore_mem>>) src(%dma_wait3A_169 : memref<40x128xi32, #tpu.memory_space<hbm>>) dst(%arg5 : memref<40x128xi32, #tpu.memory_space<vmem>>)
      tpu.yield
    }) : () -> ()
    %mul3A_42 = arith.constant 2 : i32
    %mul3A_43 = arith.muli %add3A, %mul3A_42 : i32
    %add3A_44 = arith.constant 0 : i32
    %add3A_45 = arith.addi %mul3A_43, %add3A_44 : i32
    %mul3A_46 = arith.constant 40 : i32
    %mul3A_47 = arith.muli %add3A_45, %mul3A_46 : i32
    %run_scoped3A_48 = arith.constant 1 : i32
    "tpu.region"() ({
      %run_scoped3A_157 = tpu.sem_alloc : memref<!tpu.dma_semaphore, #tpu.memory_space<semaphore_mem>>
      %dma_start3A_158 = arith.constant 0 : i32
      %dma_start3A_159 = tpu.memref_slice %arg3[%run_scoped3A_48, %mul3A_47, %dma_start3A_158] : memref<2x2560x128xi32, #tpu.memory_space<hbm>> -> memref<1x40x128xi32, #tpu.memory_space<hbm>>
      %dma_start3A_160 = tpu.memref_squeeze %dma_start3A_159 : memref<1x40x128xi32, #tpu.memory_space<hbm>> -> memref<40x128xi32, #tpu.memory_space<hbm>>
      %dma_start3A_161 = arith.constant 0 : i32
      %dma_start3A_162 = tpu.memref_slice %arg3[%run_scoped3A_48, %mul3A_47, %dma_start3A_161] : memref<2x2560x128xi32, #tpu.memory_space<hbm>> -> memref<1x40x128xi32, #tpu.memory_space<hbm>>
      %dma_start3A_163 = tpu.memref_squeeze %dma_start3A_162 : memref<1x40x128xi32, #tpu.memory_space<hbm>> -> memref<40x128xi32, #tpu.memory_space<hbm>>
      tpu.enqueue_dma source(%dma_start3A_163 : memref<40x128xi32, #tpu.memory_space<hbm>>) target(%arg6 : memref<40x128xi32, #tpu.memory_space<vmem>>) target_semaphore(%run_scoped3A_157 : memref<!tpu.dma_semaphore, #tpu.memory_space<semaphore_mem>>)
      %dma_wait3A_164 = arith.constant 0 : i32
      %dma_wait3A_165 = tpu.memref_slice %arg3[%run_scoped3A_48, %mul3A_47, %dma_wait3A_164] : memref<2x2560x128xi32, #tpu.memory_space<hbm>> -> memref<1x40x128xi32, #tpu.memory_space<hbm>>
      %dma_wait3A_166 = tpu.memref_squeeze %dma_wait3A_165 : memref<1x40x128xi32, #tpu.memory_space<hbm>> -> memref<40x128xi32, #tpu.memory_space<hbm>>
      %dma_wait3A_167 = arith.constant 0 : i32
      %dma_wait3A_168 = tpu.memref_slice %arg3[%run_scoped3A_48, %mul3A_47, %dma_wait3A_167] : memref<2x2560x128xi32, #tpu.memory_space<hbm>> -> memref<1x40x128xi32, #tpu.memory_space<hbm>>
      %dma_wait3A_169 = tpu.memref_squeeze %dma_wait3A_168 : memref<1x40x128xi32, #tpu.memory_space<hbm>> -> memref<40x128xi32, #tpu.memory_space<hbm>>
      tpu.wait_dma2 semaphore(%run_scoped3A_157 : memref<!tpu.dma_semaphore, #tpu.memory_space<semaphore_mem>>) src(%dma_wait3A_169 : memref<40x128xi32, #tpu.memory_space<hbm>>) dst(%arg6 : memref<40x128xi32, #tpu.memory_space<vmem>>)
      tpu.yield
    }) : () -> ()
    %dma_start3A_49 = arith.constant 0 : i32
    %dma_start3A_50 = arith.constant 0 : i32
    %dma_start3A_51 = tpu.memref_slice %arg5[%dma_start3A_49, %dma_start3A_50] : memref<40x128xi32, #tpu.memory_space<vmem>> -> memref<1x128xi32, #tpu.memory_space<vmem>>
    %dma_start3A_52 = tpu.memref_squeeze %dma_start3A_51 : memref<1x128xi32, #tpu.memory_space<vmem>> -> memref<128xi32, #tpu.memory_space<vmem>>
    %dma_start3A_53 = arith.constant 0 : i32
    %dma_start3A_54 = arith.constant 0 : i32
    %dma_start3A_55 = tpu.memref_slice %arg2[%dma_start3A_53, %dma_start3A_54] : memref<10000x128xf32, #tpu.memory_space<hbm>> -> memref<10000x128xf32, #tpu.memory_space<hbm>>
    tpu.enqueue_indirect_dma source(%dma_start3A_55 : memref<10000x128xf32, #tpu.memory_space<hbm>>) target(%arg7 : memref<128x128xf32, #tpu.memory_space<vmem>>) offsets(%dma_start3A_52 : memref<128xi32, #tpu.memory_space<vmem>>) semaphore(%arg9 : memref<!tpu.dma_semaphore, #tpu.memory_space<semaphore_mem>>)
    %dma_wait3A = arith.constant 0 : i32
    %dma_wait3A_56 = tpu.memref_slice %arg11[%mul3A_2, %dma_wait3A] : memref<10240x128xf32, #tpu.memory_space<vmem_shared>> -> memref<128x128xf32, #tpu.memory_space<vmem_shared>>
    %dma_wait3A_57 = arith.constant 0 : i32
    %dma_wait3A_58 = tpu.memref_slice %arg11[%mul3A_2, %dma_wait3A_57] : memref<10240x128xf32, #tpu.memory_space<vmem_shared>> -> memref<128x128xf32, #tpu.memory_space<vmem_shared>>
    tpu.wait_dma2 semaphore(%arg10 : memref<!tpu.dma_semaphore, #tpu.memory_space<semaphore_mem>>) src(%arg8 : memref<128x128xf32, #tpu.memory_space<vmem>>) dst(%dma_wait3A_58 : memref<128x128xf32, #tpu.memory_space<vmem_shared>>)
    %dma_wait3A_59 = arith.constant 0 : i32
    %dma_wait3A_60 = tpu.memref_slice %arg11[%mul3A_2, %dma_wait3A_59] : memref<10240x128xf32, #tpu.memory_space<vmem_shared>> -> memref<128x128xf32, #tpu.memory_space<vmem_shared>>
    %dma_wait3A_61 = arith.constant 0 : i32
    %dma_wait3A_62 = tpu.memref_slice %arg11[%mul3A_2, %dma_wait3A_61] : memref<10240x128xf32, #tpu.memory_space<vmem_shared>> -> memref<128x128xf32, #tpu.memory_space<vmem_shared>>
    tpu.wait_dma2 semaphore(%arg10 : memref<!tpu.dma_semaphore, #tpu.memory_space<semaphore_mem>>) src(%arg8 : memref<128x128xf32, #tpu.memory_space<vmem>>) dst(%dma_wait3A_62 : memref<128x128xf32, #tpu.memory_space<vmem_shared>>)
    %dma_wait3A_63 = arith.constant 0 : i32
    %dma_wait3A_64 = tpu.memref_slice %arg11[%mul3A_2, %dma_wait3A_63] : memref<10240x128xf32, #tpu.memory_space<vmem_shared>> -> memref<128x128xf32, #tpu.memory_space<vmem_shared>>
    %dma_wait3A_65 = arith.constant 0 : i32
    %dma_wait3A_66 = tpu.memref_slice %arg11[%mul3A_2, %dma_wait3A_65] : memref<10240x128xf32, #tpu.memory_space<vmem_shared>> -> memref<128x128xf32, #tpu.memory_space<vmem_shared>>
    tpu.wait_dma2 semaphore(%arg10 : memref<!tpu.dma_semaphore, #tpu.memory_space<semaphore_mem>>) src(%arg8 : memref<128x128xf32, #tpu.memory_space<vmem>>) dst(%dma_wait3A_66 : memref<128x128xf32, #tpu.memory_space<vmem_shared>>)
    %dma_wait3A_67 = arith.constant 0 : i32
    %dma_wait3A_68 = tpu.memref_slice %arg11[%mul3A_2, %dma_wait3A_67] : memref<10240x128xf32, #tpu.memory_space<vmem_shared>> -> memref<128x128xf32, #tpu.memory_space<vmem_shared>>
    %dma_wait3A_69 = arith.constant 0 : i32
    %dma_wait3A_70 = tpu.memref_slice %arg11[%mul3A_2, %dma_wait3A_69] : memref<10240x128xf32, #tpu.memory_space<vmem_shared>> -> memref<128x128xf32, #tpu.memory_space<vmem_shared>>
    tpu.wait_dma2 semaphore(%arg10 : memref<!tpu.dma_semaphore, #tpu.memory_space<semaphore_mem>>) src(%arg8 : memref<128x128xf32, #tpu.memory_space<vmem>>) dst(%dma_wait3A_70 : memref<128x128xf32, #tpu.memory_space<vmem_shared>>)
    %dma_wait3A_71 = arith.constant 0 : i32
    %dma_wait3A_72 = tpu.memref_slice %arg11[%mul3A_2, %dma_wait3A_71] : memref<10240x128xf32, #tpu.memory_space<vmem_shared>> -> memref<128x128xf32, #tpu.memory_space<vmem_shared>>
    %dma_wait3A_73 = arith.constant 0 : i32
    %dma_wait3A_74 = tpu.memref_slice %arg11[%mul3A_2, %dma_wait3A_73] : memref<10240x128xf32, #tpu.memory_space<vmem_shared>> -> memref<128x128xf32, #tpu.memory_space<vmem_shared>>
    tpu.wait_dma2 semaphore(%arg10 : memref<!tpu.dma_semaphore, #tpu.memory_space<semaphore_mem>>) src(%arg8 : memref<128x128xf32, #tpu.memory_space<vmem>>) dst(%dma_wait3A_74 : memref<128x128xf32, #tpu.memory_space<vmem_shared>>)
    %barrier3A = arith.constant 0 : index
    tpu.barrier barrier_id(%barrier3A)
    %scan3A_75 = arith.constant 0 : i32
    %scan3A_76 = arith.constant 19 : i32
    %scan3A_77 = arith.addi %scan3A_75, %scan3A_76 : i32
    %scan3A_78 = arith.constant 1 : i32
    scf.for %scan3A_157 = %scan3A_75 to %scan3A_77 step %scan3A_78  : i32 {
      %mul3A_158 = arith.constant 2 : i32
      %mul3A_159 = arith.muli %scan3A_157, %mul3A_158 : i32
      %add3A_160 = arith.constant 0 : i32
      %add3A_161 = arith.addi %add3A_160, %mul3A_159 : i32
      %dma_wait3A_162 = arith.constant 0 : i32
      %dma_wait3A_163 = arith.constant 0 : i32
      %dma_wait3A_164 = tpu.memref_slice %arg5[%dma_wait3A_162, %dma_wait3A_163] : memref<40x128xi32, #tpu.memory_space<vmem>> -> memref<1x128xi32, #tpu.memory_space<vmem>>
      %dma_wait3A_165 = tpu.memref_squeeze %dma_wait3A_164 : memref<1x128xi32, #tpu.memory_space<vmem>> -> memref<128xi32, #tpu.memory_space<vmem>>
      %dma_wait3A_166 = arith.constant 0 : i32
      %dma_wait3A_167 = arith.constant 0 : i32
      %dma_wait3A_168 = tpu.memref_slice %arg2[%dma_wait3A_166, %dma_wait3A_167] : memref<10000x128xf32, #tpu.memory_space<hbm>> -> memref<10000x128xf32, #tpu.memory_space<hbm>>
      tpu.wait_indirect_dma semaphore(%arg9 : memref<!tpu.dma_semaphore, #tpu.memory_space<semaphore_mem>>) src(%dma_wait3A_168 : memref<10000x128xf32, #tpu.memory_space<hbm>>) dst(%arg7 : memref<128x128xf32, #tpu.memory_space<vmem>>)
      %add3A_169 = arith.constant 1 : i32
      %add3A_170 = arith.addi %add3A_161, %add3A_169 : i32
      %dma_start3A_171 = arith.constant 0 : i32
      %dma_start3A_172 = tpu.memref_slice %arg5[%add3A_170, %dma_start3A_171] : memref<40x128xi32, #tpu.memory_space<vmem>> -> memref<1x128xi32, #tpu.memory_space<vmem>>
      %dma_start3A_173 = tpu.memref_squeeze %dma_start3A_172 : memref<1x128xi32, #tpu.memory_space<vmem>> -> memref<128xi32, #tpu.memory_space<vmem>>
      %dma_start3A_174 = arith.constant 0 : i32
      %dma_start3A_175 = arith.constant 0 : i32
      %dma_start3A_176 = tpu.memref_slice %arg2[%dma_start3A_174, %dma_start3A_175] : memref<10000x128xf32, #tpu.memory_space<hbm>> -> memref<10000x128xf32, #tpu.memory_space<hbm>>
      tpu.enqueue_indirect_dma source(%dma_start3A_176 : memref<10000x128xf32, #tpu.memory_space<hbm>>) target(%arg8 : memref<128x128xf32, #tpu.memory_space<vmem>>) offsets(%dma_start3A_173 : memref<128xi32, #tpu.memory_space<vmem>>) semaphore(%arg10 : memref<!tpu.dma_semaphore, #tpu.memory_space<semaphore_mem>>)
      "tpu.region"() ({
        %run_scoped3A_194 = tpu.sem_alloc : memref<!tpu.dma_semaphore, #tpu.memory_space<semaphore_mem>>
        %dma_start3A_195 = arith.constant 0 : i32
        %dma_start3A_196 = tpu.memref_slice %arg6[%add3A_161, %dma_start3A_195] : memref<40x128xi32, #tpu.memory_space<vmem>> -> memref<1x128xi32, #tpu.memory_space<vmem>>
        %dma_start3A_197 = tpu.memref_squeeze %dma_start3A_196 : memref<1x128xi32, #tpu.memory_space<vmem>> -> memref<128xi32, #tpu.memory_space<vmem>>
        %dma_start3A_198 = arith.constant 0 : i32
        %dma_start3A_199 = arith.constant 0 : i32
        %dma_start3A_200 = tpu.memref_slice %arg11[%dma_start3A_198, %dma_start3A_199] : memref<10240x128xf32, #tpu.memory_space<vmem_shared>> -> memref<10240x128xf32, #tpu.memory_space<vmem_shared>>
        tpu.enqueue_indirect_dma source(%arg7 : memref<128x128xf32, #tpu.memory_space<vmem>>) target(%dma_start3A_200 : memref<10240x128xf32, #tpu.memory_space<vmem_shared>>) offsets(%dma_start3A_197 : memref<128xi32, #tpu.memory_space<vmem>>) semaphore(%run_scoped3A_194 : memref<!tpu.dma_semaphore, #tpu.memory_space<semaphore_mem>>) {add = true}
        %dma_wait3A_201 = arith.constant 0 : i32
        %dma_wait3A_202 = tpu.memref_slice %arg6[%add3A_161, %dma_wait3A_201] : memref<40x128xi32, #tpu.memory_space<vmem>> -> memref<1x128xi32, #tpu.memory_space<vmem>>
        %dma_wait3A_203 = tpu.memref_squeeze %dma_wait3A_202 : memref<1x128xi32, #tpu.memory_space<vmem>> -> memref<128xi32, #tpu.memory_space<vmem>>
        %dma_wait3A_204 = arith.constant 0 : i32
        %dma_wait3A_205 = arith.constant 0 : i32
        %dma_wait3A_206 = tpu.memref_slice %arg11[%dma_wait3A_204, %dma_wait3A_205] : memref<10240x128xf32, #tpu.memory_space<vmem_shared>> -> memref<10240x128xf32, #tpu.memory_space<vmem_shared>>
        tpu.wait_indirect_dma semaphore(%run_scoped3A_194 : memref<!tpu.dma_semaphore, #tpu.memory_space<semaphore_mem>>) src(%arg7 : memref<128x128xf32, #tpu.memory_space<vmem>>) dst(%dma_wait3A_206 : memref<10240x128xf32, #tpu.memory_space<vmem_shared>>)
        tpu.yield
      }) : () -> ()
      %dma_wait3A_177 = arith.constant 0 : i32
      %dma_wait3A_178 = arith.constant 0 : i32
      %dma_wait3A_179 = tpu.memref_slice %arg5[%dma_wait3A_177, %dma_wait3A_178] : memref<40x128xi32, #tpu.memory_space<vmem>> -> memref<1x128xi32, #tpu.memory_space<vmem>>
      %dma_wait3A_180 = tpu.memref_squeeze %dma_wait3A_179 : memref<1x128xi32, #tpu.memory_space<vmem>> -> memref<128xi32, #tpu.memory_space<vmem>>
      %dma_wait3A_181 = arith.constant 0 : i32
      %dma_wait3A_182 = arith.constant 0 : i32
      %dma_wait3A_183 = tpu.memref_slice %arg2[%dma_wait3A_181, %dma_wait3A_182] : memref<10000x128xf32, #tpu.memory_space<hbm>> -> memref<10000x128xf32, #tpu.memory_space<hbm>>
      tpu.wait_indirect_dma semaphore(%arg10 : memref<!tpu.dma_semaphore, #tpu.memory_space<semaphore_mem>>) src(%dma_wait3A_183 : memref<10000x128xf32, #tpu.memory_space<hbm>>) dst(%arg8 : memref<128x128xf32, #tpu.memory_space<vmem>>)
      %add3A_184 = arith.constant 2 : i32
      %add3A_185 = arith.addi %add3A_161, %add3A_184 : i32
      %dma_start3A_186 = arith.constant 0 : i32
      %dma_start3A_187 = tpu.memref_slice %arg5[%add3A_185, %dma_start3A_186] : memref<40x128xi32, #tpu.memory_space<vmem>> -> memref<1x128xi32, #tpu.memory_space<vmem>>
      %dma_start3A_188 = tpu.memref_squeeze %dma_start3A_187 : memref<1x128xi32, #tpu.memory_space<vmem>> -> memref<128xi32, #tpu.memory_space<vmem>>
      %dma_start3A_189 = arith.constant 0 : i32
      %dma_start3A_190 = arith.constant 0 : i32
      %dma_start3A_191 = tpu.memref_slice %arg2[%dma_start3A_189, %dma_start3A_190] : memref<10000x128xf32, #tpu.memory_space<hbm>> -> memref<10000x128xf32, #tpu.memory_space<hbm>>
      tpu.enqueue_indirect_dma source(%dma_start3A_191 : memref<10000x128xf32, #tpu.memory_space<hbm>>) target(%arg7 : memref<128x128xf32, #tpu.memory_space<vmem>>) offsets(%dma_start3A_188 : memref<128xi32, #tpu.memory_space<vmem>>) semaphore(%arg9 : memref<!tpu.dma_semaphore, #tpu.memory_space<semaphore_mem>>)
      %add3A_192 = arith.constant 1 : i32
      %add3A_193 = arith.addi %add3A_161, %add3A_192 : i32
      "tpu.region"() ({
        %run_scoped3A_194 = tpu.sem_alloc : memref<!tpu.dma_semaphore, #tpu.memory_space<semaphore_mem>>
        %dma_start3A_195 = arith.constant 0 : i32
        %dma_start3A_196 = tpu.memref_slice %arg6[%add3A_193, %dma_start3A_195] : memref<40x128xi32, #tpu.memory_space<vmem>> -> memref<1x128xi32, #tpu.memory_space<vmem>>
        %dma_start3A_197 = tpu.memref_squeeze %dma_start3A_196 : memref<1x128xi32, #tpu.memory_space<vmem>> -> memref<128xi32, #tpu.memory_space<vmem>>
        %dma_start3A_198 = arith.constant 0 : i32
        %dma_start3A_199 = arith.constant 0 : i32
        %dma_start3A_200 = tpu.memref_slice %arg11[%dma_start3A_198, %dma_start3A_199] : memref<10240x128xf32, #tpu.memory_space<vmem_shared>> -> memref<10240x128xf32, #tpu.memory_space<vmem_shared>>
        tpu.enqueue_indirect_dma source(%arg8 : memref<128x128xf32, #tpu.memory_space<vmem>>) target(%dma_start3A_200 : memref<10240x128xf32, #tpu.memory_space<vmem_shared>>) offsets(%dma_start3A_197 : memref<128xi32, #tpu.memory_space<vmem>>) semaphore(%run_scoped3A_194 : memref<!tpu.dma_semaphore, #tpu.memory_space<semaphore_mem>>) {add = true}
        %dma_wait3A_201 = arith.constant 0 : i32
        %dma_wait3A_202 = tpu.memref_slice %arg6[%add3A_193, %dma_wait3A_201] : memref<40x128xi32, #tpu.memory_space<vmem>> -> memref<1x128xi32, #tpu.memory_space<vmem>>
        %dma_wait3A_203 = tpu.memref_squeeze %dma_wait3A_202 : memref<1x128xi32, #tpu.memory_space<vmem>> -> memref<128xi32, #tpu.memory_space<vmem>>
        %dma_wait3A_204 = arith.constant 0 : i32
        %dma_wait3A_205 = arith.constant 0 : i32
        %dma_wait3A_206 = tpu.memref_slice %arg11[%dma_wait3A_204, %dma_wait3A_205] : memref<10240x128xf32, #tpu.memory_space<vmem_shared>> -> memref<10240x128xf32, #tpu.memory_space<vmem_shared>>
        tpu.wait_indirect_dma semaphore(%run_scoped3A_194 : memref<!tpu.dma_semaphore, #tpu.memory_space<semaphore_mem>>) src(%arg8 : memref<128x128xf32, #tpu.memory_space<vmem>>) dst(%dma_wait3A_206 : memref<10240x128xf32, #tpu.memory_space<vmem_shared>>)
        tpu.yield
      }) : () -> ()
    }
    %scan3A_79 = arith.constant 19 : i32
    %dma_wait3A_80 = arith.constant 0 : i32
    %dma_wait3A_81 = arith.constant 0 : i32
    %dma_wait3A_82 = tpu.memref_slice %arg5[%dma_wait3A_80, %dma_wait3A_81] : memref<40x128xi32, #tpu.memory_space<vmem>> -> memref<1x128xi32, #tpu.memory_space<vmem>>
    %dma_wait3A_83 = tpu.memref_squeeze %dma_wait3A_82 : memref<1x128xi32, #tpu.memory_space<vmem>> -> memref<128xi32, #tpu.memory_space<vmem>>
    %dma_wait3A_84 = arith.constant 0 : i32
    %dma_wait3A_85 = arith.constant 0 : i32
    %dma_wait3A_86 = tpu.memref_slice %arg2[%dma_wait3A_84, %dma_wait3A_85] : memref<10000x128xf32, #tpu.memory_space<hbm>> -> memref<10000x128xf32, #tpu.memory_space<hbm>>
    tpu.wait_indirect_dma semaphore(%arg9 : memref<!tpu.dma_semaphore, #tpu.memory_space<semaphore_mem>>) src(%dma_wait3A_86 : memref<10000x128xf32, #tpu.memory_space<hbm>>) dst(%arg7 : memref<128x128xf32, #tpu.memory_space<vmem>>)
    %dma_start3A_87 = arith.constant 39 : i32
    %dma_start3A_88 = arith.constant 0 : i32
    %dma_start3A_89 = tpu.memref_slice %arg5[%dma_start3A_87, %dma_start3A_88] : memref<40x128xi32, #tpu.memory_space<vmem>> -> memref<1x128xi32, #tpu.memory_space<vmem>>
    %dma_start3A_90 = tpu.memref_squeeze %dma_start3A_89 : memref<1x128xi32, #tpu.memory_space<vmem>> -> memref<128xi32, #tpu.memory_space<vmem>>
    %dma_start3A_91 = arith.constant 0 : i32
    %dma_start3A_92 = arith.constant 0 : i32
    %dma_start3A_93 = tpu.memref_slice %arg2[%dma_start3A_91, %dma_start3A_92] : memref<10000x128xf32, #tpu.memory_space<hbm>> -> memref<10000x128xf32, #tpu.memory_space<hbm>>
    tpu.enqueue_indirect_dma source(%dma_start3A_93 : memref<10000x128xf32, #tpu.memory_space<hbm>>) target(%arg8 : memref<128x128xf32, #tpu.memory_space<vmem>>) offsets(%dma_start3A_90 : memref<128xi32, #tpu.memory_space<vmem>>) semaphore(%arg10 : memref<!tpu.dma_semaphore, #tpu.memory_space<semaphore_mem>>)
    %run_scoped3A_94 = arith.constant 38 : i32
    "tpu.region"() ({
      %run_scoped3A_157 = tpu.sem_alloc : memref<!tpu.dma_semaphore, #tpu.memory_space<semaphore_mem>>
      %dma_start3A_158 = arith.constant 0 : i32
      %dma_start3A_159 = tpu.memref_slice %arg6[%run_scoped3A_94, %dma_start3A_158] : memref<40x128xi32, #tpu.memory_space<vmem>> -> memref<1x128xi32, #tpu.memory_space<vmem>>
      %dma_start3A_160 = tpu.memref_squeeze %dma_start3A_159 : memref<1x128xi32, #tpu.memory_space<vmem>> -> memref<128xi32, #tpu.memory_space<vmem>>
      %dma_start3A_161 = arith.constant 0 : i32
      %dma_start3A_162 = arith.constant 0 : i32
      %dma_start3A_163 = tpu.memref_slice %arg11[%dma_start3A_161, %dma_start3A_162] : memref<10240x128xf32, #tpu.memory_space<vmem_shared>> -> memref<10240x128xf32, #tpu.memory_space<vmem_shared>>
      tpu.enqueue_indirect_dma source(%arg7 : memref<128x128xf32, #tpu.memory_space<vmem>>) target(%dma_start3A_163 : memref<10240x128xf32, #tpu.memory_space<vmem_shared>>) offsets(%dma_start3A_160 : memref<128xi32, #tpu.memory_space<vmem>>) semaphore(%run_scoped3A_157 : memref<!tpu.dma_semaphore, #tpu.memory_space<semaphore_mem>>) {add = true}
      %dma_wait3A_164 = arith.constant 0 : i32
      %dma_wait3A_165 = tpu.memref_slice %arg6[%run_scoped3A_94, %dma_wait3A_164] : memref<40x128xi32, #tpu.memory_space<vmem>> -> memref<1x128xi32, #tpu.memory_space<vmem>>
      %dma_wait3A_166 = tpu.memref_squeeze %dma_wait3A_165 : memref<1x128xi32, #tpu.memory_space<vmem>> -> memref<128xi32, #tpu.memory_space<vmem>>
      %dma_wait3A_167 = arith.constant 0 : i32
      %dma_wait3A_168 = arith.constant 0 : i32
      %dma_wait3A_169 = tpu.memref_slice %arg11[%dma_wait3A_167, %dma_wait3A_168] : memref<10240x128xf32, #tpu.memory_space<vmem_shared>> -> memref<10240x128xf32, #tpu.memory_space<vmem_shared>>
      tpu.wait_indirect_dma semaphore(%run_scoped3A_157 : memref<!tpu.dma_semaphore, #tpu.memory_space<semaphore_mem>>) src(%arg7 : memref<128x128xf32, #tpu.memory_space<vmem>>) dst(%dma_wait3A_169 : memref<10240x128xf32, #tpu.memory_space<vmem_shared>>)
      tpu.yield
    }) : () -> ()
    %dma_wait3A_95 = arith.constant 0 : i32
    %dma_wait3A_96 = arith.constant 0 : i32
    %dma_wait3A_97 = tpu.memref_slice %arg5[%dma_wait3A_95, %dma_wait3A_96] : memref<40x128xi32, #tpu.memory_space<vmem>> -> memref<1x128xi32, #tpu.memory_space<vmem>>
    %dma_wait3A_98 = tpu.memref_squeeze %dma_wait3A_97 : memref<1x128xi32, #tpu.memory_space<vmem>> -> memref<128xi32, #tpu.memory_space<vmem>>
    %dma_wait3A_99 = arith.constant 0 : i32
    %dma_wait3A_100 = arith.constant 0 : i32
    %dma_wait3A_101 = tpu.memref_slice %arg2[%dma_wait3A_99, %dma_wait3A_100] : memref<10000x128xf32, #tpu.memory_space<hbm>> -> memref<10000x128xf32, #tpu.memory_space<hbm>>
    tpu.wait_indirect_dma semaphore(%arg10 : memref<!tpu.dma_semaphore, #tpu.memory_space<semaphore_mem>>) src(%dma_wait3A_101 : memref<10000x128xf32, #tpu.memory_space<hbm>>) dst(%arg8 : memref<128x128xf32, #tpu.memory_space<vmem>>)
    %run_scoped3A_102 = arith.constant 39 : i32
    "tpu.region"() ({
      %run_scoped3A_157 = tpu.sem_alloc : memref<!tpu.dma_semaphore, #tpu.memory_space<semaphore_mem>>
      %dma_start3A_158 = arith.constant 0 : i32
      %dma_start3A_159 = tpu.memref_slice %arg6[%run_scoped3A_102, %dma_start3A_158] : memref<40x128xi32, #tpu.memory_space<vmem>> -> memref<1x128xi32, #tpu.memory_space<vmem>>
      %dma_start3A_160 = tpu.memref_squeeze %dma_start3A_159 : memref<1x128xi32, #tpu.memory_space<vmem>> -> memref<128xi32, #tpu.memory_space<vmem>>
      %dma_start3A_161 = arith.constant 0 : i32
      %dma_start3A_162 = arith.constant 0 : i32
      %dma_start3A_163 = tpu.memref_slice %arg11[%dma_start3A_161, %dma_start3A_162] : memref<10240x128xf32, #tpu.memory_space<vmem_shared>> -> memref<10240x128xf32, #tpu.memory_space<vmem_shared>>
      tpu.enqueue_indirect_dma source(%arg8 : memref<128x128xf32, #tpu.memory_space<vmem>>) target(%dma_start3A_163 : memref<10240x128xf32, #tpu.memory_space<vmem_shared>>) offsets(%dma_start3A_160 : memref<128xi32, #tpu.memory_space<vmem>>) semaphore(%run_scoped3A_157 : memref<!tpu.dma_semaphore, #tpu.memory_space<semaphore_mem>>) {add = true}
      %dma_wait3A_164 = arith.constant 0 : i32
      %dma_wait3A_165 = tpu.memref_slice %arg6[%run_scoped3A_102, %dma_wait3A_164] : memref<40x128xi32, #tpu.memory_space<vmem>> -> memref<1x128xi32, #tpu.memory_space<vmem>>
      %dma_wait3A_166 = tpu.memref_squeeze %dma_wait3A_165 : memref<1x128xi32, #tpu.memory_space<vmem>> -> memref<128xi32, #tpu.memory_space<vmem>>
      %dma_wait3A_167 = arith.constant 0 : i32
      %dma_wait3A_168 = arith.constant 0 : i32
      %dma_wait3A_169 = tpu.memref_slice %arg11[%dma_wait3A_167, %dma_wait3A_168] : memref<10240x128xf32, #tpu.memory_space<vmem_shared>> -> memref<10240x128xf32, #tpu.memory_space<vmem_shared>>
      tpu.wait_indirect_dma semaphore(%run_scoped3A_157 : memref<!tpu.dma_semaphore, #tpu.memory_space<semaphore_mem>>) src(%arg8 : memref<128x128xf32, #tpu.memory_space<vmem>>) dst(%dma_wait3A_169 : memref<10240x128xf32, #tpu.memory_space<vmem_shared>>)
      tpu.yield
    }) : () -> ()
    %mul3A_103 = arith.constant 2 : i32
    %mul3A_104 = arith.muli %add3A, %mul3A_103 : i32
    %add3A_105 = arith.constant 1 : i32
    %add3A_106 = arith.addi %mul3A_104, %add3A_105 : i32
    %mul3A_107 = arith.constant 40 : i32
    %mul3A_108 = arith.muli %add3A_106, %mul3A_107 : i32
    %run_scoped3A_109 = arith.constant 0 : i32
    "tpu.region"() ({
      %run_scoped3A_157 = tpu.sem_alloc : memref<!tpu.dma_semaphore, #tpu.memory_space<semaphore_mem>>
      %dma_start3A_158 = arith.constant 0 : i32
      %dma_start3A_159 = tpu.memref_slice %arg3[%run_scoped3A_109, %mul3A_108, %dma_start3A_158] : memref<2x2560x128xi32, #tpu.memory_space<hbm>> -> memref<1x40x128xi32, #tpu.memory_space<hbm>>
      %dma_start3A_160 = tpu.memref_squeeze %dma_start3A_159 : memref<1x40x128xi32, #tpu.memory_space<hbm>> -> memref<40x128xi32, #tpu.memory_space<hbm>>
      %dma_start3A_161 = arith.constant 0 : i32
      %dma_start3A_162 = tpu.memref_slice %arg3[%run_scoped3A_109, %mul3A_108, %dma_start3A_161] : memref<2x2560x128xi32, #tpu.memory_space<hbm>> -> memref<1x40x128xi32, #tpu.memory_space<hbm>>
      %dma_start3A_163 = tpu.memref_squeeze %dma_start3A_162 : memref<1x40x128xi32, #tpu.memory_space<hbm>> -> memref<40x128xi32, #tpu.memory_space<hbm>>
      tpu.enqueue_dma source(%dma_start3A_163 : memref<40x128xi32, #tpu.memory_space<hbm>>) target(%arg5 : memref<40x128xi32, #tpu.memory_space<vmem>>) target_semaphore(%run_scoped3A_157 : memref<!tpu.dma_semaphore, #tpu.memory_space<semaphore_mem>>)
      %dma_wait3A_164 = arith.constant 0 : i32
      %dma_wait3A_165 = tpu.memref_slice %arg3[%run_scoped3A_109, %mul3A_108, %dma_wait3A_164] : memref<2x2560x128xi32, #tpu.memory_space<hbm>> -> memref<1x40x128xi32, #tpu.memory_space<hbm>>
      %dma_wait3A_166 = tpu.memref_squeeze %dma_wait3A_165 : memref<1x40x128xi32, #tpu.memory_space<hbm>> -> memref<40x128xi32, #tpu.memory_space<hbm>>
      %dma_wait3A_167 = arith.constant 0 : i32
      %dma_wait3A_168 = tpu.memref_slice %arg3[%run_scoped3A_109, %mul3A_108, %dma_wait3A_167] : memref<2x2560x128xi32, #tpu.memory_space<hbm>> -> memref<1x40x128xi32, #tpu.memory_space<hbm>>
      %dma_wait3A_169 = tpu.memref_squeeze %dma_wait3A_168 : memref<1x40x128xi32, #tpu.memory_space<hbm>> -> memref<40x128xi32, #tpu.memory_space<hbm>>
      tpu.wait_dma2 semaphore(%run_scoped3A_157 : memref<!tpu.dma_semaphore, #tpu.memory_space<semaphore_mem>>) src(%dma_wait3A_169 : memref<40x128xi32, #tpu.memory_space<hbm>>) dst(%arg5 : memref<40x128xi32, #tpu.memory_space<vmem>>)
      tpu.yield
    }) : () -> ()
    %mul3A_110 = arith.constant 2 : i32
    %mul3A_111 = arith.muli %add3A, %mul3A_110 : i32
    %add3A_112 = arith.constant 1 : i32
    %add3A_113 = arith.addi %mul3A_111, %add3A_112 : i32
    %mul3A_114 = arith.constant 40 : i32
    %mul3A_115 = arith.muli %add3A_113, %mul3A_114 : i32
    %run_scoped3A_116 = arith.constant 1 : i32
    "tpu.region"() ({
      %run_scoped3A_157 = tpu.sem_alloc : memref<!tpu.dma_semaphore, #tpu.memory_space<semaphore_mem>>
      %dma_start3A_158 = arith.constant 0 : i32
      %dma_start3A_159 = tpu.memref_slice %arg3[%run_scoped3A_116, %mul3A_115, %dma_start3A_158] : memref<2x2560x128xi32, #tpu.memory_space<hbm>> -> memref<1x40x128xi32, #tpu.memory_space<hbm>>
      %dma_start3A_160 = tpu.memref_squeeze %dma_start3A_159 : memref<1x40x128xi32, #tpu.memory_space<hbm>> -> memref<40x128xi32, #tpu.memory_space<hbm>>
      %dma_start3A_161 = arith.constant 0 : i32
      %dma_start3A_162 = tpu.memref_slice %arg3[%run_scoped3A_116, %mul3A_115, %dma_start3A_161] : memref<2x2560x128xi32, #tpu.memory_space<hbm>> -> memref<1x40x128xi32, #tpu.memory_space<hbm>>
      %dma_start3A_163 = tpu.memref_squeeze %dma_start3A_162 : memref<1x40x128xi32, #tpu.memory_space<hbm>> -> memref<40x128xi32, #tpu.memory_space<hbm>>
      tpu.enqueue_dma source(%dma_start3A_163 : memref<40x128xi32, #tpu.memory_space<hbm>>) target(%arg6 : memref<40x128xi32, #tpu.memory_space<vmem>>) target_semaphore(%run_scoped3A_157 : memref<!tpu.dma_semaphore, #tpu.memory_space<semaphore_mem>>)
      %dma_wait3A_164 = arith.constant 0 : i32
      %dma_wait3A_165 = tpu.memref_slice %arg3[%run_scoped3A_116, %mul3A_115, %dma_wait3A_164] : memref<2x2560x128xi32, #tpu.memory_space<hbm>> -> memref<1x40x128xi32, #tpu.memory_space<hbm>>
      %dma_wait3A_166 = tpu.memref_squeeze %dma_wait3A_165 : memref<1x40x128xi32, #tpu.memory_space<hbm>> -> memref<40x128xi32, #tpu.memory_space<hbm>>
      %dma_wait3A_167 = arith.constant 0 : i32
      %dma_wait3A_168 = tpu.memref_slice %arg3[%run_scoped3A_116, %mul3A_115, %dma_wait3A_167] : memref<2x2560x128xi32, #tpu.memory_space<hbm>> -> memref<1x40x128xi32, #tpu.memory_space<hbm>>
      %dma_wait3A_169 = tpu.memref_squeeze %dma_wait3A_168 : memref<1x40x128xi32, #tpu.memory_space<hbm>> -> memref<40x128xi32, #tpu.memory_space<hbm>>
      tpu.wait_dma2 semaphore(%run_scoped3A_157 : memref<!tpu.dma_semaphore, #tpu.memory_space<semaphore_mem>>) src(%dma_wait3A_169 : memref<40x128xi32, #tpu.memory_space<hbm>>) dst(%arg6 : memref<40x128xi32, #tpu.memory_space<vmem>>)
      tpu.yield
    }) : () -> ()
    %dma_start3A_117 = arith.constant 0 : i32
    %dma_start3A_118 = arith.constant 0 : i32
    %dma_start3A_119 = tpu.memref_slice %arg5[%dma_start3A_117, %dma_start3A_118] : memref<40x128xi32, #tpu.memory_space<vmem>> -> memref<1x128xi32, #tpu.memory_space<vmem>>
    %dma_start3A_120 = tpu.memref_squeeze %dma_start3A_119 : memref<1x128xi32, #tpu.memory_space<vmem>> -> memref<128xi32, #tpu.memory_space<vmem>>
    %dma_start3A_121 = arith.constant 0 : i32
    %dma_start3A_122 = arith.constant 0 : i32
    %dma_start3A_123 = tpu.memref_slice %arg2[%dma_start3A_121, %dma_start3A_122] : memref<10000x128xf32, #tpu.memory_space<hbm>> -> memref<10000x128xf32, #tpu.memory_space<hbm>>
    tpu.enqueue_indirect_dma source(%dma_start3A_123 : memref<10000x128xf32, #tpu.memory_space<hbm>>) target(%arg7 : memref<128x128xf32, #tpu.memory_space<vmem>>) offsets(%dma_start3A_120 : memref<128xi32, #tpu.memory_space<vmem>>) semaphore(%arg9 : memref<!tpu.dma_semaphore, #tpu.memory_space<semaphore_mem>>)
    %scan3A_124 = arith.constant 0 : i32
    %scan3A_125 = arith.constant 19 : i32
    %scan3A_126 = arith.addi %scan3A_124, %scan3A_125 : i32
    %scan3A_127 = arith.constant 1 : i32
    scf.for %scan3A_157 = %scan3A_124 to %scan3A_126 step %scan3A_127  : i32 {
      %mul3A_158 = arith.constant 2 : i32
      %mul3A_159 = arith.muli %scan3A_157, %mul3A_158 : i32
      %add3A_160 = arith.constant 0 : i32
      %add3A_161 = arith.addi %add3A_160, %mul3A_159 : i32
      %dma_wait3A_162 = arith.constant 0 : i32
      %dma_wait3A_163 = arith.constant 0 : i32
      %dma_wait3A_164 = tpu.memref_slice %arg5[%dma_wait3A_162, %dma_wait3A_163] : memref<40x128xi32, #tpu.memory_space<vmem>> -> memref<1x128xi32, #tpu.memory_space<vmem>>
      %dma_wait3A_165 = tpu.memref_squeeze %dma_wait3A_164 : memref<1x128xi32, #tpu.memory_space<vmem>> -> memref<128xi32, #tpu.memory_space<vmem>>
      %dma_wait3A_166 = arith.constant 0 : i32
      %dma_wait3A_167 = arith.constant 0 : i32
      %dma_wait3A_168 = tpu.memref_slice %arg2[%dma_wait3A_166, %dma_wait3A_167] : memref<10000x128xf32, #tpu.memory_space<hbm>> -> memref<10000x128xf32, #tpu.memory_space<hbm>>
      tpu.wait_indirect_dma semaphore(%arg9 : memref<!tpu.dma_semaphore, #tpu.memory_space<semaphore_mem>>) src(%dma_wait3A_168 : memref<10000x128xf32, #tpu.memory_space<hbm>>) dst(%arg7 : memref<128x128xf32, #tpu.memory_space<vmem>>)
      %add3A_169 = arith.constant 1 : i32
      %add3A_170 = arith.addi %add3A_161, %add3A_169 : i32
      %dma_start3A_171 = arith.constant 0 : i32
      %dma_start3A_172 = tpu.memref_slice %arg5[%add3A_170, %dma_start3A_171] : memref<40x128xi32, #tpu.memory_space<vmem>> -> memref<1x128xi32, #tpu.memory_space<vmem>>
      %dma_start3A_173 = tpu.memref_squeeze %dma_start3A_172 : memref<1x128xi32, #tpu.memory_space<vmem>> -> memref<128xi32, #tpu.memory_space<vmem>>
      %dma_start3A_174 = arith.constant 0 : i32
      %dma_start3A_175 = arith.constant 0 : i32
      %dma_start3A_176 = tpu.memref_slice %arg2[%dma_start3A_174, %dma_start3A_175] : memref<10000x128xf32, #tpu.memory_space<hbm>> -> memref<10000x128xf32, #tpu.memory_space<hbm>>
      tpu.enqueue_indirect_dma source(%dma_start3A_176 : memref<10000x128xf32, #tpu.memory_space<hbm>>) target(%arg8 : memref<128x128xf32, #tpu.memory_space<vmem>>) offsets(%dma_start3A_173 : memref<128xi32, #tpu.memory_space<vmem>>) semaphore(%arg10 : memref<!tpu.dma_semaphore, #tpu.memory_space<semaphore_mem>>)
      "tpu.region"() ({
        %run_scoped3A_194 = tpu.sem_alloc : memref<!tpu.dma_semaphore, #tpu.memory_space<semaphore_mem>>
        %dma_start3A_195 = arith.constant 0 : i32
        %dma_start3A_196 = tpu.memref_slice %arg6[%add3A_161, %dma_start3A_195] : memref<40x128xi32, #tpu.memory_space<vmem>> -> memref<1x128xi32, #tpu.memory_space<vmem>>
        %dma_start3A_197 = tpu.memref_squeeze %dma_start3A_196 : memref<1x128xi32, #tpu.memory_space<vmem>> -> memref<128xi32, #tpu.memory_space<vmem>>
        %dma_start3A_198 = arith.constant 0 : i32
        %dma_start3A_199 = arith.constant 0 : i32
        %dma_start3A_200 = tpu.memref_slice %arg11[%dma_start3A_198, %dma_start3A_199] : memref<10240x128xf32, #tpu.memory_space<vmem_shared>> -> memref<10240x128xf32, #tpu.memory_space<vmem_shared>>
        tpu.enqueue_indirect_dma source(%arg7 : memref<128x128xf32, #tpu.memory_space<vmem>>) target(%dma_start3A_200 : memref<10240x128xf32, #tpu.memory_space<vmem_shared>>) offsets(%dma_start3A_197 : memref<128xi32, #tpu.memory_space<vmem>>) semaphore(%run_scoped3A_194 : memref<!tpu.dma_semaphore, #tpu.memory_space<semaphore_mem>>) {add = true}
        %dma_wait3A_201 = arith.constant 0 : i32
        %dma_wait3A_202 = tpu.memref_slice %arg6[%add3A_161, %dma_wait3A_201] : memref<40x128xi32, #tpu.memory_space<vmem>> -> memref<1x128xi32, #tpu.memory_space<vmem>>
        %dma_wait3A_203 = tpu.memref_squeeze %dma_wait3A_202 : memref<1x128xi32, #tpu.memory_space<vmem>> -> memref<128xi32, #tpu.memory_space<vmem>>
        %dma_wait3A_204 = arith.constant 0 : i32
        %dma_wait3A_205 = arith.constant 0 : i32
        %dma_wait3A_206 = tpu.memref_slice %arg11[%dma_wait3A_204, %dma_wait3A_205] : memref<10240x128xf32, #tpu.memory_space<vmem_shared>> -> memref<10240x128xf32, #tpu.memory_space<vmem_shared>>
        tpu.wait_indirect_dma semaphore(%run_scoped3A_194 : memref<!tpu.dma_semaphore, #tpu.memory_space<semaphore_mem>>) src(%arg7 : memref<128x128xf32, #tpu.memory_space<vmem>>) dst(%dma_wait3A_206 : memref<10240x128xf32, #tpu.memory_space<vmem_shared>>)
        tpu.yield
      }) : () -> ()
      %dma_wait3A_177 = arith.constant 0 : i32
      %dma_wait3A_178 = arith.constant 0 : i32
      %dma_wait3A_179 = tpu.memref_slice %arg5[%dma_wait3A_177, %dma_wait3A_178] : memref<40x128xi32, #tpu.memory_space<vmem>> -> memref<1x128xi32, #tpu.memory_space<vmem>>
      %dma_wait3A_180 = tpu.memref_squeeze %dma_wait3A_179 : memref<1x128xi32, #tpu.memory_space<vmem>> -> memref<128xi32, #tpu.memory_space<vmem>>
      %dma_wait3A_181 = arith.constant 0 : i32
      %dma_wait3A_182 = arith.constant 0 : i32
      %dma_wait3A_183 = tpu.memref_slice %arg2[%dma_wait3A_181, %dma_wait3A_182] : memref<10000x128xf32, #tpu.memory_space<hbm>> -> memref<10000x128xf32, #tpu.memory_space<hbm>>
      tpu.wait_indirect_dma semaphore(%arg10 : memref<!tpu.dma_semaphore, #tpu.memory_space<semaphore_mem>>) src(%dma_wait3A_183 : memref<10000x128xf32, #tpu.memory_space<hbm>>) dst(%arg8 : memref<128x128xf32, #tpu.memory_space<vmem>>)
      %add3A_184 = arith.constant 2 : i32
      %add3A_185 = arith.addi %add3A_161, %add3A_184 : i32
      %dma_start3A_186 = arith.constant 0 : i32
      %dma_start3A_187 = tpu.memref_slice %arg5[%add3A_185, %dma_start3A_186] : memref<40x128xi32, #tpu.memory_space<vmem>> -> memref<1x128xi32, #tpu.memory_space<vmem>>
      %dma_start3A_188 = tpu.memref_squeeze %dma_start3A_187 : memref<1x128xi32, #tpu.memory_space<vmem>> -> memref<128xi32, #tpu.memory_space<vmem>>
      %dma_start3A_189 = arith.constant 0 : i32
      %dma_start3A_190 = arith.constant 0 : i32
      %dma_start3A_191 = tpu.memref_slice %arg2[%dma_start3A_189, %dma_start3A_190] : memref<10000x128xf32, #tpu.memory_space<hbm>> -> memref<10000x128xf32, #tpu.memory_space<hbm>>
      tpu.enqueue_indirect_dma source(%dma_start3A_191 : memref<10000x128xf32, #tpu.memory_space<hbm>>) target(%arg7 : memref<128x128xf32, #tpu.memory_space<vmem>>) offsets(%dma_start3A_188 : memref<128xi32, #tpu.memory_space<vmem>>) semaphore(%arg9 : memref<!tpu.dma_semaphore, #tpu.memory_space<semaphore_mem>>)
      %add3A_192 = arith.constant 1 : i32
      %add3A_193 = arith.addi %add3A_161, %add3A_192 : i32
      "tpu.region"() ({
        %run_scoped3A_194 = tpu.sem_alloc : memref<!tpu.dma_semaphore, #tpu.memory_space<semaphore_mem>>
        %dma_start3A_195 = arith.constant 0 : i32
        %dma_start3A_196 = tpu.memref_slice %arg6[%add3A_193, %dma_start3A_195] : memref<40x128xi32, #tpu.memory_space<vmem>> -> memref<1x128xi32, #tpu.memory_space<vmem>>
        %dma_start3A_197 = tpu.memref_squeeze %dma_start3A_196 : memref<1x128xi32, #tpu.memory_space<vmem>> -> memref<128xi32, #tpu.memory_space<vmem>>
        %dma_start3A_198 = arith.constant 0 : i32
        %dma_start3A_199 = arith.constant 0 : i32
        %dma_start3A_200 = tpu.memref_slice %arg11[%dma_start3A_198, %dma_start3A_199] : memref<10240x128xf32, #tpu.memory_space<vmem_shared>> -> memref<10240x128xf32, #tpu.memory_space<vmem_shared>>
        tpu.enqueue_indirect_dma source(%arg8 : memref<128x128xf32, #tpu.memory_space<vmem>>) target(%dma_start3A_200 : memref<10240x128xf32, #tpu.memory_space<vmem_shared>>) offsets(%dma_start3A_197 : memref<128xi32, #tpu.memory_space<vmem>>) semaphore(%run_scoped3A_194 : memref<!tpu.dma_semaphore, #tpu.memory_space<semaphore_mem>>) {add = true}
        %dma_wait3A_201 = arith.constant 0 : i32
        %dma_wait3A_202 = tpu.memref_slice %arg6[%add3A_193, %dma_wait3A_201] : memref<40x128xi32, #tpu.memory_space<vmem>> -> memref<1x128xi32, #tpu.memory_space<vmem>>
        %dma_wait3A_203 = tpu.memref_squeeze %dma_wait3A_202 : memref<1x128xi32, #tpu.memory_space<vmem>> -> memref<128xi32, #tpu.memory_space<vmem>>
        %dma_wait3A_204 = arith.constant 0 : i32
        %dma_wait3A_205 = arith.constant 0 : i32
        %dma_wait3A_206 = tpu.memref_slice %arg11[%dma_wait3A_204, %dma_wait3A_205] : memref<10240x128xf32, #tpu.memory_space<vmem_shared>> -> memref<10240x128xf32, #tpu.memory_space<vmem_shared>>
        tpu.wait_indirect_dma semaphore(%run_scoped3A_194 : memref<!tpu.dma_semaphore, #tpu.memory_space<semaphore_mem>>) src(%arg8 : memref<128x128xf32, #tpu.memory_space<vmem>>) dst(%dma_wait3A_206 : memref<10240x128xf32, #tpu.memory_space<vmem_shared>>)
        tpu.yield
      }) : () -> ()
    }
    %scan3A_128 = arith.constant 19 : i32
    %dma_wait3A_129 = arith.constant 0 : i32
    %dma_wait3A_130 = arith.constant 0 : i32
    %dma_wait3A_131 = tpu.memref_slice %arg5[%dma_wait3A_129, %dma_wait3A_130] : memref<40x128xi32, #tpu.memory_space<vmem>> -> memref<1x128xi32, #tpu.memory_space<vmem>>
    %dma_wait3A_132 = tpu.memref_squeeze %dma_wait3A_131 : memref<1x128xi32, #tpu.memory_space<vmem>> -> memref<128xi32, #tpu.memory_space<vmem>>
    %dma_wait3A_133 = arith.constant 0 : i32
    %dma_wait3A_134 = arith.constant 0 : i32
    %dma_wait3A_135 = tpu.memref_slice %arg2[%dma_wait3A_133, %dma_wait3A_134] : memref<10000x128xf32, #tpu.memory_space<hbm>> -> memref<10000x128xf32, #tpu.memory_space<hbm>>
    tpu.wait_indirect_dma semaphore(%arg9 : memref<!tpu.dma_semaphore, #tpu.memory_space<semaphore_mem>>) src(%dma_wait3A_135 : memref<10000x128xf32, #tpu.memory_space<hbm>>) dst(%arg7 : memref<128x128xf32, #tpu.memory_space<vmem>>)
    %dma_start3A_136 = arith.constant 39 : i32
    %dma_start3A_137 = arith.constant 0 : i32
    %dma_start3A_138 = tpu.memref_slice %arg5[%dma_start3A_136, %dma_start3A_137] : memref<40x128xi32, #tpu.memory_space<vmem>> -> memref<1x128xi32, #tpu.memory_space<vmem>>
    %dma_start3A_139 = tpu.memref_squeeze %dma_start3A_138 : memref<1x128xi32, #tpu.memory_space<vmem>> -> memref<128xi32, #tpu.memory_space<vmem>>
    %dma_start3A_140 = arith.constant 0 : i32
    %dma_start3A_141 = arith.constant 0 : i32
    %dma_start3A_142 = tpu.memref_slice %arg2[%dma_start3A_140, %dma_start3A_141] : memref<10000x128xf32, #tpu.memory_space<hbm>> -> memref<10000x128xf32, #tpu.memory_space<hbm>>
    tpu.enqueue_indirect_dma source(%dma_start3A_142 : memref<10000x128xf32, #tpu.memory_space<hbm>>) target(%arg8 : memref<128x128xf32, #tpu.memory_space<vmem>>) offsets(%dma_start3A_139 : memref<128xi32, #tpu.memory_space<vmem>>) semaphore(%arg10 : memref<!tpu.dma_semaphore, #tpu.memory_space<semaphore_mem>>)
    %run_scoped3A_143 = arith.constant 38 : i32
    "tpu.region"() ({
      %run_scoped3A_157 = tpu.sem_alloc : memref<!tpu.dma_semaphore, #tpu.memory_space<semaphore_mem>>
      %dma_start3A_158 = arith.constant 0 : i32
      %dma_start3A_159 = tpu.memref_slice %arg6[%run_scoped3A_143, %dma_start3A_158] : memref<40x128xi32, #tpu.memory_space<vmem>> -> memref<1x128xi32, #tpu.memory_space<vmem>>
      %dma_start3A_160 = tpu.memref_squeeze %dma_start3A_159 : memref<1x128xi32, #tpu.memory_space<vmem>> -> memref<128xi32, #tpu.memory_space<vmem>>
      %dma_start3A_161 = arith.constant 0 : i32
      %dma_start3A_162 = arith.constant 0 : i32
      %dma_start3A_163 = tpu.memref_slice %arg11[%dma_start3A_161, %dma_start3A_162] : memref<10240x128xf32, #tpu.memory_space<vmem_shared>> -> memref<10240x128xf32, #tpu.memory_space<vmem_shared>>
      tpu.enqueue_indirect_dma source(%arg7 : memref<128x128xf32, #tpu.memory_space<vmem>>) target(%dma_start3A_163 : memref<10240x128xf32, #tpu.memory_space<vmem_shared>>) offsets(%dma_start3A_160 : memref<128xi32, #tpu.memory_space<vmem>>) semaphore(%run_scoped3A_157 : memref<!tpu.dma_semaphore, #tpu.memory_space<semaphore_mem>>) {add = true}
      %dma_wait3A_164 = arith.constant 0 : i32
      %dma_wait3A_165 = tpu.memref_slice %arg6[%run_scoped3A_143, %dma_wait3A_164] : memref<40x128xi32, #tpu.memory_space<vmem>> -> memref<1x128xi32, #tpu.memory_space<vmem>>
      %dma_wait3A_166 = tpu.memref_squeeze %dma_wait3A_165 : memref<1x128xi32, #tpu.memory_space<vmem>> -> memref<128xi32, #tpu.memory_space<vmem>>
      %dma_wait3A_167 = arith.constant 0 : i32
      %dma_wait3A_168 = arith.constant 0 : i32
      %dma_wait3A_169 = tpu.memref_slice %arg11[%dma_wait3A_167, %dma_wait3A_168] : memref<10240x128xf32, #tpu.memory_space<vmem_shared>> -> memref<10240x128xf32, #tpu.memory_space<vmem_shared>>
      tpu.wait_indirect_dma semaphore(%run_scoped3A_157 : memref<!tpu.dma_semaphore, #tpu.memory_space<semaphore_mem>>) src(%arg7 : memref<128x128xf32, #tpu.memory_space<vmem>>) dst(%dma_wait3A_169 : memref<10240x128xf32, #tpu.memory_space<vmem_shared>>)
      tpu.yield
    }) : () -> ()
    %dma_wait3A_144 = arith.constant 0 : i32
    %dma_wait3A_145 = arith.constant 0 : i32
    %dma_wait3A_146 = tpu.memref_slice %arg5[%dma_wait3A_144, %dma_wait3A_145] : memref<40x128xi32, #tpu.memory_space<vmem>> -> memref<1x128xi32, #tpu.memory_space<vmem>>
    %dma_wait3A_147 = tpu.memref_squeeze %dma_wait3A_146 : memref<1x128xi32, #tpu.memory_space<vmem>> -> memref<128xi32, #tpu.memory_space<vmem>>
    %dma_wait3A_148 = arith.constant 0 : i32
    %dma_wait3A_149 = arith.constant 0 : i32
    %dma_wait3A_150 = tpu.memref_slice %arg2[%dma_wait3A_148, %dma_wait3A_149] : memref<10000x128xf32, #tpu.memory_space<hbm>> -> memref<10000x128xf32, #tpu.memory_space<hbm>>
    tpu.wait_indirect_dma semaphore(%arg10 : memref<!tpu.dma_semaphore, #tpu.memory_space<semaphore_mem>>) src(%dma_wait3A_150 : memref<10000x128xf32, #tpu.memory_space<hbm>>) dst(%arg8 : memref<128x128xf32, #tpu.memory_space<vmem>>)
    %run_scoped3A_151 = arith.constant 39 : i32
    "tpu.region"() ({
      %run_scoped3A_157 = tpu.sem_alloc : memref<!tpu.dma_semaphore, #tpu.memory_space<semaphore_mem>>
      %dma_start3A_158 = arith.constant 0 : i32
      %dma_start3A_159 = tpu.memref_slice %arg6[%run_scoped3A_151, %dma_start3A_158] : memref<40x128xi32, #tpu.memory_space<vmem>> -> memref<1x128xi32, #tpu.memory_space<vmem>>
      %dma_start3A_160 = tpu.memref_squeeze %dma_start3A_159 : memref<1x128xi32, #tpu.memory_space<vmem>> -> memref<128xi32, #tpu.memory_space<vmem>>
      %dma_start3A_161 = arith.constant 0 : i32
      %dma_start3A_162 = arith.constant 0 : i32
      %dma_start3A_163 = tpu.memref_slice %arg11[%dma_start3A_161, %dma_start3A_162] : memref<10240x128xf32, #tpu.memory_space<vmem_shared>> -> memref<10240x128xf32, #tpu.memory_space<vmem_shared>>
      tpu.enqueue_indirect_dma source(%arg8 : memref<128x128xf32, #tpu.memory_space<vmem>>) target(%dma_start3A_163 : memref<10240x128xf32, #tpu.memory_space<vmem_shared>>) offsets(%dma_start3A_160 : memref<128xi32, #tpu.memory_space<vmem>>) semaphore(%run_scoped3A_157 : memref<!tpu.dma_semaphore, #tpu.memory_space<semaphore_mem>>) {add = true}
      %dma_wait3A_164 = arith.constant 0 : i32
      %dma_wait3A_165 = tpu.memref_slice %arg6[%run_scoped3A_151, %dma_wait3A_164] : memref<40x128xi32, #tpu.memory_space<vmem>> -> memref<1x128xi32, #tpu.memory_space<vmem>>
      %dma_wait3A_166 = tpu.memref_squeeze %dma_wait3A_165 : memref<1x128xi32, #tpu.memory_space<vmem>> -> memref<128xi32, #tpu.memory_space<vmem>>
      %dma_wait3A_167 = arith.constant 0 : i32
      %dma_wait3A_168 = arith.constant 0 : i32
      %dma_wait3A_169 = tpu.memref_slice %arg11[%dma_wait3A_167, %dma_wait3A_168] : memref<10240x128xf32, #tpu.memory_space<vmem_shared>> -> memref<10240x128xf32, #tpu.memory_space<vmem_shared>>
      tpu.wait_indirect_dma semaphore(%run_scoped3A_157 : memref<!tpu.dma_semaphore, #tpu.memory_space<semaphore_mem>>) src(%arg8 : memref<128x128xf32, #tpu.memory_space<vmem>>) dst(%dma_wait3A_169 : memref<10240x128xf32, #tpu.memory_space<vmem_shared>>)
      tpu.yield
    }) : () -> ()
    %barrier3A_152 = arith.constant 0 : index
    tpu.barrier barrier_id(%barrier3A_152)
    %mul3A_153 = arith.constant 640 : i32
    %mul3A_154 = arith.muli %arg1, %mul3A_153 : i32
    %mul3A_155 = arith.constant 640 : i32
    %mul3A_156 = arith.muli %arg1, %mul3A_155 : i32
    "tpu.region"() ({
      %run_scoped3A_157 = tpu.sem_alloc : memref<!tpu.dma_semaphore, #tpu.memory_space<semaphore_mem>>
      %dma_start3A_158 = arith.constant 0 : i32
      %dma_start3A_159 = tpu.memref_slice %arg4[%arg0, %mul3A_156, %dma_start3A_158] : memref<2x10240x128xf32, #tpu.memory_space<hbm>> -> memref<1x640x128xf32, #tpu.memory_space<hbm>>
      %dma_start3A_160 = tpu.memref_squeeze %dma_start3A_159 : memref<1x640x128xf32, #tpu.memory_space<hbm>> -> memref<640x128xf32, #tpu.memory_space<hbm>>
      %dma_start3A_161 = arith.constant 0 : i32
      %dma_start3A_162 = tpu.memref_slice %arg11[%mul3A_154, %dma_start3A_161] : memref<10240x128xf32, #tpu.memory_space<vmem_shared>> -> memref<640x128xf32, #tpu.memory_space<vmem_shared>>
      tpu.enqueue_dma source(%dma_start3A_162 : memref<640x128xf32, #tpu.memory_space<vmem_shared>>) target(%dma_start3A_160 : memref<640x128xf32, #tpu.memory_space<hbm>>) target_semaphore(%run_scoped3A_157 : memref<!tpu.dma_semaphore, #tpu.memory_space<semaphore_mem>>)
      %dma_wait3A_163 = arith.constant 0 : i32
      %dma_wait3A_164 = tpu.memref_slice %arg4[%arg0, %mul3A_156, %dma_wait3A_163] : memref<2x10240x128xf32, #tpu.memory_space<hbm>> -> memref<1x640x128xf32, #tpu.memory_space<hbm>>
      %dma_wait3A_165 = tpu.memref_squeeze %dma_wait3A_164 : memref<1x640x128xf32, #tpu.memory_space<hbm>> -> memref<640x128xf32, #tpu.memory_space<hbm>>
      %dma_wait3A_166 = arith.constant 0 : i32
      %dma_wait3A_167 = tpu.memref_slice %arg11[%mul3A_154, %dma_wait3A_166] : memref<10240x128xf32, #tpu.memory_space<vmem_shared>> -> memref<640x128xf32, #tpu.memory_space<vmem_shared>>
      tpu.wait_dma2 semaphore(%run_scoped3A_157 : memref<!tpu.dma_semaphore, #tpu.memory_space<semaphore_mem>>) src(%dma_wait3A_167 : memref<640x128xf32, #tpu.memory_space<vmem_shared>>) dst(%dma_wait3A_165 : memref<640x128xf32, #tpu.memory_space<hbm>>)
      tpu.yield
    }) : () -> ()
    return
  }
}

module attributes {stable_mosaic.version = 14 : i64} {
  func.func @_mm_norm_body(%arg0: i32, %arg1: memref<2000x1xf32, #tpu.memory_space<vmem>>, %arg2: memref<2000x128xf32, #tpu.memory_space<vmem>>, %arg3: memref<128x128xf32, #tpu.memory_space<vmem>>, %arg4: memref<2000x128xf32, #tpu.memory_space<vmem>>) attributes {dimension_semantics = [#tpu.dimension_semantics<arbitrary>], iteration_bounds = array<i64: 5>, scalar_prefetch = 0 : i64, scratch_operands = 0 : i64, tpu.core_type = #tpu.core_type<tc>, window_params = [{transform_indices = @transform_0, window_bounds = array<i64: 2000, 1>}, {transform_indices = @transform_1, window_bounds = array<i64: 2000, 128>}, {pipeline_mode = #tpu.pipeline_mode<synchronous>, transform_indices = @transform_2, window_bounds = array<i64: 128, 128>}, {transform_indices = @transform_3, window_bounds = array<i64: 2000, 128>}]} {
    %get3A = arith.constant 0 : index
    %get3A_0 = arith.constant 0 : index
    %get3A_1 = vector.load %arg1[%get3A, %get3A_0] : memref<2000x1xf32, #tpu.memory_space<vmem>>, vector<2000x1xf32>
    %max3A = arith.constant 1.000000e+00 : f32
    %max3A_2 = vector.broadcast %max3A : f32 to vector<2000x1xf32>
    %max3A_3 = arith.maximumf %get3A_1, %max3A_2 : vector<2000x1xf32>
    %rsqrt3A = math.rsqrt %max3A_3 : vector<2000x1xf32>
    %get3A_4 = arith.constant 0 : index
    %get3A_5 = arith.constant 0 : index
    %get3A_6 = vector.load %arg2[%get3A_4, %get3A_5] : memref<2000x128xf32, #tpu.memory_space<vmem>>, vector<2000x128xf32>
    %get3A_7 = arith.constant 0 : index
    %get3A_8 = arith.constant 0 : index
    %get3A_9 = vector.load %arg3[%get3A_7, %get3A_8] : memref<128x128xf32, #tpu.memory_space<vmem>>, vector<128x128xf32>
    %dot_general3A = arith.constant dense<0.000000e+00> : vector<2000x128xf32>
    %dot_general3A_10 = tpu.matmul %get3A_6, %get3A_9, %dot_general3A {dimension_numbers = #tpu.dot_dimension_numbers<[1], [0], [0], [1], [0, 0, 1, 1], [], []>, transpose_lhs_hint = false} : vector<2000x128xf32>, vector<128x128xf32>, vector<2000x128xf32> -> vector<2000x128xf32>
    %mul3A = vector.broadcast %rsqrt3A : vector<2000x1xf32> to vector<2000x128xf32>
    %mul3A_11 = arith.mulf %mul3A, %dot_general3A_10 : vector<2000x128xf32>
    %swap3A = arith.constant 0 : index
    %swap3A_12 = arith.constant 0 : index
    %swap3A_13 = vector.load %arg4[%swap3A, %swap3A_12] : memref<2000x128xf32, #tpu.memory_space<vmem>>, vector<2000x128xf32>
    tpu.vector_store %arg4[%swap3A, %swap3A_12], %mul3A_11 {strides = array<i32>} : memref<2000x128xf32, #tpu.memory_space<vmem>>, vector<2000x128xf32>,
    return
  }
  func.func @transform_0(%arg0: i32) -> (i32, i32) {
    %c0_i32 = arith.constant 0 : i32
    %c0_i32_0 = arith.constant 0 : i32
    return %arg0, %c0_i32 : i32, i32
  }
  func.func @transform_1(%arg0: i32) -> (i32, i32) {
    %c0_i32 = arith.constant 0 : i32
    %c0_i32_0 = arith.constant 0 : i32
    return %arg0, %c0_i32 : i32, i32
  }
  func.func @transform_2(%arg0: i32) -> (i32, i32) {
    %c0_i32 = arith.constant 0 : i32
    %c0_i32_0 = arith.constant 0 : i32
    %c0_i32_1 = arith.constant 0 : i32
    return %c0_i32, %c0_i32_0 : i32, i32
  }
  func.func @transform_3(%arg0: i32) -> (i32, i32) {
    %c0_i32 = arith.constant 0 : i32
    %c0_i32_0 = arith.constant 0 : i32
    return %arg0, %c0_i32 : i32, i32
  }
}

module attributes {stable_mosaic.version = 14 : i64} {
  func.func @_mid_body(%arg0: i32, %arg1: memref<1x2000x128xf32, #tpu.memory_space<vmem>>, %arg2: memref<1x2000x128xf32, #tpu.memory_space<vmem>>, %arg3: memref<2000x1xf32, #tpu.memory_space<vmem>>, %arg4: memref<2000x1xf32, #tpu.memory_space<vmem>>, %arg5: memref<1x128xf32, #tpu.memory_space<vmem>>, %arg6: memref<128x128xf32, #tpu.memory_space<vmem>>, %arg7: memref<2000x128xf32, #tpu.memory_space<vmem>>) attributes {dimension_semantics = [#tpu.dimension_semantics<arbitrary>], iteration_bounds = array<i64: 5>, scalar_prefetch = 0 : i64, scratch_operands = 0 : i64, tpu.core_type = #tpu.core_type<tc>, window_params = [{transform_indices = @transform_0, window_bounds = array<i64: 1, 2000, 128>}, {transform_indices = @transform_1, window_bounds = array<i64: 1, 2000, 128>}, {transform_indices = @transform_2, window_bounds = array<i64: 2000, 1>}, {transform_indices = @transform_3, window_bounds = array<i64: 2000, 1>}, {pipeline_mode = #tpu.pipeline_mode<synchronous>, transform_indices = @transform_4, window_bounds = array<i64: 1, 128>}, {pipeline_mode = #tpu.pipeline_mode<synchronous>, transform_indices = @transform_5, window_bounds = array<i64: 128, 128>}, {transform_indices = @transform_6, window_bounds = array<i64: 2000, 128>}]} {
    %get3A = arith.constant 0 : index
    %get3A_0 = arith.constant 0 : index
    %get3A_1 = vector.load %arg3[%get3A, %get3A_0] : memref<2000x1xf32, #tpu.memory_space<vmem>>, vector<2000x1xf32>
    %max3A = arith.constant 1.000000e+00 : f32
    %max3A_2 = vector.broadcast %max3A : f32 to vector<2000x1xf32>
    %max3A_3 = arith.maximumf %get3A_1, %max3A_2 : vector<2000x1xf32>
    %rsqrt3A = math.rsqrt %max3A_3 : vector<2000x1xf32>
    %get3A_4 = arith.constant 0 : index
    %get3A_5 = arith.constant 0 : index
    %get3A_6 = arith.constant 0 : index
    %get3A_7 = vector.load %arg1[%get3A_4, %get3A_5, %get3A_6] : memref<1x2000x128xf32, #tpu.memory_space<vmem>>, vector<1x2000x128xf32>
    %get3A_8 = vector.shape_cast %get3A_7 : vector<1x2000x128xf32> to vector<2000x128xf32>
    %get3A_9 = arith.constant 0 : index
    %get3A_10 = arith.constant 0 : index
    %get3A_11 = arith.constant 0 : index
    %get3A_12 = vector.load %arg2[%get3A_9, %get3A_10, %get3A_11] : memref<1x2000x128xf32, #tpu.memory_space<vmem>>, vector<1x2000x128xf32>
    %get3A_13 = vector.shape_cast %get3A_12 : vector<1x2000x128xf32> to vector<2000x128xf32>
    %add3A = arith.addf %get3A_8, %get3A_13 : vector<2000x128xf32>
    %mul3A = vector.broadcast %rsqrt3A : vector<2000x1xf32> to vector<2000x128xf32>
    %mul3A_14 = arith.mulf %add3A, %mul3A : vector<2000x128xf32>
    %get3A_15 = arith.constant 0 : index
    %get3A_16 = arith.constant 0 : index
    %get3A_17 = vector.load %arg5[%get3A_15, %get3A_16] : memref<1x128xf32, #tpu.memory_space<vmem>>, vector<1x128xf32>
    %add3A_18 = vector.broadcast %get3A_17 : vector<1x128xf32> to vector<2000x128xf32>
    %add3A_19 = arith.addf %mul3A_14, %add3A_18 : vector<2000x128xf32>
    %max3A_20 = arith.constant 0.000000e+00 : f32
    %max3A_21 = vector.broadcast %max3A_20 : f32 to vector<2000x128xf32>
    %max3A_22 = arith.maximumf %add3A_19, %max3A_21 : vector<2000x128xf32>
    %get3A_23 = arith.constant 0 : index
    %get3A_24 = arith.constant 0 : index
    %get3A_25 = vector.load %arg4[%get3A_23, %get3A_24] : memref<2000x1xf32, #tpu.memory_space<vmem>>, vector<2000x1xf32>
    %max3A_26 = arith.constant 1.000000e+00 : f32
    %max3A_27 = vector.broadcast %max3A_26 : f32 to vector<2000x1xf32>
    %max3A_28 = arith.maximumf %get3A_25, %max3A_27 : vector<2000x1xf32>
    %rsqrt3A_29 = math.rsqrt %max3A_28 : vector<2000x1xf32>
    %get3A_30 = arith.constant 0 : index
    %get3A_31 = arith.constant 0 : index
    %get3A_32 = vector.load %arg6[%get3A_30, %get3A_31] : memref<128x128xf32, #tpu.memory_space<vmem>>, vector<128x128xf32>
    %dot_general3A = arith.constant dense<0.000000e+00> : vector<2000x128xf32>
    %dot_general3A_33 = tpu.matmul %max3A_22, %get3A_32, %dot_general3A {dimension_numbers = #tpu.dot_dimension_numbers<[1], [0], [0], [1], [0, 0, 1, 1], [], []>, transpose_lhs_hint = false} : vector<2000x128xf32>, vector<128x128xf32>, vector<2000x128xf32> -> vector<2000x128xf32>
    %mul3A_34 = vector.broadcast %rsqrt3A_29 : vector<2000x1xf32> to vector<2000x128xf32>
    %mul3A_35 = arith.mulf %mul3A_34, %dot_general3A_33 : vector<2000x128xf32>
    %swap3A = arith.constant 0 : index
    %swap3A_36 = arith.constant 0 : index
    %swap3A_37 = vector.load %arg7[%swap3A, %swap3A_36] : memref<2000x128xf32, #tpu.memory_space<vmem>>, vector<2000x128xf32>
    tpu.vector_store %arg7[%swap3A, %swap3A_36], %mul3A_35 {strides = array<i32>} : memref<2000x128xf32, #tpu.memory_space<vmem>>, vector<2000x128xf32>,
    return
  }
  func.func @transform_0(%arg0: i32) -> (i32, i32, i32) {
    %c0_i32 = arith.constant 0 : i32
    %c0_i32_0 = arith.constant 0 : i32
    %c0_i32_1 = arith.constant 0 : i32
    return %c0_i32, %arg0, %c0_i32_0 : i32, i32, i32
  }
  func.func @transform_1(%arg0: i32) -> (i32, i32, i32) {
    %c1_i32 = arith.constant 1 : i32
    %c0_i32 = arith.constant 0 : i32
    %c0_i32_0 = arith.constant 0 : i32
    return %c1_i32, %arg0, %c0_i32 : i32, i32, i32
  }
  func.func @transform_2(%arg0: i32) -> (i32, i32) {
    %c0_i32 = arith.constant 0 : i32
    %c0_i32_0 = arith.constant 0 : i32
    return %arg0, %c0_i32 : i32, i32
  }
  func.func @transform_3(%arg0: i32) -> (i32, i32) {
    %c0_i32 = arith.constant 0 : i32
    %c0_i32_0 = arith.constant 0 : i32
    return %arg0, %c0_i32 : i32, i32
  }
  func.func @transform_4(%arg0: i32) -> (i32, i32) {
    %c0_i32 = arith.constant 0 : i32
    %c0_i32_0 = arith.constant 0 : i32
    %c0_i32_1 = arith.constant 0 : i32
    return %c0_i32, %c0_i32_0 : i32, i32
  }
  func.func @transform_5(%arg0: i32) -> (i32, i32) {
    %c0_i32 = arith.constant 0 : i32
    %c0_i32_0 = arith.constant 0 : i32
    %c0_i32_1 = arith.constant 0 : i32
    return %c0_i32, %c0_i32_0 : i32, i32
  }
  func.func @transform_6(%arg0: i32) -> (i32, i32) {
    %c0_i32 = arith.constant 0 : i32
    %c0_i32_0 = arith.constant 0 : i32
    return %arg0, %c0_i32 : i32, i32
  }
}

module attributes {stable_mosaic.version = 14 : i64} {
  func.func @_out_body(%arg0: i32, %arg1: memref<1x2000x128xf32, #tpu.memory_space<vmem>>, %arg2: memref<1x2000x128xf32, #tpu.memory_space<vmem>>, %arg3: memref<2000x1xf32, #tpu.memory_space<vmem>>, %arg4: memref<1x128xf32, #tpu.memory_space<vmem>>, %arg5: memref<2000x128xf32, #tpu.memory_space<vmem>>) attributes {dimension_semantics = [#tpu.dimension_semantics<arbitrary>], iteration_bounds = array<i64: 5>, scalar_prefetch = 0 : i64, scratch_operands = 0 : i64, tpu.core_type = #tpu.core_type<tc>, window_params = [{transform_indices = @transform_0, window_bounds = array<i64: 1, 2000, 128>}, {transform_indices = @transform_1, window_bounds = array<i64: 1, 2000, 128>}, {transform_indices = @transform_2, window_bounds = array<i64: 2000, 1>}, {pipeline_mode = #tpu.pipeline_mode<synchronous>, transform_indices = @transform_3, window_bounds = array<i64: 1, 128>}, {transform_indices = @transform_4, window_bounds = array<i64: 2000, 128>}]} {
    %get3A = arith.constant 0 : index
    %get3A_0 = arith.constant 0 : index
    %get3A_1 = vector.load %arg3[%get3A, %get3A_0] : memref<2000x1xf32, #tpu.memory_space<vmem>>, vector<2000x1xf32>
    %max3A = arith.constant 1.000000e+00 : f32
    %max3A_2 = vector.broadcast %max3A : f32 to vector<2000x1xf32>
    %max3A_3 = arith.maximumf %get3A_1, %max3A_2 : vector<2000x1xf32>
    %rsqrt3A = math.rsqrt %max3A_3 : vector<2000x1xf32>
    %get3A_4 = arith.constant 0 : index
    %get3A_5 = arith.constant 0 : index
    %get3A_6 = arith.constant 0 : index
    %get3A_7 = vector.load %arg1[%get3A_4, %get3A_5, %get3A_6] : memref<1x2000x128xf32, #tpu.memory_space<vmem>>, vector<1x2000x128xf32>
    %get3A_8 = vector.shape_cast %get3A_7 : vector<1x2000x128xf32> to vector<2000x128xf32>
    %get3A_9 = arith.constant 0 : index
    %get3A_10 = arith.constant 0 : index
    %get3A_11 = arith.constant 0 : index
    %get3A_12 = vector.load %arg2[%get3A_9, %get3A_10, %get3A_11] : memref<1x2000x128xf32, #tpu.memory_space<vmem>>, vector<1x2000x128xf32>
    %get3A_13 = vector.shape_cast %get3A_12 : vector<1x2000x128xf32> to vector<2000x128xf32>
    %add3A = arith.addf %get3A_8, %get3A_13 : vector<2000x128xf32>
    %mul3A = vector.broadcast %rsqrt3A : vector<2000x1xf32> to vector<2000x128xf32>
    %mul3A_14 = arith.mulf %add3A, %mul3A : vector<2000x128xf32>
    %get3A_15 = arith.constant 0 : index
    %get3A_16 = arith.constant 0 : index
    %get3A_17 = vector.load %arg4[%get3A_15, %get3A_16] : memref<1x128xf32, #tpu.memory_space<vmem>>, vector<1x128xf32>
    %add3A_18 = vector.broadcast %get3A_17 : vector<1x128xf32> to vector<2000x128xf32>
    %add3A_19 = arith.addf %mul3A_14, %add3A_18 : vector<2000x128xf32>
    %reduce_max3A = arith.constant dense<0xFF800000> : vector<2000xf32>
    %reduce_max3A_20 = vector.multi_reduction <maximumf>, %add3A_19, %reduce_max3A [1] : vector<2000x128xf32> to vector<2000xf32>
    %broadcast_in_dim3A = vector.shape_cast %reduce_max3A_20 : vector<2000xf32> to vector<2000x1xf32>
    %sub3A = vector.broadcast %broadcast_in_dim3A : vector<2000x1xf32> to vector<2000x128xf32>
    %sub3A_21 = arith.subf %add3A_19, %sub3A : vector<2000x128xf32>
    %exp3A = math.exp %sub3A_21 : vector<2000x128xf32>
    %reduce_sum3A = arith.constant dense<0.000000e+00> : vector<2000xf32>
    %reduce_sum3A_22 = vector.multi_reduction <add>, %exp3A, %reduce_sum3A [1] : vector<2000x128xf32> to vector<2000xf32>
    %broadcast_in_dim3A_23 = vector.shape_cast %reduce_sum3A_22 : vector<2000xf32> to vector<2000x1xf32>
    %log3A = math.log %broadcast_in_dim3A_23 : vector<2000x1xf32>
    %sub3A_24 = vector.broadcast %broadcast_in_dim3A : vector<2000x1xf32> to vector<2000x128xf32>
    %sub3A_25 = arith.subf %add3A_19, %sub3A_24 : vector<2000x128xf32>
    %sub3A_26 = vector.broadcast %log3A : vector<2000x1xf32> to vector<2000x128xf32>
    %sub3A_27 = arith.subf %sub3A_25, %sub3A_26 : vector<2000x128xf32>
    %swap3A = arith.constant 0 : index
    %swap3A_28 = arith.constant 0 : index
    %swap3A_29 = vector.load %arg5[%swap3A, %swap3A_28] : memref<2000x128xf32, #tpu.memory_space<vmem>>, vector<2000x128xf32>
    tpu.vector_store %arg5[%swap3A, %swap3A_28], %sub3A_27 {strides = array<i32>} : memref<2000x128xf32, #tpu.memory_space<vmem>>, vector<2000x128xf32>,
    return
  }
  func.func @transform_0(%arg0: i32) -> (i32, i32, i32) {
    %c0_i32 = arith.constant 0 : i32
    %c0_i32_0 = arith.constant 0 : i32
    %c0_i32_1 = arith.constant 0 : i32
    return %c0_i32, %arg0, %c0_i32_0 : i32, i32, i32
  }
  func.func @transform_1(%arg0: i32) -> (i32, i32, i32) {
    %c1_i32 = arith.constant 1 : i32
    %c0_i32 = arith.constant 0 : i32
    %c0_i32_0 = arith.constant 0 : i32
    return %c1_i32, %arg0, %c0_i32 : i32, i32, i32
  }
  func.func @transform_2(%arg0: i32) -> (i32, i32) {
    %c0_i32 = arith.constant 0 : i32
    %c0_i32_0 = arith.constant 0 : i32
    return %arg0, %c0_i32 : i32, i32
  }
  func.func @transform_3(%arg0: i32) -> (i32, i32) {
    %c0_i32 = arith.constant 0 : i32
    %c0_i32_0 = arith.constant 0 : i32
    %c0_i32_1 = arith.constant 0 : i32
    return %c0_i32, %c0_i32_0 : i32, i32
  }
  func.func @transform_4(%arg0: i32) -> (i32, i32) {
    %c0_i32 = arith.constant 0 : i32
    %c0_i32_0 = arith.constant 0 : i32
    return %arg0, %c0_i32 : i32, i32
  }
}

</mosaic_0001>

<sc_bundles>
// kernel: kernel.11.cloned.1.call-start
scs
__scs_entry_jumppad:
0x0: {  	(pc) =	sbr.rel $0x88, $3  }
0x1: {  	(tag) =	ssettag $0x0;
	lr =	simm.s32 $0x1  }
0x2: {  	[smem:$0x3F9B] =	sst lr;
	_ =	strace $0xD0000000  }
0x3: {  	_ = 	snop  }
0x4: {  	_ = 	snop  }
0x5: {  	_ = 	snop  }
0x6: {  	_ = 	snop  }
0x7: {  	_ = 	snop  }
__scs_overlays_trampoline_lowered:
0x8: {  	[smem:$0x3FAA] =	sst s0  }
0x9: {  	[smem:$0x3FAB] =	sst s1  }
0xa: {  	[smem:$0x3FAC] =	sst s2  }
0xb: {  	[smem:$0x3FAD] =	sst s3  }
0xc: {  	[smem:$0x3FAE] =	sst s4  }
0xd: {  	[smem:$0x3FAF] =	sst s5  }
0xe: {  	[smem:$0x3FB0] =	sst s6  }
0xf: {  	[smem:$0x3FB1] =	sst s7  }
0x10: {  	[smem:$0x3FB2] =	sst s8  }
0x11: {  	[smem:$0x3FB3] =	sst s9;
	s0 =	simm.s32 @!p0 $0x0  }
0x12: {  	s1 =	sld [smem:$0x3F99];
	s0 =	simm.s32 @p0 $0x1  }
0x13: {  	[smem:$0x3FB4] =	sst s0;
	s0 =	simm.s32 @!p1 $0x0  }
0x14: {  	s2 =	sld [smem:$0x3F98];
	s0 =	simm.s32 @p1 $0x1  }
0x15: {  	[smem:$0x3FB5] =	sst s0;
	s0 =	simm.s32 @!p2 $0x0  }
0x16: {  	s3 =	sld [smem:$0x3FDB];
	s0 =	simm.s32 @p2 $0x1  }
0x17: {  	s4 =	simm.s32 $0x1BF5;
	[smem:$0x3FB7] =	sst s0  }
0x18: {  	s0 =	sld [smem:$0x3F9A];
	_ =	swait.ge [sflag:s4], $0x0  }
0x19: {  	s7 =	sld [smem:$0x3F9B]  }
0x1a: {  	s8 =	sadd.s32 $0xFFFFE003, lr  }
0x1b: {  	s9 =	sadd.s32 $0xFFFFFEF7, lr;
	s5 =	simm.s32 $0xFFFFFFFF;
	p2 =	slt.u32 s8, $0xFFFFF086  }
0x1c: {  	p1 =	slt.u32 s9, $0xF7A;
	s5 =	simm.s32 @!p2 $0x0  }
0x1d: {  	s5 =	simm.s32 @p1 $0x1;
	p0 =	seq.s32 s7, s2  }
0x1e: {  	s7 =	smul.u32 @!p0 $0xF7A, s2;
	p2 =	seq.s32 @!p0 s5, $0x0  }
0x1f: {  	s9 =	smul.u32 $0xF7A, s1;
	s8 =	simm.s32 @!p0 $0x1BF5;
	p2 =	por !p2, p0  }
0x20: {  	[sflag:s8] =	ssyncset.s32 @!p0 $0xFFFFF086;
	s6 =	sadd.s32 @!p0 s3, s7;
	s7 =	simm.s32 @!p0 $0x108  }
0x21: {  	s3 =	sadd.s32 s3, s9;
	s6 =	sadd.s32 @!p0 $0x88, s6;
	s7 =	simm.s32 @p2 $0x1082  }
0x22: {  	[simem:s7], [sflag:s8] =	dma.local @!p0 [hbm:s6], $0xF7A  }
0x23: {  	s9 =	sor.u32 $0xD0000000, s2;
	s6 =	simm.s32 $0x108;
	_ =	swait.ge @!p0 [sflag:s8], $0x0  }
0x24: {  	s3 =	sadd.s32 $0x88, s3;
	s6 =	simm.s32 @!p1 $0x1082;
	[sflag:s4] =	ssyncset.s32 $0xFFFFF086  }
0x25: {  	[simem:s6], [sflag:s4] =	dma.local [hbm:s3], $0xF7A  }
0x26: {  	[smem:$0x3F9B] =	sst s1;
	(tag) =	ssettag s2;
	_ =	strace s9  }
0x27: {  	s1 =	sld [smem:$0x3FAB]  }
0x28: {  	s2 =	sld [smem:$0x3FAC]  }
0x29: {  	s4 =	sld [smem:$0x3FAE]  }
0x2a: {  	p0 =	seq.s32 s5, $0x0;
	s5 =	sld [smem:$0x3FAF]  }
0x2b: {  	s6 =	sld [smem:$0x3FB0]  }
0x2c: {  	s7 =	sld [smem:$0x3FB1]  }
0x2d: {  	s3 =	simm.s32 $0x108;
	s8 =	sld [smem:$0x3FB2]  }
0x2e: {  	s3 =	simm.s32 @!p0 $0x1082;
	s9 =	sld [smem:$0x3FB3]  }
0x2f: {  	lr =	sadd.s32 s0, s3;
	s0 =	sld [smem:$0x3FAA]  }
0x30: {  	s3 =	sld [smem:$0x3FAD]  }
0x31: {  	[smem:$0x3FB6] =	sst s10  }
0x32: {  	s10 =	sld [smem:$0x3FB4];
	_ =	sdelay $0x3  }
0x33: {  	p0 =	seq.s32 s10, $0x1;
	s10 =	sld [smem:$0x3FB6];
	_ =	sdelay $0x3  }
0x34: {  	[smem:$0x3FB6] =	sst s10  }
0x35: {  	s10 =	sld [smem:$0x3FB5];
	_ =	sdelay $0x3  }
0x36: {  	p1 =	seq.s32 s10, $0x1;
	s10 =	sld [smem:$0x3FB6];
	_ =	sdelay $0x3  }
0x37: {  	[smem:$0x3FB6] =	sst s10  }
0x38: {  	s10 =	sld [smem:$0x3FB7]  }
0x39: {  	_ = 	snop;
	(pc) =	sbr.ind lr, $3  }
0x3a: {  	_ = 	snop  }
0x3b: {  	_ = 	snop  }
0x3c: {  	p2 =	seq.s32 s10, $0x1;
	s10 =	sld [smem:$0x3FB6]  }
0x3d: {  	_ =	shalt  }
0x3e: {  	_ =	shalt  }
0x3f: {  	_ =	shalt  }
0x40: {  	_ =	shalt  }
0x41: {  	_ =	shalt  }
0x42: {  	_ =	shalt  }
0x43: {  	_ =	shalt  }
0x44: {  	_ =	shalt  }
0x45: {  	_ =	shalt  }
0x46: {  	_ =	shalt  }
0x47: {  	_ =	shalt  }
0x48: {  	_ =	shalt  }
0x49: {  	_ =	shalt  }
0x4a: {  	_ =	shalt  }
0x4b: {  	_ =	shalt  }
0x4c: {  	_ =	shalt  }
0x4d: {  	_ =	shalt  }
0x4e: {  	_ =	shalt  }
0x4f: {  	_ =	shalt  }
0x50: {  	_ =	shalt  }
0x51: {  	_ =	shalt  }
0x52: {  	_ =	shalt  }
0x53: {  	_ =	shalt  }
0x54: {  	_ =	shalt  }
0x55: {  	_ =	shalt  }
0x56: {  	_ =	shalt  }
0x57: {  	_ =	shalt  }
0x58: {  	_ =	shalt  }
0x59: {  	_ =	shalt  }
0x5a: {  	_ =	shalt  }
0x5b: {  	_ =	shalt  }
0x5c: {  	_ =	shalt  }
0x5d: {  	_ =	shalt  }
0x5e: {  	_ =	shalt  }
0x5f: {  	_ =	shalt  }
0x60: {  	_ =	shalt  }
0x61: {  	_ =	shalt  }
0x62: {  	_ =	shalt  }
0x63: {  	_ =	shalt  }
0x64: {  	_ =	shalt  }
0x65: {  	_ =	shalt  }
0x66: {  	_ =	shalt  }
0x67: {  	_ =	shalt  }
0x68: {  	_ =	shalt  }
0x69: {  	_ =	shalt  }
0x6a: {  	_ =	shalt  }
0x6b: {  	_ =	shalt  }
0x6c: {  	_ =	shalt  }
0x6d: {  	_ =	shalt  }
0x6e: {  	_ =	shalt  }
0x6f: {  	_ =	shalt  }
0x70: {  	_ =	shalt  }
0x71: {  	_ =	shalt  }
0x72: {  	_ =	shalt  }
0x73: {  	_ =	shalt  }
0x74: {  	_ =	shalt  }
0x75: {  	_ =	shalt  }
0x76: {  	_ =	shalt  }
0x77: {  	_ =	shalt  }
0x78: {  	_ =	shalt  }
0x79: {  	_ =	shalt  }
0x7a: {  	_ =	shalt  }
0x7b: {  	_ =	shalt  }
0x7c: {  	_ =	shalt  }
0x7d: {  	_ =	shalt  }
0x7e: {  	_ =	shalt  }
0x7f: {  	_ =	shalt  }
0x80: {  	_ =	shalt  }
0x81: {  	_ =	shalt  }
0x82: {  	_ =	shalt  }
0x83: {  	_ =	shalt  }
0x84: {  	_ =	shalt  }
0x85: {  	_ =	shalt  }
0x86: {  	_ =	shalt  }
0x87: {  	_ =	shalt  }
.Lfunc_end0:
.L_simem_size_0:
called_computation.1_lowered:
.L_overlay_start_0:
0x88: {  	s2 =	sld [smem:$0x3FD9]  }
0x89: {  	s3 =	sld [smem:$0x3FFE];
	_ =	sdelay $0x1  }
0x8a: {  	s1 =	srdreg.scid  }
0x8b: {  	s0 =	sand.u32 $0x1, s1  }
0x8c: {  	s17 =	sshll.u32 s0, $0xA;
	s2 =	sadd.s32 s3, s2  }
0x8d: {  	s2 =	sadd.s32 s2, s17  }
0x8e: {  	[smem:$0x3FC2] =	sst s2  }
0x8f: {  	_ = 	snop  }
0x90: {  	s2 =	sld [smem:$0x3FD0];
	(tm) =	ssettm $0x1  }
0x91: {  	s18 =	sld [smem:$0x3FFB];
	_ =	sdelay $0x3  }
0x92: {  	_ =	strace s18  }
0x93: {  	s3 =	sld [smem:$0x3FFC];
	_ =	sdelay $0x3  }
0x94: {  	_ =	strace s3  }
0x95: {  	s3 =	sld [smem:$0x3FFD];
	_ =	sdelay $0x3  }
0x96: {  	_ =	strace s3  }
0x97: {  	_ =	strace $0x8FFFFFFF  }
0x98: {  	s19 =	sld [smem:$0x3FDB];
	_ =	sdelay $0x1  }
0x99: {  	s4 =	simm.s32 $_scs_section_size  }
0x9a: {  	s5 =	simm.s32 $_size__tile_overlayer_lowered;
	s6 =	simm.s32 $_tile_overlayer_lowered  }
0x9b: {  	s22 =	simm.s32 $0x1BFF;
	s21 =	sshll.u32 s6, $0x1;
	s3 =	sadd.s32 s4, s19  }
0x9c: {  	s7 =	simm.s32 $0x0;
	s20 =	sshll.u32 s5, $0x1;
	s5 =	sadd.s32 s21, s3  }
0x9d: {  	[timem:s7], [sflag:s22] =	dma.local [hbm:s5], s20  }
0x9e: {  	_ =	swait.ge [sflag:s22], s20  }
0x9f: {  	s4 =	ssub.s32 $0x0, s20;
	[sflag:s22] =	ssyncset.done $0x0  }
0xa0: {  	[sflag:s22] =	ssyncadd.s32 s4;
	_ =	sdelay $0x1  }
0xa1: {  	s23 =	simm.s32 $0x1B8B  }
0xa2: {  	_ =	swait.ge [sflag:s23], $0x1  }
0xa3: {  	[sflag:s23] =	ssyncset.done $0x0  }
0xa4: {  	s25 =	simm.s32 $0x1B8E;
	s24 =	sld [smem:$0x3FFE];
	[sflag:s23] =	ssyncadd.s32 $0xFFFFFFFF  }
0xa5: {  	s26 =	simm.s32 $execute0_lowered;
	[smem:$0x3FD2] =	sst s25  }
0xa6: {  	s5 =	sshll.u32 s26, $0x1;
	_ =	strace $0x80000049;
	[dreg:$0x1] =	wrdreg $0xFFFFFFFF  }
0xa7: {  	s28 =	simm.s32 $_size_execute0_lowered;
	s3 =	sadd.s32 s3, s5;
	[dreg:$0x0] =	wrdreg $0x0  }
0xa8: {  	s5 =	sshll.u32 s28, $0x1;
	[dreg:$0x2] =	wrdreg s3  }
0xa9: {  	[dreg:$0x3] =	wrdreg s5  }
0xaa: {  	[dreg:$0x4] =	wrdreg $0xC0  }
0xab: {  	_ =	task [dreg:s7], $0x5FFFF  }
0xac: {  	[dreg:$0x1] =	wrdreg $0xFFFFFFFF  }
0xad: {  	[dreg:$0x0] =	wrdreg $0x60  }
0xae: {  	[dreg:$0x2] =	wrdreg s2  }
0xaf: {  	[dreg:$0x3] =	wrdreg s24  }
0xb0: {  	[dreg:$0x4] =	wrdreg $0xA8000  }
0xb1: {  	[dreg:$0x5] =	wrdreg $0x9  }
0xb2: {  	_ =	task.clear_ibuf [dreg:s7], $0x6FFFF;
	_ =	strace $0x90000049  }
0xb3: {  	s29 =	simm.s32 $0x9;
	_ =	strace $0x8000004B  }
0xb4: {  	_ =	swait.ge [sflag:s29], $0x1  }
0xb5: {  	[sflag:s29] =	ssyncadd.s32 $0xFFFFFFFF  }
0xb6: {  	_ =	strace $0x9000004B  }
0xb7: {  	_ =	sfence  }
0xb8: {  	s30 =	sld [smem:$0x0];
	_ =	sdelay $0x2  }
0xb9: {  	s31 =	sshll.u32 s1, $0xD;
	s1 =	sshrl.u32 s1, $0x2  }
0xba: {  	s3 =	sand.u32 $0x4000, s31;
	s1 =	sadd.s32 s1, s30  }
0xbb: {  	s0 =	sor.u32 s3, s0;
	s1 =	sshll.u32 s1, $0x11  }
0xbc: {  	s0 =	sor.u32 s1, s0  }
0xbd: {  	s0 =	sadd.s32 $0x8F2B, s0  }
0xbe: {  	[sflag:s0] =	ssyncadd.remote.s32 $0x1  }
0xbf: {  	_ =	sfence.sel $0xFFFF  }
0xc0: {  	[dreg:$0x0] =	wrdreg $0xFFFFFFFF;
	(pc) =	sbr.abs _section_cstart, $3  }
0xc1: {  	[dreg:$0x1] =	wrdreg $0xFFFFFFFF  }
0xc2: {  	_ =	task.clear_ibuf [dreg:s7], $0x2FFFF;
	_ =	strace $0x9FFFFFFF  }
0xc3: {  	(tm) =	ssettm $0x7FFFFFFF  }
tec
execute0_lowered:
.L_overlay_start_1:
0x0: {  	(tag) =	ssettag $0x1  }
0x1: {  	s2 =	rddreg [dreg:$0x0]  }
0x2: {  	s6 =	rddreg [dreg:$0x1]  }
0x3: {  	s0 =	srdreg.scid;
	s3 =	rddreg [dreg:$0x2]  }
0x4: {  	s4 =	simm.s32 $0x0;
	s16 =	simm.s32 $0x6800;
	s17 =	simm.s32 $0x3  }
0x5: {  	s18 =	simm.s32 $0x1400;
	s19 =	simm.s32 $0x80;
	s20 =	simm.s32 $0x2800  }
0x6: {  	s21 =	simm.s32 $0x2;
	s22 =	simm.s32 $0x1;
	s23 =	simm.s32 $0x1380  }
0x7: {  	s24 =	simm.s32 $0x2700;
	s5 =	sand.u32 $0x1, s0;
	s0 =	stileid.u32  }
0x8: {  	s25 =	simm.s32 $0x2780;
	[smem:$0x7FF] =	sst s4;
	s8 =	smul.u32 $0x140000, s5  }
0x9: {  	s1 =	sshll.u32 s5, $0x4;
	s9 =	smul.u32 $0x14000, s0;
	s29 =	ssub.s32 $0x2, s5  }
0xa: {  	s10 =	smul.u32 $0x50000, s0;
	s1 =	sor.u32 s0, s1;
	s31 =	sshrl.u32 s29, $0x1  }
0xb: {  	s7 =	smul.u32 $0x2800, s1;
	s1 =	rddreg [dreg:$0x3];
	_ =	strace $0x8000004A  }
0xc: {  	s28 =	sadd.s32 s9, s8;
	s30 =	sshrl.u32 s10, $0x2;
	s15 =	ssub.s32 s29, s31  }
0xd: {  	s5 =	sadd.s32 s30, s3;
	s15 =	smax.u32 s15, $0x1;
	s7 =	sshrl.u32 s7, $0x3  }
0xe: {  	s8 =	sadd.s32 $0xC000, s5;
	s13 =	sadd.s32 s7, s6;
	s7 =	sshrl.u32 s28, $0x3  }
0xf: {  	s9 =	sadd.s32 $0x10000, s5;
	s14 =	sadd.s32 s7, s6;
	s6 =	sadd.s32 $0x4000, s5  }
0x10: {  	s7 =	sadd.s32 $0x8000, s5;
	s10 =	sadd.s32 $0x2600, s13;
	s11 =	sadd.s32 $0xC600, s13  }
0x11: {  	v0 =	vimm.f32 $0.0e+00;
	s12 =	sadd.s32 $0x2880, s13;
	s13 =	sadd.s32 $0xC880, s13;
	s14 =	sadd.s32 $0x16600, s14  }
.LBB2_1:
0x12: {  	s26 =	simm.s32 $0x0;
	s28 =	simm.s32 $0x200  }
.LBB2_2:
0x13: {  	p0 =	sne.s32 s28, $0xFE00;
	[tilespmem:s26+$0x6870] =	vst v0  }
0x14: {  	[tilespmem:s26+$0x6800] =	vst v0  }
0x15: {  	[tilespmem:s26+$0x6810] =	vst v0  }
.Ltmp0:
0x16: {  	[tilespmem:s26+$0x6820] =	vst v0;
	(pc) =	sbr.rel @p0 .LBB2_2-.Ltmp0, $4  }
0x17: {  	[tilespmem:s26+$0x6830] =	vst v0  }
0x18: {  	[tilespmem:s26+$0x6840] =	vst v0  }
0x19: {  	[tilespmem:s26+$0x6850] =	vst v0  }
0x1a: {  	[tilespmem:s26+$0x6860] =	vst v0;
	s26 =	sshra.s32 s28, $0x2;
	s28 =	sadd.s32 $0x200, s28  }
0x1b: {  	[tilespmem:s26+$0x6870] =	vst v0  }
0x1c: {  	[tilespmem:s26+$0x6800] =	vst v0  }
0x1d: {  	[tilespmem:s26+$0x6810] =	vst v0  }
0x1e: {  	[tilespmem:s26+$0x6820] =	vst v0  }
0x1f: {  	[tilespmem:s26+$0x6830] =	vst v0  }
0x20: {  	[tilespmem:s26+$0x6840] =	vst v0  }
0x21: {  	[tilespmem:s26+$0x6850] =	vst v0  }
0x22: {  	[tilespmem:s26+$0x6860] =	vst v0  }
0x23: {  	[spmem:s5] =	stream.linear.scatter [tilespmem:s16], [sflag:$0x2], $0x4000, $0x38;
	[tilespmem:$0x1E800] =	vst v63  }
0x24: {  	_ = 	snop  }
0x25: {  	[spmem:s6] =	stream.linear.scatter [tilespmem:s16], [sflag:$0x2], $0x4000, $0x38;
	[tilespmem:$0x1E800] =	vst v63  }
0x26: {  	_ = 	snop  }
0x27: {  	[spmem:s7] =	stream.linear.scatter [tilespmem:s16], [sflag:$0x2], $0x4000, $0x38;
	[tilespmem:$0x1E800] =	vst v63  }
0x28: {  	_ = 	snop  }
0x29: {  	[spmem:s8] =	stream.linear.scatter [tilespmem:s16], [sflag:$0x2], $0x4000, $0x38;
	[tilespmem:$0x1E800] =	vst v63  }
0x2a: {  	_ = 	snop  }
0x2b: {  	[spmem:s9] =	stream.linear.scatter [tilespmem:s16], [sflag:$0x2], $0x4000, $0x38;
	[tilespmem:$0x1E800] =	vst v63  }
0x2c: {  	s31 =	simm.s32 $0x0  }
0x2d: {  	[tilespmem:s31], [sflag:$0x3] =	stream.linear.gather [hbm4b:s10+s31], $0x1400, $0x38;
	[tilespmem:$0x1E800] =	vst v63  }
0x2e: {  	_ =	swait.ge [sflag:s17], $0x1400  }
0x2f: {  	[sflag:s17] =	ssyncset.done $0x0  }
0x30: {  	[sflag:s17] =	ssyncadd.s32 $0xFFFFEC00  }
0x31: {  	[tilespmem:s18], [sflag:$0x3] =	stream.linear.gather [hbm4b:s11+s31], $0x1400, $0x38;
	[tilespmem:$0x1E800] =	vst v63  }
0x32: {  	_ =	swait.ge [sflag:s17], $0x1400  }
0x33: {  	[sflag:s17] =	ssyncset.done $0x0  }
0x34: {  	[sflag:s17] =	ssyncadd.s32 $0xFFFFEC00  }
0x35: {  	[tilespmem:s20], [sflag:$0x1] =	stream.indirect.gather [hbm4b:s2+s19], $0x80, s31, s19, $0xb8;
	[tilespmem:$0x1E800] =	vst v63  }
0x36: {  	_ =	swait.ge [sflag:s21], $0x4000  }
0x37: {  	[sflag:s21] =	ssyncset.done $0x0  }
0x38: {  	[sflag:s21] =	ssyncadd.s32 $0xFFFFC000  }
0x39: {  	_ =	swait.ge [sflag:s21], $0x4000  }
0x3a: {  	[sflag:s21] =	ssyncset.done $0x0  }
0x3b: {  	[sflag:s21] =	ssyncadd.s32 $0xFFFFC000  }
0x3c: {  	_ =	swait.ge [sflag:s21], $0x4000  }
0x3d: {  	[sflag:s21] =	ssyncset.done $0x0  }
0x3e: {  	[sflag:s21] =	ssyncadd.s32 $0xFFFFC000  }
0x3f: {  	_ =	swait.ge [sflag:s21], $0x4000  }
0x40: {  	[sflag:s21] =	ssyncset.done $0x0  }
0x41: {  	[sflag:s21] =	ssyncadd.s32 $0xFFFFC000  }
0x42: {  	_ =	swait.ge [sflag:s21], $0x4000  }
0x43: {  	[sflag:s21] =	ssyncset.done $0x0  }
0x44: {  	[sflag:s21] =	ssyncadd.s32 $0xFFFFC000  }
0x45: {  	[bflag:$0x0] =	sbarrier.arrive $0xFFFF  }
0x46: {  	_ =	swait.ge [sflag:s22], $0x4000  }
0x47: {  	[sflag:s22] =	ssyncset.done $0x0  }
0x48: {  	s28 =	simm.s32 $0x80;
	[sflag:s22] =	ssyncadd.s32 $0xFFFFC000  }
0x49: {  	[tilespmem:s16], [sflag:$0x2] =	stream.indirect.gather [hbm4b:s2+s19], $0x80, s28, s19, $0xb8;
	[tilespmem:$0x1E800] =	vst v63  }
0x4a: {  	s29 =	simm.s32 $0x1400  }
0x4b: {  	[spmem:s3] =	stream.indirect.scatter.add.f32 [tilespmem:s20], [sflag:$0x3], $0x80, s29, s19, $0xb8;
	[tilespmem:$0x1E800] =	vst v63  }
0x4c: {  	_ =	swait.ge [sflag:s17], $0x4000  }
0x4d: {  	[sflag:s17] =	ssyncset.done $0x0  }
0x4e: {  	[sflag:s17] =	ssyncadd.s32 $0xFFFFC000  }
0x4f: {  	_ =	swait.ge [sflag:s21], $0x4000  }
0x50: {  	[sflag:s21] =	ssyncset.done $0x0  }
0x51: {  	s30 =	simm.s32 $0x100;
	[sflag:s21] =	ssyncadd.s32 $0xFFFFC000  }
0x52: {  	[tilespmem:s20], [sflag:$0x1] =	stream.indirect.gather [hbm4b:s2+s19], $0x80, s30, s19, $0xb8;
	[tilespmem:$0x1E800] =	vst v63  }
0x53: {  	s31 =	simm.s32 $0x1480  }
0x54: {  	[spmem:s3] =	stream.indirect.scatter.add.f32 [tilespmem:s16], [sflag:$0x3], $0x80, s31, s19, $0xb8;
	[tilespmem:$0x1E800] =	vst v63  }
0x55: {  	_ =	swait.ge [sflag:s17], $0x4000  }
0x56: {  	s26 =	simm.s32 $0x400;
	[sflag:s17] =	ssyncset.done $0x0  }
.LBB2_4:
0x57: {  	p0 =	sne.s32 s26, $0x4800  }
0x58: {  	[sflag:s17] =	ssyncadd.s32 $0xFFFFC000;
	s28 =	smov.u32 s26;
	s26 =	sadd.s32 $0x400, s26  }
0x59: {  	_ = 	snop  }
0x5a: {  	_ =	swait.ge [sflag:s22], $0x4000  }
0x5b: {  	s28 =	sshra.s32 s28, $0x2;
	[sflag:s22] =	ssyncset.done $0x0  }
0x5c: {  	s29 =	sadd.s32 $0x80, s28;
	[sflag:s22] =	ssyncadd.s32 $0xFFFFC000  }
0x5d: {  	[tilespmem:s16], [sflag:$0x2] =	stream.indirect.gather [hbm4b:s2+s19], $0x80, s29, s19, $0xb8;
	[tilespmem:$0x1E800] =	vst v63  }
0x5e: {  	s29 =	sadd.s32 $0x1400, s28  }
0x5f: {  	[spmem:s3] =	stream.indirect.scatter.add.f32 [tilespmem:s20], [sflag:$0x3], $0x80, s29, s19, $0xb8;
	[tilespmem:$0x1E800] =	vst v63  }
0x60: {  	_ =	swait.ge [sflag:s17], $0x4000  }
0x61: {  	[sflag:s17] =	ssyncset.done $0x0  }
0x62: {  	[sflag:s17] =	ssyncadd.s32 $0xFFFFC000  }
0x63: {  	_ =	swait.ge [sflag:s21], $0x4000  }
0x64: {  	[sflag:s21] =	ssyncset.done $0x0  }
0x65: {  	s29 =	sadd.s32 $0x100, s28;
	[sflag:s21] =	ssyncadd.s32 $0xFFFFC000  }
0x66: {  	[tilespmem:s20], [sflag:$0x1] =	stream.indirect.gather [hbm4b:s2+s19], $0x80, s29, s19, $0xb8;
	[tilespmem:$0x1E800] =	vst v63  }
.Ltmp1:
0x67: {  	_ = 	snop;
	(pc) =	sbr.rel @p0 .LBB2_4-.Ltmp1, $4  }
0x68: {  	s28 =	sadd.s32 $0x1480, s28  }
0x69: {  	[spmem:s3] =	stream.indirect.scatter.add.f32 [tilespmem:s16], [sflag:$0x3], $0x80, s28, s19, $0xb8;
	[tilespmem:$0x1E800] =	vst v63  }
0x6a: {  	_ =	swait.ge [sflag:s17], $0x4000  }
0x6b: {  	[sflag:s17] =	ssyncset.done $0x0  }
0x6c: {  	[sflag:s17] =	ssyncadd.s32 $0xFFFFC000  }
0x6d: {  	_ =	swait.ge [sflag:s22], $0x4000  }
0x6e: {  	[sflag:s22] =	ssyncset.done $0x0  }
0x6f: {  	[sflag:s22] =	ssyncadd.s32 $0xFFFFC000  }
0x70: {  	[tilespmem:s16], [sflag:$0x2] =	stream.indirect.gather [hbm4b:s2+s19], $0x80, s23, s19, $0xb8;
	[tilespmem:$0x1E800] =	vst v63  }
0x71: {  	_ = 	snop  }
0x72: {  	[spmem:s3] =	stream.indirect.scatter.add.f32 [tilespmem:s20], [sflag:$0x3], $0x80, s24, s19, $0xb8;
	[tilespmem:$0x1E800] =	vst v63  }
0x73: {  	_ =	swait.ge [sflag:s17], $0x4000  }
0x74: {  	[sflag:s17] =	ssyncset.done $0x0  }
0x75: {  	[sflag:s17] =	ssyncadd.s32 $0xFFFFC000  }
0x76: {  	_ =	swait.ge [sflag:s21], $0x4000  }
0x77: {  	[sflag:s21] =	ssyncset.done $0x0  }
0x78: {  	[sflag:s21] =	ssyncadd.s32 $0xFFFFC000  }
0x79: {  	[spmem:s3] =	stream.indirect.scatter.add.f32 [tilespmem:s16], [sflag:$0x3], $0x80, s25, s19, $0xb8;
	[tilespmem:$0x1E800] =	vst v63  }
0x7a: {  	_ =	swait.ge [sflag:s17], $0x4000  }
0x7b: {  	[sflag:s17] =	ssyncset.done $0x0  }
0x7c: {  	s26 =	simm.s32 $0x0;
	[sflag:s17] =	ssyncadd.s32 $0xFFFFC000  }
0x7d: {  	[tilespmem:s26], [sflag:$0x3] =	stream.linear.gather [hbm4b:s12+s26], $0x1400, $0x38;
	[tilespmem:$0x1E800] =	vst v63  }
0x7e: {  	_ =	swait.ge [sflag:s17], $0x1400  }
0x7f: {  	[sflag:s17] =	ssyncset.done $0x0  }
0x80: {  	[sflag:s17] =	ssyncadd.s32 $0xFFFFEC00  }
0x81: {  	[tilespmem:s18], [sflag:$0x3] =	stream.linear.gather [hbm4b:s13+s26], $0x1400, $0x38;
	[tilespmem:$0x1E800] =	vst v63  }
0x82: {  	_ =	swait.ge [sflag:s17], $0x1400  }
0x83: {  	[sflag:s17] =	ssyncset.done $0x0  }
0x84: {  	[sflag:s17] =	ssyncadd.s32 $0xFFFFEC00  }
0x85: {  	[tilespmem:s20], [sflag:$0x1] =	stream.indirect.gather [hbm4b:s2+s19], $0x80, s26, s19, $0xb8;
	[tilespmem:$0x1E800] =	vst v63  }
0x86: {  	_ =	swait.ge [sflag:s22], $0x4000  }
0x87: {  	[sflag:s22] =	ssyncset.done $0x0  }
0x88: {  	s28 =	simm.s32 $0x80;
	[sflag:s22] =	ssyncadd.s32 $0xFFFFC000  }
0x89: {  	[tilespmem:s16], [sflag:$0x2] =	stream.indirect.gather [hbm4b:s2+s19], $0x80, s28, s19, $0xb8;
	[tilespmem:$0x1E800] =	vst v63  }
0x8a: {  	s29 =	simm.s32 $0x1400  }
0x8b: {  	[spmem:s3] =	stream.indirect.scatter.add.f32 [tilespmem:s20], [sflag:$0x3], $0x80, s29, s19, $0xb8;
	[tilespmem:$0x1E800] =	vst v63  }
0x8c: {  	_ =	swait.ge [sflag:s17], $0x4000  }
0x8d: {  	[sflag:s17] =	ssyncset.done $0x0  }
0x8e: {  	[sflag:s17] =	ssyncadd.s32 $0xFFFFC000  }
0x8f: {  	_ =	swait.ge [sflag:s21], $0x4000  }
0x90: {  	[sflag:s21] =	ssyncset.done $0x0  }
0x91: {  	s30 =	simm.s32 $0x100;
	[sflag:s21] =	ssyncadd.s32 $0xFFFFC000  }
0x92: {  	[tilespmem:s20], [sflag:$0x1] =	stream.indirect.gather [hbm4b:s2+s19], $0x80, s30, s19, $0xb8;
	[tilespmem:$0x1E800] =	vst v63  }
0x93: {  	s31 =	simm.s32 $0x1480  }
0x94: {  	[spmem:s3] =	stream.indirect.scatter.add.f32 [tilespmem:s16], [sflag:$0x3], $0x80, s31, s19, $0xb8;
	[tilespmem:$0x1E800] =	vst v63  }
0x95: {  	_ =	swait.ge [sflag:s17], $0x4000  }
0x96: {  	s26 =	simm.s32 $0x400;
	[sflag:s17] =	ssyncset.done $0x0  }
.LBB2_6:
0x97: {  	p0 =	sne.s32 s26, $0x4800  }
0x98: {  	[sflag:s17] =	ssyncadd.s32 $0xFFFFC000;
	s28 =	smov.u32 s26;
	s26 =	sadd.s32 $0x400, s26  }
0x99: {  	_ = 	snop  }
0x9a: {  	_ =	swait.ge [sflag:s22], $0x4000  }
0x9b: {  	s28 =	sshra.s32 s28, $0x2;
	[sflag:s22] =	ssyncset.done $0x0  }
0x9c: {  	s29 =	sadd.s32 $0x80, s28;
	[sflag:s22] =	ssyncadd.s32 $0xFFFFC000  }
0x9d: {  	[tilespmem:s16], [sflag:$0x2] =	stream.indirect.gather [hbm4b:s2+s19], $0x80, s29, s19, $0xb8;
	[tilespmem:$0x1E800] =	vst v63  }
0x9e: {  	s29 =	sadd.s32 $0x1400, s28  }
0x9f: {  	[spmem:s3] =	stream.indirect.scatter.add.f32 [tilespmem:s20], [sflag:$0x3], $0x80, s29, s19, $0xb8;
	[tilespmem:$0x1E800] =	vst v63  }
0xa0: {  	_ =	swait.ge [sflag:s17], $0x4000  }
0xa1: {  	[sflag:s17] =	ssyncset.done $0x0  }
0xa2: {  	[sflag:s17] =	ssyncadd.s32 $0xFFFFC000  }
0xa3: {  	_ =	swait.ge [sflag:s21], $0x4000  }
0xa4: {  	[sflag:s21] =	ssyncset.done $0x0  }
0xa5: {  	s29 =	sadd.s32 $0x100, s28;
	[sflag:s21] =	ssyncadd.s32 $0xFFFFC000  }
0xa6: {  	[tilespmem:s20], [sflag:$0x1] =	stream.indirect.gather [hbm4b:s2+s19], $0x80, s29, s19, $0xb8;
	[tilespmem:$0x1E800] =	vst v63  }
.Ltmp2:
0xa7: {  	_ = 	snop;
	(pc) =	sbr.rel @p0 .LBB2_6-.Ltmp2, $4  }
0xa8: {  	s28 =	sadd.s32 $0x1480, s28  }
0xa9: {  	[spmem:s3] =	stream.indirect.scatter.add.f32 [tilespmem:s16], [sflag:$0x3], $0x80, s28, s19, $0xb8;
	[tilespmem:$0x1E800] =	vst v63  }
0xaa: {  	_ =	swait.ge [sflag:s17], $0x4000  }
0xab: {  	[sflag:s17] =	ssyncset.done $0x0  }
0xac: {  	[sflag:s17] =	ssyncadd.s32 $0xFFFFC000  }
0xad: {  	_ =	swait.ge [sflag:s22], $0x4000  }
0xae: {  	[sflag:s22] =	ssyncset.done $0x0  }
0xaf: {  	[sflag:s22] =	ssyncadd.s32 $0xFFFFC000  }
0xb0: {  	[tilespmem:s16], [sflag:$0x2] =	stream.indirect.gather [hbm4b:s2+s19], $0x80, s23, s19, $0xb8;
	[tilespmem:$0x1E800] =	vst v63  }
0xb1: {  	_ = 	snop  }
0xb2: {  	[spmem:s3] =	stream.indirect.scatter.add.f32 [tilespmem:s20], [sflag:$0x3], $0x80, s24, s19, $0xb8;
	[tilespmem:$0x1E800] =	vst v63  }
0xb3: {  	_ =	swait.ge [sflag:s17], $0x4000  }
0xb4: {  	[sflag:s17] =	ssyncset.done $0x0  }
0xb5: {  	[sflag:s17] =	ssyncadd.s32 $0xFFFFC000  }
0xb6: {  	_ =	swait.ge [sflag:s21], $0x4000  }
0xb7: {  	[sflag:s21] =	ssyncset.done $0x0  }
0xb8: {  	[sflag:s21] =	ssyncadd.s32 $0xFFFFC000  }
0xb9: {  	[spmem:s3] =	stream.indirect.scatter.add.f32 [tilespmem:s16], [sflag:$0x3], $0x80, s25, s19, $0xb8;
	[tilespmem:$0x1E800] =	vst v63  }
0xba: {  	_ =	swait.ge [sflag:s17], $0x4000  }
0xbb: {  	s26 =	sshll.u32 s0, $0x6;
	s4 =	sadd.s32 $0x1, s4;
	[sflag:s17] =	ssyncset.done $0x0  }
0xbc: {  	s28 =	sshrl.u32 s5, $0x3;
	p0 =	sne.s32 s4, s15;
	[sflag:s17] =	ssyncadd.s32 $0xFFFFC000  }
.Ltmp3:
0xbd: {  	s26 =	sor.u32 $0x1C03, s26;
	[bflag:$0x0] =	sbarrier.arrive $0xFFFF;
	(pc) =	sbr.rel @p0 .LBB2_1-.Ltmp3, $4  }
0xbe: {  	[hbm:s14], [sflag:s26] =	dma.local [spmem:s28], $0x2800  }
0xbf: {  	_ =	swait.ge [sflag:s17], $0x2800  }
0xc0: {  	[sflag:s17] =	ssyncset.done $0x0  }
0xc1: {  	[sflag:s17] =	ssyncadd.s32 $0xFFFFD800  }
0xc2: {  	_ =	sfence.sel $0x180000  }
0xc3: {  	[bflag:$0x0] =	sbarrier.arrive $0xFFFF  }
0xc4: {  	p0 =	sne.s32 s0, $0x0;
	_ =	strace $0x9000004A  }
0xc5: {  	s0 =	sadd.s32 @!p0 $0x100000, s1;
	[bflag:$0x2] =	sbarrier.arrive $0xFFFF  }
0xc6: {  	[sflag:s0] =	ssyncadd.tile.s32 @!p0 $0x1;
	_ =	shalt  }
.Lfunc_end2:
_tile_overlayer_lowered:
.L_overlay_start_2:
0xc7: {  	(tag) =	ssettag $0x2  }
0xc8: {  	s0 =	rddreg [dreg:$0x0];
	s2 =	stileid.u32  }
0xc9: {  	s1 =	rddreg [dreg:$0x1];
	p0 =	sne.s32 s2, $0x0  }
0xca: {  	s3 =	rddreg [dreg:$0x2];
	[bflag:$0x3] =	sbarrier.arrive $0xFFFF;
	s2 =	simm.s32 @!p0 $0x1C03  }
0xcb: {  	[timem:s3], [sflag:s2] =	dma.local @!p0 [hbm:s0], s1  }
0xcc: {  	s0 =	simm.s32 @!p0 $0x3  }
0xcd: {  	_ =	swait.ge @!p0 [sflag:s0], s1  }
0xce: {  	s1 =	ssub.s32 @!p0 $0x0, s1;
	[sflag:s0] =	ssyncset.done @!p0 $0x0  }
0xcf: {  	[sflag:s0] =	ssyncadd.s32 @!p0 s1  }
0xd0: {  	[bflag:$0x3] =	sbarrier.arrive $0xFFFF  }
0xd1: {  	_ =	shalt  }

// kernel: kernel.14.cloned.1.call-start
scs
__scs_entry_jumppad:
0x0: {  	(pc) =	sbr.rel $0x88, $3  }
0x1: {  	(tag) =	ssettag $0x0;
	lr =	simm.s32 $0x1  }
0x2: {  	[smem:$0x3F9B] =	sst lr;
	_ =	strace $0xD0000000  }
0x3: {  	_ = 	snop  }
0x4: {  	_ = 	snop  }
0x5: {  	_ = 	snop  }
0x6: {  	_ = 	snop  }
0x7: {  	_ = 	snop  }
__scs_overlays_trampoline_lowered:
0x8: {  	[smem:$0x3FAA] =	sst s0  }
0x9: {  	[smem:$0x3FAB] =	sst s1  }
0xa: {  	[smem:$0x3FAC] =	sst s2  }
0xb: {  	[smem:$0x3FAD] =	sst s3  }
0xc: {  	[smem:$0x3FAE] =	sst s4  }
0xd: {  	[smem:$0x3FAF] =	sst s5  }
0xe: {  	[smem:$0x3FB0] =	sst s6  }
0xf: {  	[smem:$0x3FB1] =	sst s7  }
0x10: {  	[smem:$0x3FB2] =	sst s8  }
0x11: {  	[smem:$0x3FB3] =	sst s9;
	s0 =	simm.s32 @!p0 $0x0  }
0x12: {  	s1 =	sld [smem:$0x3F99];
	s0 =	simm.s32 @p0 $0x1  }
0x13: {  	[smem:$0x3FB4] =	sst s0;
	s0 =	simm.s32 @!p1 $0x0  }
0x14: {  	s2 =	sld [smem:$0x3F98];
	s0 =	simm.s32 @p1 $0x1  }
0x15: {  	[smem:$0x3FB5] =	sst s0;
	s0 =	simm.s32 @!p2 $0x0  }
0x16: {  	s3 =	sld [smem:$0x3FDB];
	s0 =	simm.s32 @p2 $0x1  }
0x17: {  	s4 =	simm.s32 $0x1BF5;
	[smem:$0x3FB7] =	sst s0  }
0x18: {  	s0 =	sld [smem:$0x3F9A];
	_ =	swait.ge [sflag:s4], $0x0  }
0x19: {  	s7 =	sld [smem:$0x3F9B]  }
0x1a: {  	s8 =	sadd.s32 $0xFFFFE003, lr  }
0x1b: {  	s9 =	sadd.s32 $0xFFFFFEF7, lr;
	s5 =	simm.s32 $0xFFFFFFFF;
	p2 =	slt.u32 s8, $0xFFFFF086  }
0x1c: {  	p1 =	slt.u32 s9, $0xF7A;
	s5 =	simm.s32 @!p2 $0x0  }
0x1d: {  	s5 =	simm.s32 @p1 $0x1;
	p0 =	seq.s32 s7, s2  }
0x1e: {  	s7 =	smul.u32 @!p0 $0xF7A, s2;
	p2 =	seq.s32 @!p0 s5, $0x0  }
0x1f: {  	s9 =	smul.u32 $0xF7A, s1;
	s8 =	simm.s32 @!p0 $0x1BF5;
	p2 =	por !p2, p0  }
0x20: {  	[sflag:s8] =	ssyncset.s32 @!p0 $0xFFFFF086;
	s6 =	sadd.s32 @!p0 s3, s7;
	s7 =	simm.s32 @!p0 $0x108  }
0x21: {  	s3 =	sadd.s32 s3, s9;
	s6 =	sadd.s32 @!p0 $0x88, s6;
	s7 =	simm.s32 @p2 $0x1082  }
0x22: {  	[simem:s7], [sflag:s8] =	dma.local @!p0 [hbm:s6], $0xF7A  }
0x23: {  	s9 =	sor.u32 $0xD0000000, s2;
	s6 =	simm.s32 $0x108;
	_ =	swait.ge @!p0 [sflag:s8], $0x0  }
0x24: {  	s3 =	sadd.s32 $0x88, s3;
	s6 =	simm.s32 @!p1 $0x1082;
	[sflag:s4] =	ssyncset.s32 $0xFFFFF086  }
0x25: {  	[simem:s6], [sflag:s4] =	dma.local [hbm:s3], $0xF7A  }
0x26: {  	[smem:$0x3F9B] =	sst s1;
	(tag) =	ssettag s2;
	_ =	strace s9  }
0x27: {  	s1 =	sld [smem:$0x3FAB]  }
0x28: {  	s2 =	sld [smem:$0x3FAC]  }
0x29: {  	s4 =	sld [smem:$0x3FAE]  }
0x2a: {  	p0 =	seq.s32 s5, $0x0;
	s5 =	sld [smem:$0x3FAF]  }
0x2b: {  	s6 =	sld [smem:$0x3FB0]  }
0x2c: {  	s7 =	sld [smem:$0x3FB1]  }
0x2d: {  	s3 =	simm.s32 $0x108;
	s8 =	sld [smem:$0x3FB2]  }
0x2e: {  	s3 =	simm.s32 @!p0 $0x1082;
	s9 =	sld [smem:$0x3FB3]  }
0x2f: {  	lr =	sadd.s32 s0, s3;
	s0 =	sld [smem:$0x3FAA]  }
0x30: {  	s3 =	sld [smem:$0x3FAD]  }
0x31: {  	[smem:$0x3FB6] =	sst s10  }
0x32: {  	s10 =	sld [smem:$0x3FB4];
	_ =	sdelay $0x3  }
0x33: {  	p0 =	seq.s32 s10, $0x1;
	s10 =	sld [smem:$0x3FB6];
	_ =	sdelay $0x3  }
0x34: {  	[smem:$0x3FB6] =	sst s10  }
0x35: {  	s10 =	sld [smem:$0x3FB5];
	_ =	sdelay $0x3  }
0x36: {  	p1 =	seq.s32 s10, $0x1;
	s10 =	sld [smem:$0x3FB6];
	_ =	sdelay $0x3  }
0x37: {  	[smem:$0x3FB6] =	sst s10  }
0x38: {  	s10 =	sld [smem:$0x3FB7]  }
0x39: {  	_ = 	snop;
	(pc) =	sbr.ind lr, $3  }
0x3a: {  	_ = 	snop  }
0x3b: {  	_ = 	snop  }
0x3c: {  	p2 =	seq.s32 s10, $0x1;
	s10 =	sld [smem:$0x3FB6]  }
0x3d: {  	_ =	shalt  }
0x3e: {  	_ =	shalt  }
0x3f: {  	_ =	shalt  }
0x40: {  	_ =	shalt  }
0x41: {  	_ =	shalt  }
0x42: {  	_ =	shalt  }
0x43: {  	_ =	shalt  }
0x44: {  	_ =	shalt  }
0x45: {  	_ =	shalt  }
0x46: {  	_ =	shalt  }
0x47: {  	_ =	shalt  }
0x48: {  	_ =	shalt  }
0x49: {  	_ =	shalt  }
0x4a: {  	_ =	shalt  }
0x4b: {  	_ =	shalt  }
0x4c: {  	_ =	shalt  }
0x4d: {  	_ =	shalt  }
0x4e: {  	_ =	shalt  }
0x4f: {  	_ =	shalt  }
0x50: {  	_ =	shalt  }
0x51: {  	_ =	shalt  }
0x52: {  	_ =	shalt  }
0x53: {  	_ =	shalt  }
0x54: {  	_ =	shalt  }
0x55: {  	_ =	shalt  }
0x56: {  	_ =	shalt  }
0x57: {  	_ =	shalt  }
0x58: {  	_ =	shalt  }
0x59: {  	_ =	shalt  }
0x5a: {  	_ =	shalt  }
0x5b: {  	_ =	shalt  }
0x5c: {  	_ =	shalt  }
0x5d: {  	_ =	shalt  }
0x5e: {  	_ =	shalt  }
0x5f: {  	_ =	shalt  }
0x60: {  	_ =	shalt  }
0x61: {  	_ =	shalt  }
0x62: {  	_ =	shalt  }
0x63: {  	_ =	shalt  }
0x64: {  	_ =	shalt  }
0x65: {  	_ =	shalt  }
0x66: {  	_ =	shalt  }
0x67: {  	_ =	shalt  }
0x68: {  	_ =	shalt  }
0x69: {  	_ =	shalt  }
0x6a: {  	_ =	shalt  }
0x6b: {  	_ =	shalt  }
0x6c: {  	_ =	shalt  }
0x6d: {  	_ =	shalt  }
0x6e: {  	_ =	shalt  }
0x6f: {  	_ =	shalt  }
0x70: {  	_ =	shalt  }
0x71: {  	_ =	shalt  }
0x72: {  	_ =	shalt  }
0x73: {  	_ =	shalt  }
0x74: {  	_ =	shalt  }
0x75: {  	_ =	shalt  }
0x76: {  	_ =	shalt  }
0x77: {  	_ =	shalt  }
0x78: {  	_ =	shalt  }
0x79: {  	_ =	shalt  }
0x7a: {  	_ =	shalt  }
0x7b: {  	_ =	shalt  }
0x7c: {  	_ =	shalt  }
0x7d: {  	_ =	shalt  }
0x7e: {  	_ =	shalt  }
0x7f: {  	_ =	shalt  }
0x80: {  	_ =	shalt  }
0x81: {  	_ =	shalt  }
0x82: {  	_ =	shalt  }
0x83: {  	_ =	shalt  }
0x84: {  	_ =	shalt  }
0x85: {  	_ =	shalt  }
0x86: {  	_ =	shalt  }
0x87: {  	_ =	shalt  }
.Lfunc_end0:
.L_simem_size_0:
called_computation.2_lowered:
.L_overlay_start_0:
0x88: {  	s2 =	sld [smem:$0x3FD9]  }
0x89: {  	s3 =	sld [smem:$0x3FFE];
	_ =	sdelay $0x1  }
0x8a: {  	s1 =	srdreg.scid  }
0x8b: {  	s0 =	sand.u32 $0x1, s1  }
0x8c: {  	s17 =	sshll.u32 s0, $0xA;
	s2 =	sadd.s32 s3, s2  }
0x8d: {  	s2 =	sadd.s32 s2, s17  }
0x8e: {  	[smem:$0x3FC2] =	sst s2  }
0x8f: {  	_ = 	snop  }
0x90: {  	s2 =	sld [smem:$0x3FD0];
	(tm) =	ssettm $0x1  }
0x91: {  	s18 =	sld [smem:$0x3FFB];
	_ =	sdelay $0x3  }
0x92: {  	_ =	strace s18  }
0x93: {  	s3 =	sld [smem:$0x3FFC];
	_ =	sdelay $0x3  }
0x94: {  	_ =	strace s3  }
0x95: {  	s3 =	sld [smem:$0x3FFD];
	_ =	sdelay $0x3  }
0x96: {  	_ =	strace s3  }
0x97: {  	_ =	strace $0x8FFFFFFF  }
0x98: {  	s19 =	sld [smem:$0x3FDB];
	_ =	sdelay $0x1  }
0x99: {  	s4 =	simm.s32 $_scs_section_size  }
0x9a: {  	s5 =	simm.s32 $_size__tile_overlayer_lowered;
	s6 =	simm.s32 $_tile_overlayer_lowered  }
0x9b: {  	s22 =	simm.s32 $0x1BFF;
	s21 =	sshll.u32 s6, $0x1;
	s3 =	sadd.s32 s4, s19  }
0x9c: {  	s7 =	simm.s32 $0x0;
	s20 =	sshll.u32 s5, $0x1;
	s5 =	sadd.s32 s21, s3  }
0x9d: {  	[timem:s7], [sflag:s22] =	dma.local [hbm:s5], s20  }
0x9e: {  	_ =	swait.ge [sflag:s22], s20  }
0x9f: {  	s4 =	ssub.s32 $0x0, s20;
	[sflag:s22] =	ssyncset.done $0x0  }
0xa0: {  	[sflag:s22] =	ssyncadd.s32 s4;
	_ =	sdelay $0x1  }
0xa1: {  	s23 =	simm.s32 $0x1B8B  }
0xa2: {  	_ =	swait.ge [sflag:s23], $0x1  }
0xa3: {  	[sflag:s23] =	ssyncset.done $0x0  }
0xa4: {  	s25 =	simm.s32 $0x1B8E;
	s24 =	sld [smem:$0x3FFE];
	[sflag:s23] =	ssyncadd.s32 $0xFFFFFFFF  }
0xa5: {  	s26 =	simm.s32 $execute0_lowered;
	[smem:$0x3FD2] =	sst s25  }
0xa6: {  	s5 =	sshll.u32 s26, $0x1;
	_ =	strace $0x8000004C;
	[dreg:$0x1] =	wrdreg $0xFFFFFFFF  }
0xa7: {  	s28 =	simm.s32 $_size_execute0_lowered;
	s3 =	sadd.s32 s3, s5;
	[dreg:$0x0] =	wrdreg $0x0  }
0xa8: {  	s5 =	sshll.u32 s28, $0x1;
	[dreg:$0x2] =	wrdreg s3  }
0xa9: {  	[dreg:$0x3] =	wrdreg s5  }
0xaa: {  	[dreg:$0x4] =	wrdreg $0xC0  }
0xab: {  	_ =	task [dreg:s7], $0x5FFFF  }
0xac: {  	[dreg:$0x1] =	wrdreg $0xFFFFFFFF  }
0xad: {  	[dreg:$0x0] =	wrdreg $0x60  }
0xae: {  	[dreg:$0x2] =	wrdreg s2  }
0xaf: {  	[dreg:$0x3] =	wrdreg s24  }
0xb0: {  	[dreg:$0x4] =	wrdreg $0xA8000  }
0xb1: {  	[dreg:$0x5] =	wrdreg $0x9  }
0xb2: {  	_ =	task.clear_ibuf [dreg:s7], $0x6FFFF;
	_ =	strace $0x9000004C  }
0xb3: {  	s29 =	simm.s32 $0x9;
	_ =	strace $0x8000004E  }
0xb4: {  	_ =	swait.ge [sflag:s29], $0x1  }
0xb5: {  	[sflag:s29] =	ssyncadd.s32 $0xFFFFFFFF  }
0xb6: {  	_ =	strace $0x9000004E  }
0xb7: {  	_ =	sfence  }
0xb8: {  	s30 =	sld [smem:$0x0];
	_ =	sdelay $0x2  }
0xb9: {  	s31 =	sshll.u32 s1, $0xD;
	s1 =	sshrl.u32 s1, $0x2  }
0xba: {  	s3 =	sand.u32 $0x4000, s31;
	s1 =	sadd.s32 s1, s30  }
0xbb: {  	s0 =	sor.u32 s3, s0;
	s1 =	sshll.u32 s1, $0x11  }
0xbc: {  	s0 =	sor.u32 s1, s0  }
0xbd: {  	s0 =	sadd.s32 $0x8F2B, s0  }
0xbe: {  	[sflag:s0] =	ssyncadd.remote.s32 $0x1  }
0xbf: {  	_ =	sfence.sel $0xFFFF  }
0xc0: {  	[dreg:$0x0] =	wrdreg $0xFFFFFFFF;
	(pc) =	sbr.abs _section_cstart, $3  }
0xc1: {  	[dreg:$0x1] =	wrdreg $0xFFFFFFFF  }
0xc2: {  	_ =	task.clear_ibuf [dreg:s7], $0x2FFFF;
	_ =	strace $0x9FFFFFFF  }
0xc3: {  	(tm) =	ssettm $0x7FFFFFFF  }
tec
execute0_lowered:
.L_overlay_start_1:
0x0: {  	(tag) =	ssettag $0x1  }
0x1: {  	s2 =	rddreg [dreg:$0x0]  }
0x2: {  	s6 =	rddreg [dreg:$0x1]  }
0x3: {  	s0 =	srdreg.scid;
	s3 =	rddreg [dreg:$0x2]  }
0x4: {  	s4 =	simm.s32 $0x0;
	s16 =	simm.s32 $0x6800;
	s17 =	simm.s32 $0x3  }
0x5: {  	s18 =	simm.s32 $0x1400;
	s19 =	simm.s32 $0x80;
	s20 =	simm.s32 $0x2800  }
0x6: {  	s21 =	simm.s32 $0x2;
	s22 =	simm.s32 $0x1;
	s23 =	simm.s32 $0x1380  }
0x7: {  	s24 =	simm.s32 $0x2700;
	s5 =	sand.u32 $0x1, s0;
	s0 =	stileid.u32  }
0x8: {  	s25 =	simm.s32 $0x2780;
	[smem:$0x7FF] =	sst s4;
	s8 =	smul.u32 $0x140000, s5  }
0x9: {  	s1 =	sshll.u32 s5, $0x4;
	s9 =	smul.u32 $0x14000, s0;
	s29 =	ssub.s32 $0x2, s5  }
0xa: {  	s10 =	smul.u32 $0x50000, s0;
	s1 =	sor.u32 s0, s1;
	s31 =	sshrl.u32 s29, $0x1  }
0xb: {  	s7 =	smul.u32 $0x2800, s1;
	s1 =	rddreg [dreg:$0x3];
	_ =	strace $0x8000004D  }
0xc: {  	s28 =	sadd.s32 s9, s8;
	s30 =	sshrl.u32 s10, $0x2;
	s15 =	ssub.s32 s29, s31  }
0xd: {  	s5 =	sadd.s32 s30, s3;
	s15 =	smax.u32 s15, $0x1;
	s7 =	sshrl.u32 s7, $0x3  }
0xe: {  	s8 =	sadd.s32 $0xC000, s5;
	s13 =	sadd.s32 s7, s6;
	s7 =	sshrl.u32 s28, $0x3  }
0xf: {  	s9 =	sadd.s32 $0x10000, s5;
	s14 =	sadd.s32 s7, s6;
	s6 =	sadd.s32 $0x4000, s5  }
0x10: {  	s7 =	sadd.s32 $0x8000, s5;
	s10 =	sadd.s32 $0x2600, s13;
	s11 =	sadd.s32 $0xC600, s13  }
0x11: {  	v0 =	vimm.f32 $0.0e+00;
	s12 =	sadd.s32 $0x2880, s13;
	s13 =	sadd.s32 $0xC880, s13;
	s14 =	sadd.s32 $0x16600, s14  }
.LBB2_1:
0x12: {  	s26 =	simm.s32 $0x0;
	s28 =	simm.s32 $0x200  }
.LBB2_2:
0x13: {  	p0 =	sne.s32 s28, $0xFE00;
	[tilespmem:s26+$0x6870] =	vst v0  }
0x14: {  	[tilespmem:s26+$0x6800] =	vst v0  }
0x15: {  	[tilespmem:s26+$0x6810] =	vst v0  }
.Ltmp0:
0x16: {  	[tilespmem:s26+$0x6820] =	vst v0;
	(pc) =	sbr.rel @p0 .LBB2_2-.Ltmp0, $4  }
0x17: {  	[tilespmem:s26+$0x6830] =	vst v0  }
0x18: {  	[tilespmem:s26+$0x6840] =	vst v0  }
0x19: {  	[tilespmem:s26+$0x6850] =	vst v0  }
0x1a: {  	[tilespmem:s26+$0x6860] =	vst v0;
	s26 =	sshra.s32 s28, $0x2;
	s28 =	sadd.s32 $0x200, s28  }
0x1b: {  	[tilespmem:s26+$0x6870] =	vst v0  }
0x1c: {  	[tilespmem:s26+$0x6800] =	vst v0  }
0x1d: {  	[tilespmem:s26+$0x6810] =	vst v0  }
0x1e: {  	[tilespmem:s26+$0x6820] =	vst v0  }
0x1f: {  	[tilespmem:s26+$0x6830] =	vst v0  }
0x20: {  	[tilespmem:s26+$0x6840] =	vst v0  }
0x21: {  	[tilespmem:s26+$0x6850] =	vst v0  }
0x22: {  	[tilespmem:s26+$0x6860] =	vst v0  }
0x23: {  	[spmem:s5] =	stream.linear.scatter [tilespmem:s16], [sflag:$0x2], $0x4000, $0x38;
	[tilespmem:$0x1E800] =	vst v63  }
0x24: {  	_ = 	snop  }
0x25: {  	[spmem:s6] =	stream.linear.scatter [tilespmem:s16], [sflag:$0x2], $0x4000, $0x38;
	[tilespmem:$0x1E800] =	vst v63  }
0x26: {  	_ = 	snop  }
0x27: {  	[spmem:s7] =	stream.linear.scatter [tilespmem:s16], [sflag:$0x2], $0x4000, $0x38;
	[tilespmem:$0x1E800] =	vst v63  }
0x28: {  	_ = 	snop  }
0x29: {  	[spmem:s8] =	stream.linear.scatter [tilespmem:s16], [sflag:$0x2], $0x4000, $0x38;
	[tilespmem:$0x1E800] =	vst v63  }
0x2a: {  	_ = 	snop  }
0x2b: {  	[spmem:s9] =	stream.linear.scatter [tilespmem:s16], [sflag:$0x2], $0x4000, $0x38;
	[tilespmem:$0x1E800] =	vst v63  }
0x2c: {  	s31 =	simm.s32 $0x0  }
0x2d: {  	[tilespmem:s31], [sflag:$0x3] =	stream.linear.gather [hbm4b:s10+s31], $0x1400, $0x38;
	[tilespmem:$0x1E800] =	vst v63  }
0x2e: {  	_ =	swait.ge [sflag:s17], $0x1400  }
0x2f: {  	[sflag:s17] =	ssyncset.done $0x0  }
0x30: {  	[sflag:s17] =	ssyncadd.s32 $0xFFFFEC00  }
0x31: {  	[tilespmem:s18], [sflag:$0x3] =	stream.linear.gather [hbm4b:s11+s31], $0x1400, $0x38;
	[tilespmem:$0x1E800] =	vst v63  }
0x32: {  	_ =	swait.ge [sflag:s17], $0x1400  }
0x33: {  	[sflag:s17] =	ssyncset.done $0x0  }
0x34: {  	[sflag:s17] =	ssyncadd.s32 $0xFFFFEC00  }
0x35: {  	[tilespmem:s20], [sflag:$0x1] =	stream.indirect.gather [hbm4b:s2+s19], $0x80, s31, s19, $0xb8;
	[tilespmem:$0x1E800] =	vst v63  }
0x36: {  	_ =	swait.ge [sflag:s21], $0x4000  }
0x37: {  	[sflag:s21] =	ssyncset.done $0x0  }
0x38: {  	[sflag:s21] =	ssyncadd.s32 $0xFFFFC000  }
0x39: {  	_ =	swait.ge [sflag:s21], $0x4000  }
0x3a: {  	[sflag:s21] =	ssyncset.done $0x0  }
0x3b: {  	[sflag:s21] =	ssyncadd.s32 $0xFFFFC000  }
0x3c: {  	_ =	swait.ge [sflag:s21], $0x4000  }
0x3d: {  	[sflag:s21] =	ssyncset.done $0x0  }
0x3e: {  	[sflag:s21] =	ssyncadd.s32 $0xFFFFC000  }
0x3f: {  	_ =	swait.ge [sflag:s21], $0x4000  }
0x40: {  	[sflag:s21] =	ssyncset.done $0x0  }
0x41: {  	[sflag:s21] =	ssyncadd.s32 $0xFFFFC000  }
0x42: {  	_ =	swait.ge [sflag:s21], $0x4000  }
0x43: {  	[sflag:s21] =	ssyncset.done $0x0  }
0x44: {  	[sflag:s21] =	ssyncadd.s32 $0xFFFFC000  }
0x45: {  	[bflag:$0x0] =	sbarrier.arrive $0xFFFF  }
0x46: {  	_ =	swait.ge [sflag:s22], $0x4000  }
0x47: {  	[sflag:s22] =	ssyncset.done $0x0  }
0x48: {  	s28 =	simm.s32 $0x80;
	[sflag:s22] =	ssyncadd.s32 $0xFFFFC000  }
0x49: {  	[tilespmem:s16], [sflag:$0x2] =	stream.indirect.gather [hbm4b:s2+s19], $0x80, s28, s19, $0xb8;
	[tilespmem:$0x1E800] =	vst v63  }
0x4a: {  	s29 =	simm.s32 $0x1400  }
0x4b: {  	[spmem:s3] =	stream.indirect.scatter.add.f32 [tilespmem:s20], [sflag:$0x3], $0x80, s29, s19, $0xb8;
	[tilespmem:$0x1E800] =	vst v63  }
0x4c: {  	_ =	swait.ge [sflag:s17], $0x4000  }
0x4d: {  	[sflag:s17] =	ssyncset.done $0x0  }
0x4e: {  	[sflag:s17] =	ssyncadd.s32 $0xFFFFC000  }
0x4f: {  	_ =	swait.ge [sflag:s21], $0x4000  }
0x50: {  	[sflag:s21] =	ssyncset.done $0x0  }
0x51: {  	s30 =	simm.s32 $0x100;
	[sflag:s21] =	ssyncadd.s32 $0xFFFFC000  }
0x52: {  	[tilespmem:s20], [sflag:$0x1] =	stream.indirect.gather [hbm4b:s2+s19], $0x80, s30, s19, $0xb8;
	[tilespmem:$0x1E800] =	vst v63  }
0x53: {  	s31 =	simm.s32 $0x1480  }
0x54: {  	[spmem:s3] =	stream.indirect.scatter.add.f32 [tilespmem:s16], [sflag:$0x3], $0x80, s31, s19, $0xb8;
	[tilespmem:$0x1E800] =	vst v63  }
0x55: {  	_ =	swait.ge [sflag:s17], $0x4000  }
0x56: {  	s26 =	simm.s32 $0x400;
	[sflag:s17] =	ssyncset.done $0x0  }
.LBB2_4:
0x57: {  	p0 =	sne.s32 s26, $0x4800  }
0x58: {  	[sflag:s17] =	ssyncadd.s32 $0xFFFFC000;
	s28 =	smov.u32 s26;
	s26 =	sadd.s32 $0x400, s26  }
0x59: {  	_ = 	snop  }
0x5a: {  	_ =	swait.ge [sflag:s22], $0x4000  }
0x5b: {  	s28 =	sshra.s32 s28, $0x2;
	[sflag:s22] =	ssyncset.done $0x0  }
0x5c: {  	s29 =	sadd.s32 $0x80, s28;
	[sflag:s22] =	ssyncadd.s32 $0xFFFFC000  }
0x5d: {  	[tilespmem:s16], [sflag:$0x2] =	stream.indirect.gather [hbm4b:s2+s19], $0x80, s29, s19, $0xb8;
	[tilespmem:$0x1E800] =	vst v63  }
0x5e: {  	s29 =	sadd.s32 $0x1400, s28  }
0x5f: {  	[spmem:s3] =	stream.indirect.scatter.add.f32 [tilespmem:s20], [sflag:$0x3], $0x80, s29, s19, $0xb8;
	[tilespmem:$0x1E800] =	vst v63  }
0x60: {  	_ =	swait.ge [sflag:s17], $0x4000  }
0x61: {  	[sflag:s17] =	ssyncset.done $0x0  }
0x62: {  	[sflag:s17] =	ssyncadd.s32 $0xFFFFC000  }
0x63: {  	_ =	swait.ge [sflag:s21], $0x4000  }
0x64: {  	[sflag:s21] =	ssyncset.done $0x0  }
0x65: {  	s29 =	sadd.s32 $0x100, s28;
	[sflag:s21] =	ssyncadd.s32 $0xFFFFC000  }
0x66: {  	[tilespmem:s20], [sflag:$0x1] =	stream.indirect.gather [hbm4b:s2+s19], $0x80, s29, s19, $0xb8;
	[tilespmem:$0x1E800] =	vst v63  }
.Ltmp1:
0x67: {  	_ = 	snop;
	(pc) =	sbr.rel @p0 .LBB2_4-.Ltmp1, $4  }
0x68: {  	s28 =	sadd.s32 $0x1480, s28  }
0x69: {  	[spmem:s3] =	stream.indirect.scatter.add.f32 [tilespmem:s16], [sflag:$0x3], $0x80, s28, s19, $0xb8;
	[tilespmem:$0x1E800] =	vst v63  }
0x6a: {  	_ =	swait.ge [sflag:s17], $0x4000  }
0x6b: {  	[sflag:s17] =	ssyncset.done $0x0  }
0x6c: {  	[sflag:s17] =	ssyncadd.s32 $0xFFFFC000  }
0x6d: {  	_ =	swait.ge [sflag:s22], $0x4000  }
0x6e: {  	[sflag:s22] =	ssyncset.done $0x0  }
0x6f: {  	[sflag:s22] =	ssyncadd.s32 $0xFFFFC000  }
0x70: {  	[tilespmem:s16], [sflag:$0x2] =	stream.indirect.gather [hbm4b:s2+s19], $0x80, s23, s19, $0xb8;
	[tilespmem:$0x1E800] =	vst v63  }
0x71: {  	_ = 	snop  }
0x72: {  	[spmem:s3] =	stream.indirect.scatter.add.f32 [tilespmem:s20], [sflag:$0x3], $0x80, s24, s19, $0xb8;
	[tilespmem:$0x1E800] =	vst v63  }
0x73: {  	_ =	swait.ge [sflag:s17], $0x4000  }
0x74: {  	[sflag:s17] =	ssyncset.done $0x0  }
0x75: {  	[sflag:s17] =	ssyncadd.s32 $0xFFFFC000  }
0x76: {  	_ =	swait.ge [sflag:s21], $0x4000  }
0x77: {  	[sflag:s21] =	ssyncset.done $0x0  }
0x78: {  	[sflag:s21] =	ssyncadd.s32 $0xFFFFC000  }
0x79: {  	[spmem:s3] =	stream.indirect.scatter.add.f32 [tilespmem:s16], [sflag:$0x3], $0x80, s25, s19, $0xb8;
	[tilespmem:$0x1E800] =	vst v63  }
0x7a: {  	_ =	swait.ge [sflag:s17], $0x4000  }
0x7b: {  	[sflag:s17] =	ssyncset.done $0x0  }
0x7c: {  	s26 =	simm.s32 $0x0;
	[sflag:s17] =	ssyncadd.s32 $0xFFFFC000  }
0x7d: {  	[tilespmem:s26], [sflag:$0x3] =	stream.linear.gather [hbm4b:s12+s26], $0x1400, $0x38;
	[tilespmem:$0x1E800] =	vst v63  }
0x7e: {  	_ =	swait.ge [sflag:s17], $0x1400  }
0x7f: {  	[sflag:s17] =	ssyncset.done $0x0  }
0x80: {  	[sflag:s17] =	ssyncadd.s32 $0xFFFFEC00  }
0x81: {  	[tilespmem:s18], [sflag:$0x3] =	stream.linear.gather [hbm4b:s13+s26], $0x1400, $0x38;
	[tilespmem:$0x1E800] =	vst v63  }
0x82: {  	_ =	swait.ge [sflag:s17], $0x1400  }
0x83: {  	[sflag:s17] =	ssyncset.done $0x0  }
0x84: {  	[sflag:s17] =	ssyncadd.s32 $0xFFFFEC00  }
0x85: {  	[tilespmem:s20], [sflag:$0x1] =	stream.indirect.gather [hbm4b:s2+s19], $0x80, s26, s19, $0xb8;
	[tilespmem:$0x1E800] =	vst v63  }
0x86: {  	_ =	swait.ge [sflag:s22], $0x4000  }
0x87: {  	[sflag:s22] =	ssyncset.done $0x0  }
0x88: {  	s28 =	simm.s32 $0x80;
	[sflag:s22] =	ssyncadd.s32 $0xFFFFC000  }
0x89: {  	[tilespmem:s16], [sflag:$0x2] =	stream.indirect.gather [hbm4b:s2+s19], $0x80, s28, s19, $0xb8;
	[tilespmem:$0x1E800] =	vst v63  }
0x8a: {  	s29 =	simm.s32 $0x1400  }
0x8b: {  	[spmem:s3] =	stream.indirect.scatter.add.f32 [tilespmem:s20], [sflag:$0x3], $0x80, s29, s19, $0xb8;
	[tilespmem:$0x1E800] =	vst v63  }
0x8c: {  	_ =	swait.ge [sflag:s17], $0x4000  }
0x8d: {  	[sflag:s17] =	ssyncset.done $0x0  }
0x8e: {  	[sflag:s17] =	ssyncadd.s32 $0xFFFFC000  }
0x8f: {  	_ =	swait.ge [sflag:s21], $0x4000  }
0x90: {  	[sflag:s21] =	ssyncset.done $0x0  }
0x91: {  	s30 =	simm.s32 $0x100;
	[sflag:s21] =	ssyncadd.s32 $0xFFFFC000  }
0x92: {  	[tilespmem:s20], [sflag:$0x1] =	stream.indirect.gather [hbm4b:s2+s19], $0x80, s30, s19, $0xb8;
	[tilespmem:$0x1E800] =	vst v63  }
0x93: {  	s31 =	simm.s32 $0x1480  }
0x94: {  	[spmem:s3] =	stream.indirect.scatter.add.f32 [tilespmem:s16], [sflag:$0x3], $0x80, s31, s19, $0xb8;
	[tilespmem:$0x1E800] =	vst v63  }
0x95: {  	_ =	swait.ge [sflag:s17], $0x4000  }
0x96: {  	s26 =	simm.s32 $0x400;
	[sflag:s17] =	ssyncset.done $0x0  }
.LBB2_6:
0x97: {  	p0 =	sne.s32 s26, $0x4800  }
0x98: {  	[sflag:s17] =	ssyncadd.s32 $0xFFFFC000;
	s28 =	smov.u32 s26;
	s26 =	sadd.s32 $0x400, s26  }
0x99: {  	_ = 	snop  }
0x9a: {  	_ =	swait.ge [sflag:s22], $0x4000  }
0x9b: {  	s28 =	sshra.s32 s28, $0x2;
	[sflag:s22] =	ssyncset.done $0x0  }
0x9c: {  	s29 =	sadd.s32 $0x80, s28;
	[sflag:s22] =	ssyncadd.s32 $0xFFFFC000  }
0x9d: {  	[tilespmem:s16], [sflag:$0x2] =	stream.indirect.gather [hbm4b:s2+s19], $0x80, s29, s19, $0xb8;
	[tilespmem:$0x1E800] =	vst v63  }
0x9e: {  	s29 =	sadd.s32 $0x1400, s28  }
0x9f: {  	[spmem:s3] =	stream.indirect.scatter.add.f32 [tilespmem:s20], [sflag:$0x3], $0x80, s29, s19, $0xb8;
	[tilespmem:$0x1E800] =	vst v63  }
0xa0: {  	_ =	swait.ge [sflag:s17], $0x4000  }
0xa1: {  	[sflag:s17] =	ssyncset.done $0x0  }
0xa2: {  	[sflag:s17] =	ssyncadd.s32 $0xFFFFC000  }
0xa3: {  	_ =	swait.ge [sflag:s21], $0x4000  }
0xa4: {  	[sflag:s21] =	ssyncset.done $0x0  }
0xa5: {  	s29 =	sadd.s32 $0x100, s28;
	[sflag:s21] =	ssyncadd.s32 $0xFFFFC000  }
0xa6: {  	[tilespmem:s20], [sflag:$0x1] =	stream.indirect.gather [hbm4b:s2+s19], $0x80, s29, s19, $0xb8;
	[tilespmem:$0x1E800] =	vst v63  }
.Ltmp2:
0xa7: {  	_ = 	snop;
	(pc) =	sbr.rel @p0 .LBB2_6-.Ltmp2, $4  }
0xa8: {  	s28 =	sadd.s32 $0x1480, s28  }
0xa9: {  	[spmem:s3] =	stream.indirect.scatter.add.f32 [tilespmem:s16], [sflag:$0x3], $0x80, s28, s19, $0xb8;
	[tilespmem:$0x1E800] =	vst v63  }
0xaa: {  	_ =	swait.ge [sflag:s17], $0x4000  }
0xab: {  	[sflag:s17] =	ssyncset.done $0x0  }
0xac: {  	[sflag:s17] =	ssyncadd.s32 $0xFFFFC000  }
0xad: {  	_ =	swait.ge [sflag:s22], $0x4000  }
0xae: {  	[sflag:s22] =	ssyncset.done $0x0  }
0xaf: {  	[sflag:s22] =	ssyncadd.s32 $0xFFFFC000  }
0xb0: {  	[tilespmem:s16], [sflag:$0x2] =	stream.indirect.gather [hbm4b:s2+s19], $0x80, s23, s19, $0xb8;
	[tilespmem:$0x1E800] =	vst v63  }
0xb1: {  	_ = 	snop  }
0xb2: {  	[spmem:s3] =	stream.indirect.scatter.add.f32 [tilespmem:s20], [sflag:$0x3], $0x80, s24, s19, $0xb8;
	[tilespmem:$0x1E800] =	vst v63  }
0xb3: {  	_ =	swait.ge [sflag:s17], $0x4000  }
0xb4: {  	[sflag:s17] =	ssyncset.done $0x0  }
0xb5: {  	[sflag:s17] =	ssyncadd.s32 $0xFFFFC000  }
0xb6: {  	_ =	swait.ge [sflag:s21], $0x4000  }
0xb7: {  	[sflag:s21] =	ssyncset.done $0x0  }
0xb8: {  	[sflag:s21] =	ssyncadd.s32 $0xFFFFC000  }
0xb9: {  	[spmem:s3] =	stream.indirect.scatter.add.f32 [tilespmem:s16], [sflag:$0x3], $0x80, s25, s19, $0xb8;
	[tilespmem:$0x1E800] =	vst v63  }
0xba: {  	_ =	swait.ge [sflag:s17], $0x4000  }
0xbb: {  	s26 =	sshll.u32 s0, $0x6;
	s4 =	sadd.s32 $0x1, s4;
	[sflag:s17] =	ssyncset.done $0x0  }
0xbc: {  	s28 =	sshrl.u32 s5, $0x3;
	p0 =	sne.s32 s4, s15;
	[sflag:s17] =	ssyncadd.s32 $0xFFFFC000  }
.Ltmp3:
0xbd: {  	s26 =	sor.u32 $0x1C03, s26;
	[bflag:$0x0] =	sbarrier.arrive $0xFFFF;
	(pc) =	sbr.rel @p0 .LBB2_1-.Ltmp3, $4  }
0xbe: {  	[hbm:s14], [sflag:s26] =	dma.local [spmem:s28], $0x2800  }
0xbf: {  	_ =	swait.ge [sflag:s17], $0x2800  }
0xc0: {  	[sflag:s17] =	ssyncset.done $0x0  }
0xc1: {  	[sflag:s17] =	ssyncadd.s32 $0xFFFFD800  }
0xc2: {  	_ =	sfence.sel $0x180000  }
0xc3: {  	[bflag:$0x0] =	sbarrier.arrive $0xFFFF  }
0xc4: {  	p0 =	sne.s32 s0, $0x0;
	_ =	strace $0x9000004D  }
0xc5: {  	s0 =	sadd.s32 @!p0 $0x100000, s1;
	[bflag:$0x2] =	sbarrier.arrive $0xFFFF  }
0xc6: {  	[sflag:s0] =	ssyncadd.tile.s32 @!p0 $0x1;
	_ =	shalt  }
.Lfunc_end2:
_tile_overlayer_lowered:
.L_overlay_start_2:
0xc7: {  	(tag) =	ssettag $0x2  }
0xc8: {  	s0 =	rddreg [dreg:$0x0];
	s2 =	stileid.u32  }
0xc9: {  	s1 =	rddreg [dreg:$0x1];
	p0 =	sne.s32 s2, $0x0  }
0xca: {  	s3 =	rddreg [dreg:$0x2];
	[bflag:$0x3] =	sbarrier.arrive $0xFFFF;
	s2 =	simm.s32 @!p0 $0x1C03  }
0xcb: {  	[timem:s3], [sflag:s2] =	dma.local @!p0 [hbm:s0], s1  }
0xcc: {  	s0 =	simm.s32 @!p0 $0x3  }
0xcd: {  	_ =	swait.ge @!p0 [sflag:s0], s1  }
0xce: {  	s1 =	ssub.s32 @!p0 $0x0, s1;
	[sflag:s0] =	ssyncset.done @!p0 $0x0  }
0xcf: {  	[sflag:s0] =	ssyncadd.s32 @!p0 s1  }
0xd0: {  	[bflag:$0x3] =	sbarrier.arrive $0xFFFF  }
0xd1: {  	_ =	shalt  }

// kernel: kernel.8.cloned.1.call-start
scs
__scs_entry_jumppad:
0x0: {  	(pc) =	sbr.rel $0x88, $3  }
0x1: {  	(tag) =	ssettag $0x0;
	lr =	simm.s32 $0x1  }
0x2: {  	[smem:$0x3F9B] =	sst lr;
	_ =	strace $0xD0000000  }
0x3: {  	_ = 	snop  }
0x4: {  	_ = 	snop  }
0x5: {  	_ = 	snop  }
0x6: {  	_ = 	snop  }
0x7: {  	_ = 	snop  }
__scs_overlays_trampoline_lowered:
0x8: {  	[smem:$0x3FAA] =	sst s0  }
0x9: {  	[smem:$0x3FAB] =	sst s1  }
0xa: {  	[smem:$0x3FAC] =	sst s2  }
0xb: {  	[smem:$0x3FAD] =	sst s3  }
0xc: {  	[smem:$0x3FAE] =	sst s4  }
0xd: {  	[smem:$0x3FAF] =	sst s5  }
0xe: {  	[smem:$0x3FB0] =	sst s6  }
0xf: {  	[smem:$0x3FB1] =	sst s7  }
0x10: {  	[smem:$0x3FB2] =	sst s8  }
0x11: {  	[smem:$0x3FB3] =	sst s9;
	s0 =	simm.s32 @!p0 $0x0  }
0x12: {  	s1 =	sld [smem:$0x3F99];
	s0 =	simm.s32 @p0 $0x1  }
0x13: {  	[smem:$0x3FB4] =	sst s0;
	s0 =	simm.s32 @!p1 $0x0  }
0x14: {  	s2 =	sld [smem:$0x3F98];
	s0 =	simm.s32 @p1 $0x1  }
0x15: {  	[smem:$0x3FB5] =	sst s0;
	s0 =	simm.s32 @!p2 $0x0  }
0x16: {  	s3 =	sld [smem:$0x3FDB];
	s0 =	simm.s32 @p2 $0x1  }
0x17: {  	s4 =	simm.s32 $0x1BF5;
	[smem:$0x3FB7] =	sst s0  }
0x18: {  	s0 =	sld [smem:$0x3F9A];
	_ =	swait.ge [sflag:s4], $0x0  }
0x19: {  	s7 =	sld [smem:$0x3F9B]  }
0x1a: {  	s8 =	sadd.s32 $0xFFFFE003, lr  }
0x1b: {  	s9 =	sadd.s32 $0xFFFFFEF7, lr;
	s5 =	simm.s32 $0xFFFFFFFF;
	p2 =	slt.u32 s8, $0xFFFFF086  }
0x1c: {  	p1 =	slt.u32 s9, $0xF7A;
	s5 =	simm.s32 @!p2 $0x0  }
0x1d: {  	s5 =	simm.s32 @p1 $0x1;
	p0 =	seq.s32 s7, s2  }
0x1e: {  	s7 =	smul.u32 @!p0 $0xF7A, s2;
	p2 =	seq.s32 @!p0 s5, $0x0  }
0x1f: {  	s9 =	smul.u32 $0xF7A, s1;
	s8 =	simm.s32 @!p0 $0x1BF5;
	p2 =	por !p2, p0  }
0x20: {  	[sflag:s8] =	ssyncset.s32 @!p0 $0xFFFFF086;
	s6 =	sadd.s32 @!p0 s3, s7;
	s7 =	simm.s32 @!p0 $0x108  }
0x21: {  	s3 =	sadd.s32 s3, s9;
	s6 =	sadd.s32 @!p0 $0x88, s6;
	s7 =	simm.s32 @p2 $0x1082  }
0x22: {  	[simem:s7], [sflag:s8] =	dma.local @!p0 [hbm:s6], $0xF7A  }
0x23: {  	s9 =	sor.u32 $0xD0000000, s2;
	s6 =	simm.s32 $0x108;
	_ =	swait.ge @!p0 [sflag:s8], $0x0  }
0x24: {  	s3 =	sadd.s32 $0x88, s3;
	s6 =	simm.s32 @!p1 $0x1082;
	[sflag:s4] =	ssyncset.s32 $0xFFFFF086  }
0x25: {  	[simem:s6], [sflag:s4] =	dma.local [hbm:s3], $0xF7A  }
0x26: {  	[smem:$0x3F9B] =	sst s1;
	(tag) =	ssettag s2;
	_ =	strace s9  }
0x27: {  	s1 =	sld [smem:$0x3FAB]  }
0x28: {  	s2 =	sld [smem:$0x3FAC]  }
0x29: {  	s4 =	sld [smem:$0x3FAE]  }
0x2a: {  	p0 =	seq.s32 s5, $0x0;
	s5 =	sld [smem:$0x3FAF]  }
0x2b: {  	s6 =	sld [smem:$0x3FB0]  }
0x2c: {  	s7 =	sld [smem:$0x3FB1]  }
0x2d: {  	s3 =	simm.s32 $0x108;
	s8 =	sld [smem:$0x3FB2]  }
0x2e: {  	s3 =	simm.s32 @!p0 $0x1082;
	s9 =	sld [smem:$0x3FB3]  }
0x2f: {  	lr =	sadd.s32 s0, s3;
	s0 =	sld [smem:$0x3FAA]  }
0x30: {  	s3 =	sld [smem:$0x3FAD]  }
0x31: {  	[smem:$0x3FB6] =	sst s10  }
0x32: {  	s10 =	sld [smem:$0x3FB4];
	_ =	sdelay $0x3  }
0x33: {  	p0 =	seq.s32 s10, $0x1;
	s10 =	sld [smem:$0x3FB6];
	_ =	sdelay $0x3  }
0x34: {  	[smem:$0x3FB6] =	sst s10  }
0x35: {  	s10 =	sld [smem:$0x3FB5];
	_ =	sdelay $0x3  }
0x36: {  	p1 =	seq.s32 s10, $0x1;
	s10 =	sld [smem:$0x3FB6];
	_ =	sdelay $0x3  }
0x37: {  	[smem:$0x3FB6] =	sst s10  }
0x38: {  	s10 =	sld [smem:$0x3FB7]  }
0x39: {  	_ = 	snop;
	(pc) =	sbr.ind lr, $3  }
0x3a: {  	_ = 	snop  }
0x3b: {  	_ = 	snop  }
0x3c: {  	p2 =	seq.s32 s10, $0x1;
	s10 =	sld [smem:$0x3FB6]  }
0x3d: {  	_ =	shalt  }
0x3e: {  	_ =	shalt  }
0x3f: {  	_ =	shalt  }
0x40: {  	_ =	shalt  }
0x41: {  	_ =	shalt  }
0x42: {  	_ =	shalt  }
0x43: {  	_ =	shalt  }
0x44: {  	_ =	shalt  }
0x45: {  	_ =	shalt  }
0x46: {  	_ =	shalt  }
0x47: {  	_ =	shalt  }
0x48: {  	_ =	shalt  }
0x49: {  	_ =	shalt  }
0x4a: {  	_ =	shalt  }
0x4b: {  	_ =	shalt  }
0x4c: {  	_ =	shalt  }
0x4d: {  	_ =	shalt  }
0x4e: {  	_ =	shalt  }
0x4f: {  	_ =	shalt  }
0x50: {  	_ =	shalt  }
0x51: {  	_ =	shalt  }
0x52: {  	_ =	shalt  }
0x53: {  	_ =	shalt  }
0x54: {  	_ =	shalt  }
0x55: {  	_ =	shalt  }
0x56: {  	_ =	shalt  }
0x57: {  	_ =	shalt  }
0x58: {  	_ =	shalt  }
0x59: {  	_ =	shalt  }
0x5a: {  	_ =	shalt  }
0x5b: {  	_ =	shalt  }
0x5c: {  	_ =	shalt  }
0x5d: {  	_ =	shalt  }
0x5e: {  	_ =	shalt  }
0x5f: {  	_ =	shalt  }
0x60: {  	_ =	shalt  }
0x61: {  	_ =	shalt  }
0x62: {  	_ =	shalt  }
0x63: {  	_ =	shalt  }
0x64: {  	_ =	shalt  }
0x65: {  	_ =	shalt  }
0x66: {  	_ =	shalt  }
0x67: {  	_ =	shalt  }
0x68: {  	_ =	shalt  }
0x69: {  	_ =	shalt  }
0x6a: {  	_ =	shalt  }
0x6b: {  	_ =	shalt  }
0x6c: {  	_ =	shalt  }
0x6d: {  	_ =	shalt  }
0x6e: {  	_ =	shalt  }
0x6f: {  	_ =	shalt  }
0x70: {  	_ =	shalt  }
0x71: {  	_ =	shalt  }
0x72: {  	_ =	shalt  }
0x73: {  	_ =	shalt  }
0x74: {  	_ =	shalt  }
0x75: {  	_ =	shalt  }
0x76: {  	_ =	shalt  }
0x77: {  	_ =	shalt  }
0x78: {  	_ =	shalt  }
0x79: {  	_ =	shalt  }
0x7a: {  	_ =	shalt  }
0x7b: {  	_ =	shalt  }
0x7c: {  	_ =	shalt  }
0x7d: {  	_ =	shalt  }
0x7e: {  	_ =	shalt  }
0x7f: {  	_ =	shalt  }
0x80: {  	_ =	shalt  }
0x81: {  	_ =	shalt  }
0x82: {  	_ =	shalt  }
0x83: {  	_ =	shalt  }
0x84: {  	_ =	shalt  }
0x85: {  	_ =	shalt  }
0x86: {  	_ =	shalt  }
0x87: {  	_ =	shalt  }
.Lfunc_end0:
.L_simem_size_0:
called_computation_lowered:
.L_overlay_start_0:
0x88: {  	s2 =	sld [smem:$0x3FD9]  }
0x89: {  	s3 =	sld [smem:$0x3FFE];
	_ =	sdelay $0x1  }
0x8a: {  	s1 =	srdreg.scid  }
0x8b: {  	s0 =	sand.u32 $0x1, s1  }
0x8c: {  	s17 =	sshll.u32 s0, $0xA;
	s2 =	sadd.s32 s3, s2  }
0x8d: {  	s2 =	sadd.s32 s2, s17  }
0x8e: {  	[smem:$0x3FC2] =	sst s2  }
0x8f: {  	_ = 	snop  }
0x90: {  	s2 =	sld [smem:$0x3FD0];
	(tm) =	ssettm $0x1  }
0x91: {  	s18 =	sld [smem:$0x3FFB];
	_ =	sdelay $0x3  }
0x92: {  	_ =	strace s18  }
0x93: {  	s3 =	sld [smem:$0x3FFC];
	_ =	sdelay $0x3  }
0x94: {  	_ =	strace s3  }
0x95: {  	s3 =	sld [smem:$0x3FFD];
	_ =	sdelay $0x3  }
0x96: {  	_ =	strace s3  }
0x97: {  	_ =	strace $0x8FFFFFFF  }
0x98: {  	s19 =	sld [smem:$0x3FDB];
	_ =	sdelay $0x1  }
0x99: {  	s4 =	simm.s32 $_scs_section_size  }
0x9a: {  	s5 =	simm.s32 $_size__tile_overlayer_lowered;
	s6 =	simm.s32 $_tile_overlayer_lowered  }
0x9b: {  	s22 =	simm.s32 $0x1BFF;
	s21 =	sshll.u32 s6, $0x1;
	s3 =	sadd.s32 s4, s19  }
0x9c: {  	s7 =	simm.s32 $0x0;
	s20 =	sshll.u32 s5, $0x1;
	s5 =	sadd.s32 s21, s3  }
0x9d: {  	[timem:s7], [sflag:s22] =	dma.local [hbm:s5], s20  }
0x9e: {  	_ =	swait.ge [sflag:s22], s20  }
0x9f: {  	s4 =	ssub.s32 $0x0, s20;
	[sflag:s22] =	ssyncset.done $0x0  }
0xa0: {  	[sflag:s22] =	ssyncadd.s32 s4;
	_ =	sdelay $0x1  }
0xa1: {  	s23 =	simm.s32 $0x1B8B  }
0xa2: {  	_ =	swait.ge [sflag:s23], $0x1  }
0xa3: {  	[sflag:s23] =	ssyncset.done $0x0  }
0xa4: {  	s25 =	simm.s32 $0x1B8E;
	s24 =	sld [smem:$0x3FFE];
	[sflag:s23] =	ssyncadd.s32 $0xFFFFFFFF  }
0xa5: {  	s26 =	simm.s32 $execute0_lowered;
	[smem:$0x3FD2] =	sst s25  }
0xa6: {  	s5 =	sshll.u32 s26, $0x1;
	_ =	strace $0x80000046;
	[dreg:$0x1] =	wrdreg $0xFFFFFFFF  }
0xa7: {  	s28 =	simm.s32 $_size_execute0_lowered;
	s3 =	sadd.s32 s3, s5;
	[dreg:$0x0] =	wrdreg $0x0  }
0xa8: {  	s5 =	sshll.u32 s28, $0x1;
	[dreg:$0x2] =	wrdreg s3  }
0xa9: {  	[dreg:$0x3] =	wrdreg s5  }
0xaa: {  	[dreg:$0x4] =	wrdreg $0xC0  }
0xab: {  	_ =	task [dreg:s7], $0x5FFFF  }
0xac: {  	[dreg:$0x1] =	wrdreg $0xFFFFFFFF  }
0xad: {  	[dreg:$0x0] =	wrdreg $0x60  }
0xae: {  	[dreg:$0x2] =	wrdreg s24  }
0xaf: {  	[dreg:$0x3] =	wrdreg s2  }
0xb0: {  	[dreg:$0x4] =	wrdreg $0x53000  }
0xb1: {  	[dreg:$0x5] =	wrdreg $0x9  }
0xb2: {  	_ =	task.clear_ibuf [dreg:s7], $0x6FFFF;
	_ =	strace $0x90000046  }
0xb3: {  	s29 =	simm.s32 $0x9;
	_ =	strace $0x80000048  }
0xb4: {  	_ =	swait.ge [sflag:s29], $0x1  }
0xb5: {  	[sflag:s29] =	ssyncadd.s32 $0xFFFFFFFF  }
0xb6: {  	_ =	strace $0x90000048  }
0xb7: {  	_ =	sfence  }
0xb8: {  	s30 =	sld [smem:$0x0];
	_ =	sdelay $0x2  }
0xb9: {  	s31 =	sshll.u32 s1, $0xD;
	s1 =	sshrl.u32 s1, $0x2  }
0xba: {  	s3 =	sand.u32 $0x4000, s31;
	s1 =	sadd.s32 s1, s30  }
0xbb: {  	s0 =	sor.u32 s3, s0;
	s1 =	sshll.u32 s1, $0x11  }
0xbc: {  	s0 =	sor.u32 s1, s0  }
0xbd: {  	s0 =	sadd.s32 $0x8F2B, s0  }
0xbe: {  	[sflag:s0] =	ssyncadd.remote.s32 $0x1  }
0xbf: {  	_ =	sfence.sel $0xFFFF  }
0xc0: {  	[dreg:$0x0] =	wrdreg $0xFFFFFFFF;
	(pc) =	sbr.abs _section_cstart, $3  }
0xc1: {  	[dreg:$0x1] =	wrdreg $0xFFFFFFFF  }
0xc2: {  	_ =	task.clear_ibuf [dreg:s7], $0x2FFFF;
	_ =	strace $0x9FFFFFFF  }
0xc3: {  	(tm) =	ssettm $0x7FFFFFFF  }
tec
execute0_lowered:
.L_overlay_start_1:
0x0: {  	(tag) =	ssettag $0x1  }
0x1: {  	s4 =	rddreg [dreg:$0x0]  }
0x2: {  	s7 =	rddreg [dreg:$0x1];
	s0 =	srdreg.scid  }
0x3: {  	s2 =	rddreg [dreg:$0x2];
	s1 =	stileid.u32  }
0x4: {  	s3 =	simm.s32 $0x0;
	s13 =	simm.s32 $0x1;
	s14 =	simm.s32 $0x20  }
0x5: {  	s15 =	simm.s32 $0x10;
	s16 =	simm.s32 $0x0;
	s8 =	smul.u32 $0x5000, s1  }
0x6: {  	s5 =	sand.u32 $0x1, s0;
	s0 =	rddreg [dreg:$0x3];
	s28 =	smul.u32 $0xA00, s1  }
0x7: {  	[smem:$0x7FF] =	sst s3;
	s10 =	smul.u32 $0x500, s1;
	s11 =	sshll.u32 s1, $0x6  }
0x8: {  	s6 =	smul.u32 $0x50000, s5;
	_ =	strace $0x80000047;
	s9 =	ssub.s32 $0x2, s5  }
0x9: {  	s5 =	sshll.u32 s5, $0x7;
	s11 =	sor.u32 $0x1C02, s11;
	s29 =	sshrl.u32 s9, $0x1  }
0xa: {  	s30 =	sshrl.u32 s28, $0x2;
	s31 =	sor.u32 s5, s10;
	s5 =	smul.u32 $0xA0, s1  }
0xb: {  	s10 =	simm.s32 $0x2;
	s6 =	sadd.s32 s8, s6;
	s8 =	sshrl.u32 s31, $0x3  }
0xc: {  	s9 =	ssub.s32 s9, s29;
	s6 =	sshrl.u32 s6, $0x3;
	s7 =	sadd.s32 s7, s8  }
0xd: {  	s8 =	smax.u32 s9, $0x1;
	s6 =	sadd.s32 s6, s4;
	s4 =	sadd.s32 s30, s2  }
0xe: {  	v0 =	vimm.f32 $0.0e+00;
	v1 =	vimm.f32 $1.000000000e+00;
	s9 =	simm.s32 $0x5080;
	s6 =	sadd.s32 $0x2600, s6;
	s12 =	sshrl.u32 s4, $0x3  }
.LBB2_1:
0xf: {  	[tilespmem:$0x5080] =	vst v0  }
0x10: {  	[tilespmem:$0x5090] =	vst v0  }
0x11: {  	[tilespmem:$0x50A0] =	vst v0  }
0x12: {  	[tilespmem:$0x50B0] =	vst v0  }
0x13: {  	[tilespmem:$0x50C0] =	vst v0  }
0x14: {  	[tilespmem:$0x50D0] =	vst v0  }
0x15: {  	[tilespmem:$0x50E0] =	vst v0  }
0x16: {  	[tilespmem:$0x50F0] =	vst v0  }
0x17: {  	[tilespmem:$0x5100] =	vst v0  }
0x18: {  	[tilespmem:$0x5110] =	vst v0  }
0x19: {  	[tilespmem:$0x5120] =	vst v0  }
0x1a: {  	[tilespmem:$0x5130] =	vst v0  }
0x1b: {  	[tilespmem:$0x5140] =	vst v0  }
0x1c: {  	[tilespmem:$0x5150] =	vst v0  }
0x1d: {  	[tilespmem:$0x5160] =	vst v0  }
0x1e: {  	[tilespmem:$0x5170] =	vst v0  }
0x1f: {  	[tilespmem:$0x5180] =	vst v0  }
0x20: {  	[tilespmem:$0x5190] =	vst v0  }
0x21: {  	[tilespmem:$0x51A0] =	vst v0  }
0x22: {  	[tilespmem:$0x51B0] =	vst v0  }
0x23: {  	[tilespmem:$0x51C0] =	vst v0  }
0x24: {  	[tilespmem:$0x51D0] =	vst v0  }
0x25: {  	[tilespmem:$0x51E0] =	vst v0  }
0x26: {  	[tilespmem:$0x51F0] =	vst v0  }
0x27: {  	[tilespmem:$0x5200] =	vst v0  }
0x28: {  	[tilespmem:$0x5210] =	vst v0  }
0x29: {  	[tilespmem:$0x5220] =	vst v0  }
0x2a: {  	[tilespmem:$0x5230] =	vst v0  }
0x2b: {  	[tilespmem:$0x5240] =	vst v0  }
0x2c: {  	[tilespmem:$0x5250] =	vst v0  }
0x2d: {  	[tilespmem:$0x5260] =	vst v0  }
0x2e: {  	[tilespmem:$0x5270] =	vst v0  }
0x2f: {  	[tilespmem:$0x5280] =	vst v0  }
0x30: {  	[tilespmem:$0x5290] =	vst v0  }
0x31: {  	[tilespmem:$0x52A0] =	vst v0  }
0x32: {  	[tilespmem:$0x52B0] =	vst v0  }
0x33: {  	[tilespmem:$0x52C0] =	vst v0  }
0x34: {  	[tilespmem:$0x52D0] =	vst v0  }
0x35: {  	[tilespmem:$0x52E0] =	vst v0  }
0x36: {  	[tilespmem:$0x52F0] =	vst v0  }
0x37: {  	[tilespmem:$0x5000] =	vst v1  }
0x38: {  	[tilespmem:$0x5010] =	vst v1  }
0x39: {  	[tilespmem:$0x5020] =	vst v1  }
0x3a: {  	[tilespmem:$0x5030] =	vst v1  }
0x3b: {  	[tilespmem:$0x5040] =	vst v1  }
0x3c: {  	[tilespmem:$0x5050] =	vst v1  }
0x3d: {  	[tilespmem:$0x5060] =	vst v1  }
0x3e: {  	[tilespmem:$0x5070] =	vst v1  }
0x3f: {  	[spmem:s4] =	stream.linear.scatter [tilespmem:s9], [sflag:$0x2], $0x280, $0x38;
	[tilespmem:$0x5580] =	vst v63  }
0x40: {  	_ =	swait.ge [sflag:s10], $0x280  }
0x41: {  	[sflag:s10] =	ssyncset.done $0x0  }
0x42: {  	[sflag:s10] =	ssyncadd.s32 $0xFFFFFD80  }
0x43: {  	[tilespmem:s3], [sflag:$0x2] =	stream.linear.gather [hbm4b:s6+s3], $0x5000, $0x38;
	[tilespmem:$0x5580] =	vst v63  }
0x44: {  	_ =	swait.ge [sflag:s10], $0x5000  }
0x45: {  	p1 =	sgt.u32 s5, $0x9C3;
	[sflag:s10] =	ssyncset.done $0x0  }
0x46: {  	s17 =	simm.s32 @!p1 $0x0;
	[sflag:s10] =	ssyncadd.s32 $0xFFFFB000  }
0x47: {  	s18 =	simm.s32 @!p1 $0x80;
	s19 =	simm.s32 @!p1 $0x5000;
	[bflag:$0x0] =	sbarrier.arrive $0xFFFF  }
0x48: {  	[spmem:s2] =	stream.indirect.scatter.add.f32 @!p1 [tilespmem:s19], [sflag:$0x1], $0x1, s17, s18, $0xb8;
	[tilespmem:$0x5580] =	vst v63  }
0x49: {  	s17 =	simm.s32 @!p1 $0x80  }
0x4a: {  	[spmem:s2] =	stream.indirect.scatter.add.f32 @!p1 [tilespmem:s19], [sflag:$0x1], $0x1, s17, s18, $0xb8;
	[tilespmem:$0x5580] =	vst v63  }
0x4b: {  	p0 =	sgt.u32 @!p1 s5, $0x9BF;
	s17 =	simm.s32 @!p1 $0x100  }
0x4c: {  	[spmem:s2] =	stream.indirect.scatter.add.f32 @!p1 [tilespmem:s19], [sflag:$0x1], $0x1, s17, s18, $0xb8;
	[tilespmem:$0x5580] =	vst v63  }
0x4d: {  	p0 =	por p0, p1;
	s17 =	simm.s32 @!p1 $0x180  }
0x4e: {  	[spmem:s2] =	stream.indirect.scatter.add.f32 @!p1 [tilespmem:s19], [sflag:$0x1], $0x1, s17, s18, $0xb8;
	[tilespmem:$0x5580] =	vst v63  }
0x4f: {  	s17 =	simm.s32 @!p0 $0x5000;
	s18 =	simm.s32 @!p0 $0x200;
	s19 =	simm.s32 @!p0 $0x80  }
0x50: {  	[spmem:s2] =	stream.indirect.scatter.add.f32 @!p0 [tilespmem:s17], [sflag:$0x1], $0x1, s18, s19, $0xb8;
	[tilespmem:$0x5580] =	vst v63  }
0x51: {  	s18 =	simm.s32 @!p0 $0x280  }
0x52: {  	[spmem:s2] =	stream.indirect.scatter.add.f32 @!p0 [tilespmem:s17], [sflag:$0x1], $0x1, s18, s19, $0xb8;
	[tilespmem:$0x5580] =	vst v63  }
0x53: {  	s18 =	simm.s32 @!p0 $0x300  }
0x54: {  	[spmem:s2] =	stream.indirect.scatter.add.f32 @!p0 [tilespmem:s17], [sflag:$0x1], $0x1, s18, s19, $0xb8;
	[tilespmem:$0x5580] =	vst v63  }
0x55: {  	s20 =	simm.s32 @!p1 $0x1;
	s18 =	simm.s32 @!p0 $0x380  }
0x56: {  	[spmem:s2] =	stream.indirect.scatter.add.f32 @!p0 [tilespmem:s17], [sflag:$0x1], $0x1, s18, s19, $0xb8;
	[tilespmem:$0x5580] =	vst v63  }
0x57: {  	_ =	swait.ge @!p1 [sflag:s20], $0x80  }
0x58: {  	[sflag:s20] =	ssyncset.done @!p1 $0x0  }
0x59: {  	[sflag:s20] =	ssyncadd.s32 @!p1 $0xFFFFFF80  }
0x5a: {  	_ =	swait.ge @!p1 [sflag:s20], $0x80  }
0x5b: {  	[sflag:s20] =	ssyncset.done @!p1 $0x0  }
0x5c: {  	[sflag:s20] =	ssyncadd.s32 @!p1 $0xFFFFFF80  }
0x5d: {  	_ =	swait.ge @!p1 [sflag:s20], $0x80  }
0x5e: {  	[sflag:s20] =	ssyncset.done @!p1 $0x0  }
0x5f: {  	[sflag:s20] =	ssyncadd.s32 @!p1 $0xFFFFFF80  }
0x60: {  	_ =	swait.ge @!p1 [sflag:s20], $0x80  }
0x61: {  	[sflag:s20] =	ssyncset.done @!p1 $0x0  }
0x62: {  	[sflag:s20] =	ssyncadd.s32 @!p1 $0xFFFFFF80;
	s20 =	simm.s32 @!p0 $0x1  }
0x63: {  	_ =	swait.ge @!p0 [sflag:s20], $0x80  }
0x64: {  	[sflag:s20] =	ssyncset.done @!p0 $0x0  }
0x65: {  	[sflag:s20] =	ssyncadd.s32 @!p0 $0xFFFFFF80  }
0x66: {  	_ =	swait.ge @!p0 [sflag:s20], $0x80  }
0x67: {  	[sflag:s20] =	ssyncset.done @!p0 $0x0  }
0x68: {  	[sflag:s20] =	ssyncadd.s32 @!p0 $0xFFFFFF80  }
0x69: {  	_ =	swait.ge @!p0 [sflag:s20], $0x80  }
0x6a: {  	s17 =	simm.s32 $0x1000;
	[sflag:s20] =	ssyncset.done @!p0 $0x0  }
0x6b: {  	s19 =	simm.s32 $0x2000;
	s18 =	sadd.s32 $0x8, s5;
	[sflag:s20] =	ssyncadd.s32 @!p0 $0xFFFFFF80  }
.LBB2_2:
0x6c: {  	p2 =	sgt.u32 s18, $0x9C3  }
0x6d: {  	_ =	swait.ge @!p0 [sflag:s20], $0x80;
	s21 =	smov.u32 s19;
	s19 =	sadd.s32 $0x1000, s19  }
0x6e: {  	s22 =	sshra.s32 @!p2 s17, $0x2;
	s23 =	simm.s32 @!p2 $0x80;
	[sflag:s20] =	ssyncset.done @!p0 $0x0  }
0x6f: {  	s24 =	simm.s32 @!p2 $0x5000;
	s25 =	sadd.s32 @!p2 $0x80, s22;
	s26 =	sadd.s32 @!p2 $0x100, s22  }
0x70: {  	p3 =	sgt.u32 @!p2 s18, $0x9BF;
	s28 =	sadd.s32 @!p2 $0x180, s22;
	[sflag:s20] =	ssyncadd.s32 @!p0 $0xFFFFFF80  }
0x71: {  	[spmem:s2] =	stream.indirect.scatter.add.f32 @!p2 [tilespmem:s24], [sflag:$0x1], $0x1, s22, s23, $0xb8;
	[tilespmem:$0x5580] =	vst v63  }
0x72: {  	p1 =	sne.s32 s19, $0x14000  }
0x73: {  	[spmem:s2] =	stream.indirect.scatter.add.f32 @!p2 [tilespmem:s24], [sflag:$0x1], $0x1, s25, s23, $0xb8;
	[tilespmem:$0x5580] =	vst v63  }
0x74: {  	p0 =	por p3, p2  }
0x75: {  	[spmem:s2] =	stream.indirect.scatter.add.f32 @!p2 [tilespmem:s24], [sflag:$0x1], $0x1, s26, s23, $0xb8;
	[tilespmem:$0x5580] =	vst v63  }
0x76: {  	s20 =	sshra.s32 @!p0 s17, $0x2;
	s22 =	simm.s32 @!p0 $0x5000;
	s17 =	smov.u32 s21  }
0x77: {  	[spmem:s2] =	stream.indirect.scatter.add.f32 @!p2 [tilespmem:s24], [sflag:$0x1], $0x1, s28, s23, $0xb8;
	[tilespmem:$0x5580] =	vst v63  }
0x78: {  	s21 =	sadd.s32 @!p0 $0x200, s20;
	s23 =	simm.s32 @!p0 $0x80;
	s24 =	sadd.s32 @!p0 $0x300, s20  }
0x79: {  	[spmem:s2] =	stream.indirect.scatter.add.f32 @!p0 [tilespmem:s22], [sflag:$0x1], $0x1, s21, s23, $0xb8;
	[tilespmem:$0x5580] =	vst v63  }
0x7a: {  	s21 =	sadd.s32 @!p0 $0x280, s20;
	s20 =	sadd.s32 @!p0 $0x380, s20  }
0x7b: {  	[spmem:s2] =	stream.indirect.scatter.add.f32 @!p0 [tilespmem:s22], [sflag:$0x1], $0x1, s21, s23, $0xb8;
	[tilespmem:$0x5580] =	vst v63  }
0x7c: {  	_ = 	snop  }
0x7d: {  	[spmem:s2] =	stream.indirect.scatter.add.f32 @!p0 [tilespmem:s22], [sflag:$0x1], $0x1, s24, s23, $0xb8;
	[tilespmem:$0x5580] =	vst v63  }
0x7e: {  	s21 =	simm.s32 @!p2 $0x1  }
0x7f: {  	[spmem:s2] =	stream.indirect.scatter.add.f32 @!p0 [tilespmem:s22], [sflag:$0x1], $0x1, s20, s23, $0xb8;
	[tilespmem:$0x5580] =	vst v63  }
0x80: {  	_ =	swait.ge @!p2 [sflag:s21], $0x80  }
0x81: {  	[sflag:s21] =	ssyncset.done @!p2 $0x0  }
0x82: {  	[sflag:s21] =	ssyncadd.s32 @!p2 $0xFFFFFF80  }
0x83: {  	_ =	swait.ge @!p2 [sflag:s21], $0x80  }
0x84: {  	[sflag:s21] =	ssyncset.done @!p2 $0x0  }
0x85: {  	[sflag:s21] =	ssyncadd.s32 @!p2 $0xFFFFFF80  }
0x86: {  	_ =	swait.ge @!p2 [sflag:s21], $0x80  }
0x87: {  	[sflag:s21] =	ssyncset.done @!p2 $0x0  }
0x88: {  	[sflag:s21] =	ssyncadd.s32 @!p2 $0xFFFFFF80  }
0x89: {  	_ =	swait.ge @!p2 [sflag:s21], $0x80  }
0x8a: {  	[sflag:s21] =	ssyncset.done @!p2 $0x0  }
0x8b: {  	s20 =	simm.s32 @!p0 $0x1;
	[sflag:s21] =	ssyncadd.s32 @!p2 $0xFFFFFF80  }
0x8c: {  	_ =	swait.ge @!p0 [sflag:s20], $0x80  }
0x8d: {  	[sflag:s20] =	ssyncset.done @!p0 $0x0  }
0x8e: {  	[sflag:s20] =	ssyncadd.s32 @!p0 $0xFFFFFF80  }
0x8f: {  	_ =	swait.ge @!p0 [sflag:s20], $0x80  }
.Ltmp0:
0x90: {  	[sflag:s20] =	ssyncset.done @!p0 $0x0;
	(pc) =	sbr.rel @p1 .LBB2_2-.Ltmp0, $4  }
0x91: {  	[sflag:s20] =	ssyncadd.s32 @!p0 $0xFFFFFF80  }
0x92: {  	_ =	swait.ge @!p0 [sflag:s20], $0x80  }
0x93: {  	[sflag:s20] =	ssyncset.done @!p0 $0x0  }
0x94: {  	s18 =	sadd.s32 $0x8, s18;
	[sflag:s20] =	ssyncadd.s32 @!p0 $0xFFFFFF80  }
0x95: {  	p1 =	sgt.u32 s18, $0x9C3;
	_ =	swait.ge @!p0 [sflag:s20], $0x80  }
0x96: {  	s19 =	sshra.s32 @!p1 s17, $0x2;
	[sflag:s20] =	ssyncset.done @!p0 $0x0  }
0x97: {  	s21 =	simm.s32 @!p1 $0x80;
	s22 =	simm.s32 @!p1 $0x5000;
	[sflag:s20] =	ssyncadd.s32 @!p0 $0xFFFFFF80  }
0x98: {  	[spmem:s2] =	stream.indirect.scatter.add.f32 @!p1 [tilespmem:s22], [sflag:$0x1], $0x1, s19, s21, $0xb8;
	[tilespmem:$0x5580] =	vst v63  }
0x99: {  	s20 =	sadd.s32 @!p1 $0x80, s19;
	p0 =	sgt.u32 @!p1 s18, $0x9BF  }
0x9a: {  	[spmem:s2] =	stream.indirect.scatter.add.f32 @!p1 [tilespmem:s22], [sflag:$0x1], $0x1, s20, s21, $0xb8;
	[tilespmem:$0x5580] =	vst v63  }
0x9b: {  	s18 =	sadd.s32 @!p1 $0x100, s19;
	p0 =	por p0, p1  }
0x9c: {  	[spmem:s2] =	stream.indirect.scatter.add.f32 @!p1 [tilespmem:s22], [sflag:$0x1], $0x1, s18, s21, $0xb8;
	[tilespmem:$0x5580] =	vst v63  }
0x9d: {  	s17 =	sshra.s32 @!p0 s17, $0x2;
	s18 =	sadd.s32 @!p1 $0x180, s19  }
0x9e: {  	[spmem:s2] =	stream.indirect.scatter.add.f32 @!p1 [tilespmem:s22], [sflag:$0x1], $0x1, s18, s21, $0xb8;
	[tilespmem:$0x5580] =	vst v63  }
0x9f: {  	s20 =	simm.s32 @!p0 $0x80;
	s19 =	sadd.s32 @!p0 $0x200, s17;
	s18 =	simm.s32 @!p0 $0x5000  }
0xa0: {  	[spmem:s2] =	stream.indirect.scatter.add.f32 @!p0 [tilespmem:s18], [sflag:$0x1], $0x1, s19, s20, $0xb8;
	[tilespmem:$0x5580] =	vst v63  }
0xa1: {  	s19 =	sadd.s32 @!p0 $0x280, s17  }
0xa2: {  	[spmem:s2] =	stream.indirect.scatter.add.f32 @!p0 [tilespmem:s18], [sflag:$0x1], $0x1, s19, s20, $0xb8;
	[tilespmem:$0x5580] =	vst v63  }
0xa3: {  	s19 =	sadd.s32 @!p0 $0x300, s17  }
0xa4: {  	[spmem:s2] =	stream.indirect.scatter.add.f32 @!p0 [tilespmem:s18], [sflag:$0x1], $0x1, s19, s20, $0xb8;
	[tilespmem:$0x5580] =	vst v63  }
0xa5: {  	s17 =	sadd.s32 @!p0 $0x380, s17;
	s19 =	simm.s32 @!p1 $0x1  }
0xa6: {  	[spmem:s2] =	stream.indirect.scatter.add.f32 @!p0 [tilespmem:s18], [sflag:$0x1], $0x1, s17, s20, $0xb8;
	[tilespmem:$0x5580] =	vst v63  }
0xa7: {  	_ =	swait.ge @!p1 [sflag:s19], $0x80  }
0xa8: {  	[sflag:s19] =	ssyncset.done @!p1 $0x0  }
0xa9: {  	[sflag:s19] =	ssyncadd.s32 @!p1 $0xFFFFFF80  }
0xaa: {  	_ =	swait.ge @!p1 [sflag:s19], $0x80  }
0xab: {  	[sflag:s19] =	ssyncset.done @!p1 $0x0  }
0xac: {  	[sflag:s19] =	ssyncadd.s32 @!p1 $0xFFFFFF80  }
0xad: {  	_ =	swait.ge @!p1 [sflag:s19], $0x80  }
0xae: {  	[sflag:s19] =	ssyncset.done @!p1 $0x0  }
0xaf: {  	[sflag:s19] =	ssyncadd.s32 @!p1 $0xFFFFFF80  }
0xb0: {  	_ =	swait.ge @!p1 [sflag:s19], $0x80  }
0xb1: {  	[sflag:s19] =	ssyncset.done @!p1 $0x0  }
0xb2: {  	s17 =	simm.s32 @!p0 $0x1;
	[sflag:s19] =	ssyncadd.s32 @!p1 $0xFFFFFF80  }
0xb3: {  	_ =	swait.ge @!p0 [sflag:s17], $0x80  }
0xb4: {  	[sflag:s17] =	ssyncset.done @!p0 $0x0  }
0xb5: {  	[sflag:s17] =	ssyncadd.s32 @!p0 $0xFFFFFF80  }
0xb6: {  	_ =	swait.ge @!p0 [sflag:s17], $0x80  }
0xb7: {  	[sflag:s17] =	ssyncset.done @!p0 $0x0  }
0xb8: {  	[sflag:s17] =	ssyncadd.s32 @!p0 $0xFFFFFF80  }
0xb9: {  	_ =	swait.ge @!p0 [sflag:s17], $0x80  }
0xba: {  	[sflag:s17] =	ssyncset.done @!p0 $0x0  }
0xbb: {  	[sflag:s17] =	ssyncadd.s32 @!p0 $0xFFFFFF80  }
0xbc: {  	_ =	swait.ge @!p0 [sflag:s17], $0x80  }
0xbd: {  	s16 =	sadd.s32 $0x1, s16;
	[sflag:s17] =	ssyncset.done @!p0 $0x0  }
0xbe: {  	[sflag:s17] =	ssyncadd.s32 @!p0 $0xFFFFFF80;
	p0 =	sne.s32 s16, s8  }
.Ltmp1:
0xbf: {  	[bflag:$0x0] =	sbarrier.arrive $0xFFFF;
	(pc) =	sbr.rel @p0 .LBB2_1-.Ltmp1, $4  }
0xc0: {  	[hbm:s7@s14], [sflag:s11] =	dma.strided [spmem:s12@s15], $0x50, s13, $0x10   }
0xc1: {  	_ =	swait.ge [sflag:s10], $0x50  }
0xc2: {  	[sflag:s10] =	ssyncset.done $0x0  }
0xc3: {  	[sflag:s10] =	ssyncadd.s32 $0xFFFFFFB0  }
0xc4: {  	_ =	sfence.sel $0x180000  }
0xc5: {  	[bflag:$0x0] =	sbarrier.arrive $0xFFFF  }
0xc6: {  	p0 =	sne.s32 s1, $0x0;
	_ =	strace $0x90000047  }
0xc7: {  	s0 =	sadd.s32 @!p0 $0x100000, s0;
	[bflag:$0x2] =	sbarrier.arrive $0xFFFF  }
0xc8: {  	[sflag:s0] =	ssyncadd.tile.s32 @!p0 $0x1;
	_ =	shalt  }
.Lfunc_end2:
_tile_overlayer_lowered:
.L_overlay_start_2:
0xc9: {  	(tag) =	ssettag $0x2  }
0xca: {  	s0 =	rddreg [dreg:$0x0];
	s2 =	stileid.u32  }
0xcb: {  	s1 =	rddreg [dreg:$0x1];
	p0 =	sne.s32 s2, $0x0  }
0xcc: {  	s3 =	rddreg [dreg:$0x2];
	[bflag:$0x3] =	sbarrier.arrive $0xFFFF;
	s2 =	simm.s32 @!p0 $0x1C02  }
0xcd: {  	[timem:s3], [sflag:s2] =	dma.local @!p0 [hbm:s0], s1  }
0xce: {  	s0 =	simm.s32 @!p0 $0x2  }
0xcf: {  	_ =	swait.ge @!p0 [sflag:s0], s1  }
0xd0: {  	s1 =	ssub.s32 @!p0 $0x0, s1;
	[sflag:s0] =	ssyncset.done @!p0 $0x0  }
0xd1: {  	[sflag:s0] =	ssyncadd.s32 @!p0 s1  }
0xd2: {  	[bflag:$0x3] =	sbarrier.arrive $0xFFFF  }
0xd3: {  	_ =	shalt  }

</sc_bundles>
